<compile_context>
chip_gen: v7x
topology: tpu7x:2x2x1
jax: 0.10.2.dev20260603
libtpu: 0.0.44.dev20260713+nightly
codegen_flags: <defaults>
</compile_context>

<pallas_src>
import functools

import jax
import jax.numpy as jnp
from jax import lax
from jax.experimental import pallas as pl
from jax.experimental.pallas import tpu as pltpu
from jax.experimental.pallas import tpu_sc as plsc

_D = 128
_K = 4
_NBUF = 4
_PF = 2


@functools.lru_cache(maxsize=None)
def _make_gather(nw, nc, phase_base, bp, hist):
    b_per_w = bp // nw
    n_grp = b_per_w // _K
    mesh = plsc.VectorSubcoreMesh(core_axis_name="c", subcore_axis_name="s")

    @functools.partial(
        pl.kernel,
        mesh=mesh,
        out_type=jax.ShapeDtypeStruct((bp, hist, _D), jnp.float32),
        scratch_types=[
            pltpu.VMEM((b_per_w, hist), jnp.int32),
            pltpu.VMEM((_NBUF, _K, hist, _D), jnp.float32),
        ]
        + [pltpu.SemaphoreType.DMA] * (2 * _NBUF),
    )
    def k(idx_hbm, table_hbm, out_hbm, idx_v, rows_v, *sems):
        gsem, ssem = sems[:_NBUF], sems[_NBUF:]
        wid = lax.axis_index("s") * nc + lax.axis_index("c")
        bat0 = wid * b_per_w

        def start_gather(c, b):
            for j in range(_K):
                pltpu.async_copy(
                    table_hbm.at[idx_v.at[c * _K + j]],
                    rows_v.at[b, j],
                    gsem[b],
                )

        def wait_gather(b):
            for j in range(_K):
                pltpu.make_async_copy(
                    table_hbm.at[idx_v.at[0]], rows_v.at[b, j], gsem[b]
                ).wait()

        def start_store(c, b):
            pltpu.async_copy(
                rows_v.at[b],
                out_hbm.at[pl.ds(bat0 + c * _K, _K)],
                ssem[b],
            )

        def wait_store(b):
            pltpu.make_async_copy(
                rows_v.at[b],
                out_hbm.at[pl.ds(bat0, _K)],
                ssem[b],
            ).wait()

        pltpu.sync_copy(idx_hbm.at[pl.ds(phase_base + bat0, b_per_w)], idx_v)

        for c in range(_PF):
            start_gather(c, c % _NBUF)

        def consume(c, b, prime, store_wait):
            if prime:
                bp = (b + _PF) % _NBUF
                if store_wait:
                    wait_store(bp)
                start_gather(c + _PF, bp)
            wait_gather(b)
            start_store(c, b)

        for c in range(_NBUF):
            consume(c, c % _NBUF, prime=True, store_wait=(c + _PF >= _NBUF))

        n_outer = n_grp // _NBUF

        def outer(g, carry):
            for b in range(_NBUF):
                consume(g * _NBUF + b, b, prime=True, store_wait=True)
            return carry

        lax.fori_loop(1, n_outer - 1, outer, 0)

        for c in range(n_grp - _NBUF, n_grp):
            consume(c, c % _NBUF, prime=(c + _PF < n_grp), store_wait=True)

        for b in range(_NBUF):
            wait_store(b)

    return k


def kernel(x, table):
    batch, hist = x.shape
    info = plsc.get_sparse_core_info()
    nc, ns = info.num_cores, info.num_subcores
    nw = nc * ns
    assert batch % (nw * _K * _NBUF) == 0
    return _make_gather(nw, nc, 0, batch, hist)(x.astype(jnp.int32), table)

# --- scband reference (transcript-rebuilt; emitter-appended) ---
"""Pipeline reference for scband-glove-embedding-32478542692627 (READ-ONLY COPY).

The authoritative reference and input builder live on the scoring server;
editing this copy changes nothing except your own understanding.
"""

import jax, jax.numpy as jnp
import numpy as np

VOCAB = 100000
EMBED_DIM = 128
BATCH = 4096
HIST = 50

def setup_inputs(seed: int = 0) -> dict:
    key = jax.random.key(seed)
    k_idx, k_tab = jax.random.split(key)
    x = jax.random.randint(k_idx, (BATCH, HIST), 0, VOCAB, dtype=jnp.int64 if jax.config.jax_enable_x64 else jnp.int32)
    table = jax.random.normal(k_tab, (VOCAB, EMBED_DIM), dtype=jnp.float32)
    return {"x": x, "table": table}

def reference(x, table):
    # GloveEmbedding.forward: a plain embedding lookup into a pretrained table
    return jnp.take(table, x, axis=0)

if __name__ == "__main__":
    import jax
    _d = setup_inputs()
    print(jax.jit(kernel)(*tuple(_d.values())))

</pallas_src>

<mosaic_0001>
#map = affine_map<(d0, d1) -> (0, 0)>
#map1 = affine_map<(d0, d1) -> (0, 0, 0)>
module attributes {stable_mosaic.version = 14 : i64} {
  func.func @k(%arg0: i32, %arg1: i32, %arg2: memref<4096x50xi32, #tpu.memory_space<hbm>>, %arg3: memref<100000x128xf32, #tpu.memory_space<hbm>>, %arg4: memref<4096x50x128xf32, #tpu.memory_space<hbm>>, %arg5: memref<128x50xi32, #tpu.memory_space<vmem>>, %arg6: memref<4x4x50x128xf32, #tpu.memory_space<vmem>>, %arg7: memref<!tpu.dma_semaphore, #tpu.memory_space<semaphore_mem>>, %arg8: memref<!tpu.dma_semaphore, #tpu.memory_space<semaphore_mem>>, %arg9: memref<!tpu.dma_semaphore, #tpu.memory_space<semaphore_mem>>, %arg10: memref<!tpu.dma_semaphore, #tpu.memory_space<semaphore_mem>>, %arg11: memref<!tpu.dma_semaphore, #tpu.memory_space<semaphore_mem>>, %arg12: memref<!tpu.dma_semaphore, #tpu.memory_space<semaphore_mem>>, %arg13: memref<!tpu.dma_semaphore, #tpu.memory_space<semaphore_mem>>, %arg14: memref<!tpu.dma_semaphore, #tpu.memory_space<semaphore_mem>>) attributes {dimension_semantics = [#tpu.dimension_semantics<core_parallel>, #tpu.dimension_semantics<subcore_parallel>], iteration_bounds = array<i64: 2, 16>, scalar_prefetch = 0 : i64, scratch_operands = 10 : i64, tpu.core_type = #tpu.core_type<sc_vector_subcore>, window_params = [{transform_indices = #map}, {transform_indices = #map}, {transform_indices = #map1}]} {
    %mul3A = arith.constant 2 : i32
    %mul3A_0 = arith.muli %arg1, %mul3A : i32
    %add3A = arith.addi %mul3A_0, %arg0 : i32
    %mul3A_1 = arith.constant 128 : i32
    %mul3A_2 = arith.muli %add3A, %mul3A_1 : i32
    %add3A_3 = arith.constant 0 : i32
    %add3A_4 = arith.addi %add3A_3, %mul3A_2 : i32
    "tpu.region"() ({
      %run_scoped3A = tpu.sem_alloc : memref<!tpu.dma_semaphore, #tpu.memory_space<semaphore_mem>>
      %dma_start3A_1128 = arith.constant 0 : i32
      %dma_start3A_1129 = tpu.memref_slice %arg2[%add3A_4, %dma_start3A_1128] : memref<4096x50xi32, #tpu.memory_space<hbm>> -> memref<128x50xi32, #tpu.memory_space<hbm>>
      %dma_start3A_1130 = arith.constant 0 : i32
      %dma_start3A_1131 = tpu.memref_slice %arg2[%add3A_4, %dma_start3A_1130] : memref<4096x50xi32, #tpu.memory_space<hbm>> -> memref<128x50xi32, #tpu.memory_space<hbm>>
      tpu.enqueue_dma source(%dma_start3A_1131 : memref<128x50xi32, #tpu.memory_space<hbm>>) target(%arg5 : memref<128x50xi32, #tpu.memory_space<vmem>>) target_semaphore(%run_scoped3A : memref<!tpu.dma_semaphore, #tpu.memory_space<semaphore_mem>>)
      %dma_wait3A_1132 = arith.constant 0 : i32
      %dma_wait3A_1133 = tpu.memref_slice %arg2[%add3A_4, %dma_wait3A_1132] : memref<4096x50xi32, #tpu.memory_space<hbm>> -> memref<128x50xi32, #tpu.memory_space<hbm>>
      %dma_wait3A_1134 = arith.constant 0 : i32
      %dma_wait3A_1135 = tpu.memref_slice %arg2[%add3A_4, %dma_wait3A_1134] : memref<4096x50xi32, #tpu.memory_space<hbm>> -> memref<128x50xi32, #tpu.memory_space<hbm>>
      tpu.wait_dma2 semaphore(%run_scoped3A : memref<!tpu.dma_semaphore, #tpu.memory_space<semaphore_mem>>) src(%dma_wait3A_1135 : memref<128x50xi32, #tpu.memory_space<hbm>>) dst(%arg5 : memref<128x50xi32, #tpu.memory_space<vmem>>)
      tpu.yield
    }) : () -> ()
    %dma_start3A = arith.constant 0 : i32
    %dma_start3A_5 = arith.constant 0 : i32
    %dma_start3A_6 = arith.constant 0 : i32
    %dma_start3A_7 = arith.constant 0 : i32
    %dma_start3A_8 = arith.constant 0 : i32
    %dma_start3A_9 = tpu.memref_slice %arg6[%dma_start3A_5, %dma_start3A_6, %dma_start3A_7, %dma_start3A_8] : memref<4x4x50x128xf32, #tpu.memory_space<vmem>> -> memref<1x1x50x128xf32, #tpu.memory_space<vmem>>
    %dma_start3A_10 = tpu.memref_squeeze %dma_start3A_9 : memref<1x1x50x128xf32, #tpu.memory_space<vmem>> -> memref<50x128xf32, #tpu.memory_space<vmem>>
    %dma_start3A_11 = arith.constant 0 : i32
    %dma_start3A_12 = tpu.memref_slice %arg5[%dma_start3A, %dma_start3A_11] : memref<128x50xi32, #tpu.memory_space<vmem>> -> memref<1x50xi32, #tpu.memory_space<vmem>>
    %dma_start3A_13 = tpu.memref_squeeze %dma_start3A_12 : memref<1x50xi32, #tpu.memory_space<vmem>> -> memref<50xi32, #tpu.memory_space<vmem>>
    %dma_start3A_14 = arith.constant 0 : i32
    %dma_start3A_15 = arith.constant 0 : i32
    %dma_start3A_16 = tpu.memref_slice %arg3[%dma_start3A_14, %dma_start3A_15] : memref<100000x128xf32, #tpu.memory_space<hbm>> -> memref<100000x128xf32, #tpu.memory_space<hbm>>
    tpu.enqueue_indirect_dma source(%dma_start3A_16 : memref<100000x128xf32, #tpu.memory_space<hbm>>) target(%dma_start3A_10 : memref<50x128xf32, #tpu.memory_space<vmem>>) offsets(%dma_start3A_13 : memref<50xi32, #tpu.memory_space<vmem>>) semaphore(%arg7 : memref<!tpu.dma_semaphore, #tpu.memory_space<semaphore_mem>>)
    %dma_start3A_17 = arith.constant 1 : i32
    %dma_start3A_18 = arith.constant 0 : i32
    %dma_start3A_19 = arith.constant 1 : i32
    %dma_start3A_20 = arith.constant 0 : i32
    %dma_start3A_21 = arith.constant 0 : i32
    %dma_start3A_22 = tpu.memref_slice %arg6[%dma_start3A_18, %dma_start3A_19, %dma_start3A_20, %dma_start3A_21] : memref<4x4x50x128xf32, #tpu.memory_space<vmem>> -> memref<1x1x50x128xf32, #tpu.memory_space<vmem>>
    %dma_start3A_23 = tpu.memref_squeeze %dma_start3A_22 : memref<1x1x50x128xf32, #tpu.memory_space<vmem>> -> memref<50x128xf32, #tpu.memory_space<vmem>>
    %dma_start3A_24 = arith.constant 0 : i32
    %dma_start3A_25 = tpu.memref_slice %arg5[%dma_start3A_17, %dma_start3A_24] : memref<128x50xi32, #tpu.memory_space<vmem>> -> memref<1x50xi32, #tpu.memory_space<vmem>>
    %dma_start3A_26 = tpu.memref_squeeze %dma_start3A_25 : memref<1x50xi32, #tpu.memory_space<vmem>> -> memref<50xi32, #tpu.memory_space<vmem>>
    %dma_start3A_27 = arith.constant 0 : i32
    %dma_start3A_28 = arith.constant 0 : i32
    %dma_start3A_29 = tpu.memref_slice %arg3[%dma_start3A_27, %dma_start3A_28] : memref<100000x128xf32, #tpu.memory_space<hbm>> -> memref<100000x128xf32, #tpu.memory_space<hbm>>
    tpu.enqueue_indirect_dma source(%dma_start3A_29 : memref<100000x128xf32, #tpu.memory_space<hbm>>) target(%dma_start3A_23 : memref<50x128xf32, #tpu.memory_space<vmem>>) offsets(%dma_start3A_26 : memref<50xi32, #tpu.memory_space<vmem>>) semaphore(%arg7 : memref<!tpu.dma_semaphore, #tpu.memory_space<semaphore_mem>>)
    %dma_start3A_30 = arith.constant 2 : i32
    %dma_start3A_31 = arith.constant 0 : i32
    %dma_start3A_32 = arith.constant 2 : i32
    %dma_start3A_33 = arith.constant 0 : i32
    %dma_start3A_34 = arith.constant 0 : i32
    %dma_start3A_35 = tpu.memref_slice %arg6[%dma_start3A_31, %dma_start3A_32, %dma_start3A_33, %dma_start3A_34] : memref<4x4x50x128xf32, #tpu.memory_space<vmem>> -> memref<1x1x50x128xf32, #tpu.memory_space<vmem>>
    %dma_start3A_36 = tpu.memref_squeeze %dma_start3A_35 : memref<1x1x50x128xf32, #tpu.memory_space<vmem>> -> memref<50x128xf32, #tpu.memory_space<vmem>>
    %dma_start3A_37 = arith.constant 0 : i32
    %dma_start3A_38 = tpu.memref_slice %arg5[%dma_start3A_30, %dma_start3A_37] : memref<128x50xi32, #tpu.memory_space<vmem>> -> memref<1x50xi32, #tpu.memory_space<vmem>>
    %dma_start3A_39 = tpu.memref_squeeze %dma_start3A_38 : memref<1x50xi32, #tpu.memory_space<vmem>> -> memref<50xi32, #tpu.memory_space<vmem>>
    %dma_start3A_40 = arith.constant 0 : i32
    %dma_start3A_41 = arith.constant 0 : i32
    %dma_start3A_42 = tpu.memref_slice %arg3[%dma_start3A_40, %dma_start3A_41] : memref<100000x128xf32, #tpu.memory_space<hbm>> -> memref<100000x128xf32, #tpu.memory_space<hbm>>
    tpu.enqueue_indirect_dma source(%dma_start3A_42 : memref<100000x128xf32, #tpu.memory_space<hbm>>) target(%dma_start3A_36 : memref<50x128xf32, #tpu.memory_space<vmem>>) offsets(%dma_start3A_39 : memref<50xi32, #tpu.memory_space<vmem>>) semaphore(%arg7 : memref<!tpu.dma_semaphore, #tpu.memory_space<semaphore_mem>>)
    %dma_start3A_43 = arith.constant 3 : i32
    %dma_start3A_44 = arith.constant 0 : i32
    %dma_start3A_45 = arith.constant 3 : i32
    %dma_start3A_46 = arith.constant 0 : i32
    %dma_start3A_47 = arith.constant 0 : i32
    %dma_start3A_48 = tpu.memref_slice %arg6[%dma_start3A_44, %dma_start3A_45, %dma_start3A_46, %dma_start3A_47] : memref<4x4x50x128xf32, #tpu.memory_space<vmem>> -> memref<1x1x50x128xf32, #tpu.memory_space<vmem>>
    %dma_start3A_49 = tpu.memref_squeeze %dma_start3A_48 : memref<1x1x50x128xf32, #tpu.memory_space<vmem>> -> memref<50x128xf32, #tpu.memory_space<vmem>>
    %dma_start3A_50 = arith.constant 0 : i32
    %dma_start3A_51 = tpu.memref_slice %arg5[%dma_start3A_43, %dma_start3A_50] : memref<128x50xi32, #tpu.memory_space<vmem>> -> memref<1x50xi32, #tpu.memory_space<vmem>>
    %dma_start3A_52 = tpu.memref_squeeze %dma_start3A_51 : memref<1x50xi32, #tpu.memory_space<vmem>> -> memref<50xi32, #tpu.memory_space<vmem>>
    %dma_start3A_53 = arith.constant 0 : i32
    %dma_start3A_54 = arith.constant 0 : i32
    %dma_start3A_55 = tpu.memref_slice %arg3[%dma_start3A_53, %dma_start3A_54] : memref<100000x128xf32, #tpu.memory_space<hbm>> -> memref<100000x128xf32, #tpu.memory_space<hbm>>
    tpu.enqueue_indirect_dma source(%dma_start3A_55 : memref<100000x128xf32, #tpu.memory_space<hbm>>) target(%dma_start3A_49 : memref<50x128xf32, #tpu.memory_space<vmem>>) offsets(%dma_start3A_52 : memref<50xi32, #tpu.memory_space<vmem>>) semaphore(%arg7 : memref<!tpu.dma_semaphore, #tpu.memory_space<semaphore_mem>>)
    %dma_start3A_56 = arith.constant 4 : i32
    %dma_start3A_57 = arith.constant 1 : i32
    %dma_start3A_58 = arith.constant 0 : i32
    %dma_start3A_59 = arith.constant 0 : i32
    %dma_start3A_60 = arith.constant 0 : i32
    %dma_start3A_61 = tpu.memref_slice %arg6[%dma_start3A_57, %dma_start3A_58, %dma_start3A_59, %dma_start3A_60] : memref<4x4x50x128xf32, #tpu.memory_space<vmem>> -> memref<1x1x50x128xf32, #tpu.memory_space<vmem>>
    %dma_start3A_62 = tpu.memref_squeeze %dma_start3A_61 : memref<1x1x50x128xf32, #tpu.memory_space<vmem>> -> memref<50x128xf32, #tpu.memory_space<vmem>>
    %dma_start3A_63 = arith.constant 0 : i32
    %dma_start3A_64 = tpu.memref_slice %arg5[%dma_start3A_56, %dma_start3A_63] : memref<128x50xi32, #tpu.memory_space<vmem>> -> memref<1x50xi32, #tpu.memory_space<vmem>>
    %dma_start3A_65 = tpu.memref_squeeze %dma_start3A_64 : memref<1x50xi32, #tpu.memory_space<vmem>> -> memref<50xi32, #tpu.memory_space<vmem>>
    %dma_start3A_66 = arith.constant 0 : i32
    %dma_start3A_67 = arith.constant 0 : i32
    %dma_start3A_68 = tpu.memref_slice %arg3[%dma_start3A_66, %dma_start3A_67] : memref<100000x128xf32, #tpu.memory_space<hbm>> -> memref<100000x128xf32, #tpu.memory_space<hbm>>
    tpu.enqueue_indirect_dma source(%dma_start3A_68 : memref<100000x128xf32, #tpu.memory_space<hbm>>) target(%dma_start3A_62 : memref<50x128xf32, #tpu.memory_space<vmem>>) offsets(%dma_start3A_65 : memref<50xi32, #tpu.memory_space<vmem>>) semaphore(%arg8 : memref<!tpu.dma_semaphore, #tpu.memory_space<semaphore_mem>>)
    %dma_start3A_69 = arith.constant 5 : i32
    %dma_start3A_70 = arith.constant 1 : i32
    %dma_start3A_71 = arith.constant 1 : i32
    %dma_start3A_72 = arith.constant 0 : i32
    %dma_start3A_73 = arith.constant 0 : i32
    %dma_start3A_74 = tpu.memref_slice %arg6[%dma_start3A_70, %dma_start3A_71, %dma_start3A_72, %dma_start3A_73] : memref<4x4x50x128xf32, #tpu.memory_space<vmem>> -> memref<1x1x50x128xf32, #tpu.memory_space<vmem>>
    %dma_start3A_75 = tpu.memref_squeeze %dma_start3A_74 : memref<1x1x50x128xf32, #tpu.memory_space<vmem>> -> memref<50x128xf32, #tpu.memory_space<vmem>>
    %dma_start3A_76 = arith.constant 0 : i32
    %dma_start3A_77 = tpu.memref_slice %arg5[%dma_start3A_69, %dma_start3A_76] : memref<128x50xi32, #tpu.memory_space<vmem>> -> memref<1x50xi32, #tpu.memory_space<vmem>>
    %dma_start3A_78 = tpu.memref_squeeze %dma_start3A_77 : memref<1x50xi32, #tpu.memory_space<vmem>> -> memref<50xi32, #tpu.memory_space<vmem>>
    %dma_start3A_79 = arith.constant 0 : i32
    %dma_start3A_80 = arith.constant 0 : i32
    %dma_start3A_81 = tpu.memref_slice %arg3[%dma_start3A_79, %dma_start3A_80] : memref<100000x128xf32, #tpu.memory_space<hbm>> -> memref<100000x128xf32, #tpu.memory_space<hbm>>
    tpu.enqueue_indirect_dma source(%dma_start3A_81 : memref<100000x128xf32, #tpu.memory_space<hbm>>) target(%dma_start3A_75 : memref<50x128xf32, #tpu.memory_space<vmem>>) offsets(%dma_start3A_78 : memref<50xi32, #tpu.memory_space<vmem>>) semaphore(%arg8 : memref<!tpu.dma_semaphore, #tpu.memory_space<semaphore_mem>>)
    %dma_start3A_82 = arith.constant 6 : i32
    %dma_start3A_83 = arith.constant 1 : i32
    %dma_start3A_84 = arith.constant 2 : i32
    %dma_start3A_85 = arith.constant 0 : i32
    %dma_start3A_86 = arith.constant 0 : i32
    %dma_start3A_87 = tpu.memref_slice %arg6[%dma_start3A_83, %dma_start3A_84, %dma_start3A_85, %dma_start3A_86] : memref<4x4x50x128xf32, #tpu.memory_space<vmem>> -> memref<1x1x50x128xf32, #tpu.memory_space<vmem>>
    %dma_start3A_88 = tpu.memref_squeeze %dma_start3A_87 : memref<1x1x50x128xf32, #tpu.memory_space<vmem>> -> memref<50x128xf32, #tpu.memory_space<vmem>>
    %dma_start3A_89 = arith.constant 0 : i32
    %dma_start3A_90 = tpu.memref_slice %arg5[%dma_start3A_82, %dma_start3A_89] : memref<128x50xi32, #tpu.memory_space<vmem>> -> memref<1x50xi32, #tpu.memory_space<vmem>>
    %dma_start3A_91 = tpu.memref_squeeze %dma_start3A_90 : memref<1x50xi32, #tpu.memory_space<vmem>> -> memref<50xi32, #tpu.memory_space<vmem>>
    %dma_start3A_92 = arith.constant 0 : i32
    %dma_start3A_93 = arith.constant 0 : i32
    %dma_start3A_94 = tpu.memref_slice %arg3[%dma_start3A_92, %dma_start3A_93] : memref<100000x128xf32, #tpu.memory_space<hbm>> -> memref<100000x128xf32, #tpu.memory_space<hbm>>
    tpu.enqueue_indirect_dma source(%dma_start3A_94 : memref<100000x128xf32, #tpu.memory_space<hbm>>) target(%dma_start3A_88 : memref<50x128xf32, #tpu.memory_space<vmem>>) offsets(%dma_start3A_91 : memref<50xi32, #tpu.memory_space<vmem>>) semaphore(%arg8 : memref<!tpu.dma_semaphore, #tpu.memory_space<semaphore_mem>>)
    %dma_start3A_95 = arith.constant 7 : i32
    %dma_start3A_96 = arith.constant 1 : i32
    %dma_start3A_97 = arith.constant 3 : i32
    %dma_start3A_98 = arith.constant 0 : i32
    %dma_start3A_99 = arith.constant 0 : i32
    %dma_start3A_100 = tpu.memref_slice %arg6[%dma_start3A_96, %dma_start3A_97, %dma_start3A_98, %dma_start3A_99] : memref<4x4x50x128xf32, #tpu.memory_space<vmem>> -> memref<1x1x50x128xf32, #tpu.memory_space<vmem>>
    %dma_start3A_101 = tpu.memref_squeeze %dma_start3A_100 : memref<1x1x50x128xf32, #tpu.memory_space<vmem>> -> memref<50x128xf32, #tpu.memory_space<vmem>>
    %dma_start3A_102 = arith.constant 0 : i32
    %dma_start3A_103 = tpu.memref_slice %arg5[%dma_start3A_95, %dma_start3A_102] : memref<128x50xi32, #tpu.memory_space<vmem>> -> memref<1x50xi32, #tpu.memory_space<vmem>>
    %dma_start3A_104 = tpu.memref_squeeze %dma_start3A_103 : memref<1x50xi32, #tpu.memory_space<vmem>> -> memref<50xi32, #tpu.memory_space<vmem>>
    %dma_start3A_105 = arith.constant 0 : i32
    %dma_start3A_106 = arith.constant 0 : i32
    %dma_start3A_107 = tpu.memref_slice %arg3[%dma_start3A_105, %dma_start3A_106] : memref<100000x128xf32, #tpu.memory_space<hbm>> -> memref<100000x128xf32, #tpu.memory_space<hbm>>
    tpu.enqueue_indirect_dma source(%dma_start3A_107 : memref<100000x128xf32, #tpu.memory_space<hbm>>) target(%dma_start3A_101 : memref<50x128xf32, #tpu.memory_space<vmem>>) offsets(%dma_start3A_104 : memref<50xi32, #tpu.memory_space<vmem>>) semaphore(%arg8 : memref<!tpu.dma_semaphore, #tpu.memory_space<semaphore_mem>>)
    %dma_start3A_108 = arith.constant 8 : i32
    %dma_start3A_109 = arith.constant 2 : i32
    %dma_start3A_110 = arith.constant 0 : i32
    %dma_start3A_111 = arith.constant 0 : i32
    %dma_start3A_112 = arith.constant 0 : i32
    %dma_start3A_113 = tpu.memref_slice %arg6[%dma_start3A_109, %dma_start3A_110, %dma_start3A_111, %dma_start3A_112] : memref<4x4x50x128xf32, #tpu.memory_space<vmem>> -> memref<1x1x50x128xf32, #tpu.memory_space<vmem>>
    %dma_start3A_114 = tpu.memref_squeeze %dma_start3A_113 : memref<1x1x50x128xf32, #tpu.memory_space<vmem>> -> memref<50x128xf32, #tpu.memory_space<vmem>>
    %dma_start3A_115 = arith.constant 0 : i32
    %dma_start3A_116 = tpu.memref_slice %arg5[%dma_start3A_108, %dma_start3A_115] : memref<128x50xi32, #tpu.memory_space<vmem>> -> memref<1x50xi32, #tpu.memory_space<vmem>>
    %dma_start3A_117 = tpu.memref_squeeze %dma_start3A_116 : memref<1x50xi32, #tpu.memory_space<vmem>> -> memref<50xi32, #tpu.memory_space<vmem>>
    %dma_start3A_118 = arith.constant 0 : i32
    %dma_start3A_119 = arith.constant 0 : i32
    %dma_start3A_120 = tpu.memref_slice %arg3[%dma_start3A_118, %dma_start3A_119] : memref<100000x128xf32, #tpu.memory_space<hbm>> -> memref<100000x128xf32, #tpu.memory_space<hbm>>
    tpu.enqueue_indirect_dma source(%dma_start3A_120 : memref<100000x128xf32, #tpu.memory_space<hbm>>) target(%dma_start3A_114 : memref<50x128xf32, #tpu.memory_space<vmem>>) offsets(%dma_start3A_117 : memref<50xi32, #tpu.memory_space<vmem>>) semaphore(%arg9 : memref<!tpu.dma_semaphore, #tpu.memory_space<semaphore_mem>>)
    %dma_start3A_121 = arith.constant 9 : i32
    %dma_start3A_122 = arith.constant 2 : i32
    %dma_start3A_123 = arith.constant 1 : i32
    %dma_start3A_124 = arith.constant 0 : i32
    %dma_start3A_125 = arith.constant 0 : i32
    %dma_start3A_126 = tpu.memref_slice %arg6[%dma_start3A_122, %dma_start3A_123, %dma_start3A_124, %dma_start3A_125] : memref<4x4x50x128xf32, #tpu.memory_space<vmem>> -> memref<1x1x50x128xf32, #tpu.memory_space<vmem>>
    %dma_start3A_127 = tpu.memref_squeeze %dma_start3A_126 : memref<1x1x50x128xf32, #tpu.memory_space<vmem>> -> memref<50x128xf32, #tpu.memory_space<vmem>>
    %dma_start3A_128 = arith.constant 0 : i32
    %dma_start3A_129 = tpu.memref_slice %arg5[%dma_start3A_121, %dma_start3A_128] : memref<128x50xi32, #tpu.memory_space<vmem>> -> memref<1x50xi32, #tpu.memory_space<vmem>>
    %dma_start3A_130 = tpu.memref_squeeze %dma_start3A_129 : memref<1x50xi32, #tpu.memory_space<vmem>> -> memref<50xi32, #tpu.memory_space<vmem>>
    %dma_start3A_131 = arith.constant 0 : i32
    %dma_start3A_132 = arith.constant 0 : i32
    %dma_start3A_133 = tpu.memref_slice %arg3[%dma_start3A_131, %dma_start3A_132] : memref<100000x128xf32, #tpu.memory_space<hbm>> -> memref<100000x128xf32, #tpu.memory_space<hbm>>
    tpu.enqueue_indirect_dma source(%dma_start3A_133 : memref<100000x128xf32, #tpu.memory_space<hbm>>) target(%dma_start3A_127 : memref<50x128xf32, #tpu.memory_space<vmem>>) offsets(%dma_start3A_130 : memref<50xi32, #tpu.memory_space<vmem>>) semaphore(%arg9 : memref<!tpu.dma_semaphore, #tpu.memory_space<semaphore_mem>>)
    %dma_start3A_134 = arith.constant 10 : i32
    %dma_start3A_135 = arith.constant 2 : i32
    %dma_start3A_136 = arith.constant 2 : i32
    %dma_start3A_137 = arith.constant 0 : i32
    %dma_start3A_138 = arith.constant 0 : i32
    %dma_start3A_139 = tpu.memref_slice %arg6[%dma_start3A_135, %dma_start3A_136, %dma_start3A_137, %dma_start3A_138] : memref<4x4x50x128xf32, #tpu.memory_space<vmem>> -> memref<1x1x50x128xf32, #tpu.memory_space<vmem>>
    %dma_start3A_140 = tpu.memref_squeeze %dma_start3A_139 : memref<1x1x50x128xf32, #tpu.memory_space<vmem>> -> memref<50x128xf32, #tpu.memory_space<vmem>>
    %dma_start3A_141 = arith.constant 0 : i32
    %dma_start3A_142 = tpu.memref_slice %arg5[%dma_start3A_134, %dma_start3A_141] : memref<128x50xi32, #tpu.memory_space<vmem>> -> memref<1x50xi32, #tpu.memory_space<vmem>>
    %dma_start3A_143 = tpu.memref_squeeze %dma_start3A_142 : memref<1x50xi32, #tpu.memory_space<vmem>> -> memref<50xi32, #tpu.memory_space<vmem>>
    %dma_start3A_144 = arith.constant 0 : i32
    %dma_start3A_145 = arith.constant 0 : i32
    %dma_start3A_146 = tpu.memref_slice %arg3[%dma_start3A_144, %dma_start3A_145] : memref<100000x128xf32, #tpu.memory_space<hbm>> -> memref<100000x128xf32, #tpu.memory_space<hbm>>
    tpu.enqueue_indirect_dma source(%dma_start3A_146 : memref<100000x128xf32, #tpu.memory_space<hbm>>) target(%dma_start3A_140 : memref<50x128xf32, #tpu.memory_space<vmem>>) offsets(%dma_start3A_143 : memref<50xi32, #tpu.memory_space<vmem>>) semaphore(%arg9 : memref<!tpu.dma_semaphore, #tpu.memory_space<semaphore_mem>>)
    %dma_start3A_147 = arith.constant 11 : i32
    %dma_start3A_148 = arith.constant 2 : i32
    %dma_start3A_149 = arith.constant 3 : i32
    %dma_start3A_150 = arith.constant 0 : i32
    %dma_start3A_151 = arith.constant 0 : i32
    %dma_start3A_152 = tpu.memref_slice %arg6[%dma_start3A_148, %dma_start3A_149, %dma_start3A_150, %dma_start3A_151] : memref<4x4x50x128xf32, #tpu.memory_space<vmem>> -> memref<1x1x50x128xf32, #tpu.memory_space<vmem>>
    %dma_start3A_153 = tpu.memref_squeeze %dma_start3A_152 : memref<1x1x50x128xf32, #tpu.memory_space<vmem>> -> memref<50x128xf32, #tpu.memory_space<vmem>>
    %dma_start3A_154 = arith.constant 0 : i32
    %dma_start3A_155 = tpu.memref_slice %arg5[%dma_start3A_147, %dma_start3A_154] : memref<128x50xi32, #tpu.memory_space<vmem>> -> memref<1x50xi32, #tpu.memory_space<vmem>>
    %dma_start3A_156 = tpu.memref_squeeze %dma_start3A_155 : memref<1x50xi32, #tpu.memory_space<vmem>> -> memref<50xi32, #tpu.memory_space<vmem>>
    %dma_start3A_157 = arith.constant 0 : i32
    %dma_start3A_158 = arith.constant 0 : i32
    %dma_start3A_159 = tpu.memref_slice %arg3[%dma_start3A_157, %dma_start3A_158] : memref<100000x128xf32, #tpu.memory_space<hbm>> -> memref<100000x128xf32, #tpu.memory_space<hbm>>
    tpu.enqueue_indirect_dma source(%dma_start3A_159 : memref<100000x128xf32, #tpu.memory_space<hbm>>) target(%dma_start3A_153 : memref<50x128xf32, #tpu.memory_space<vmem>>) offsets(%dma_start3A_156 : memref<50xi32, #tpu.memory_space<vmem>>) semaphore(%arg9 : memref<!tpu.dma_semaphore, #tpu.memory_space<semaphore_mem>>)
    %dma_wait3A = arith.constant 0 : i32
    %dma_wait3A_160 = arith.constant 0 : i32
    %dma_wait3A_161 = arith.constant 0 : i32
    %dma_wait3A_162 = arith.constant 0 : i32
    %dma_wait3A_163 = arith.constant 0 : i32
    %dma_wait3A_164 = tpu.memref_slice %arg6[%dma_wait3A_160, %dma_wait3A_161, %dma_wait3A_162, %dma_wait3A_163] : memref<4x4x50x128xf32, #tpu.memory_space<vmem>> -> memref<1x1x50x128xf32, #tpu.memory_space<vmem>>
    %dma_wait3A_165 = tpu.memref_squeeze %dma_wait3A_164 : memref<1x1x50x128xf32, #tpu.memory_space<vmem>> -> memref<50x128xf32, #tpu.memory_space<vmem>>
    %dma_wait3A_166 = arith.constant 0 : i32
    %dma_wait3A_167 = tpu.memref_slice %arg5[%dma_wait3A, %dma_wait3A_166] : memref<128x50xi32, #tpu.memory_space<vmem>> -> memref<1x50xi32, #tpu.memory_space<vmem>>
    %dma_wait3A_168 = tpu.memref_squeeze %dma_wait3A_167 : memref<1x50xi32, #tpu.memory_space<vmem>> -> memref<50xi32, #tpu.memory_space<vmem>>
    %dma_wait3A_169 = arith.constant 0 : i32
    %dma_wait3A_170 = arith.constant 0 : i32
    %dma_wait3A_171 = tpu.memref_slice %arg3[%dma_wait3A_169, %dma_wait3A_170] : memref<100000x128xf32, #tpu.memory_space<hbm>> -> memref<100000x128xf32, #tpu.memory_space<hbm>>
    tpu.wait_indirect_dma semaphore(%arg7 : memref<!tpu.dma_semaphore, #tpu.memory_space<semaphore_mem>>) src(%dma_wait3A_171 : memref<100000x128xf32, #tpu.memory_space<hbm>>) dst(%dma_wait3A_165 : memref<50x128xf32, #tpu.memory_space<vmem>>)
    %dma_wait3A_172 = arith.constant 0 : i32
    %dma_wait3A_173 = arith.constant 0 : i32
    %dma_wait3A_174 = arith.constant 1 : i32
    %dma_wait3A_175 = arith.constant 0 : i32
    %dma_wait3A_176 = arith.constant 0 : i32
    %dma_wait3A_177 = tpu.memref_slice %arg6[%dma_wait3A_173, %dma_wait3A_174, %dma_wait3A_175, %dma_wait3A_176] : memref<4x4x50x128xf32, #tpu.memory_space<vmem>> -> memref<1x1x50x128xf32, #tpu.memory_space<vmem>>
    %dma_wait3A_178 = tpu.memref_squeeze %dma_wait3A_177 : memref<1x1x50x128xf32, #tpu.memory_space<vmem>> -> memref<50x128xf32, #tpu.memory_space<vmem>>
    %dma_wait3A_179 = arith.constant 0 : i32
    %dma_wait3A_180 = tpu.memref_slice %arg5[%dma_wait3A_172, %dma_wait3A_179] : memref<128x50xi32, #tpu.memory_space<vmem>> -> memref<1x50xi32, #tpu.memory_space<vmem>>
    %dma_wait3A_181 = tpu.memref_squeeze %dma_wait3A_180 : memref<1x50xi32, #tpu.memory_space<vmem>> -> memref<50xi32, #tpu.memory_space<vmem>>
    %dma_wait3A_182 = arith.constant 0 : i32
    %dma_wait3A_183 = arith.constant 0 : i32
    %dma_wait3A_184 = tpu.memref_slice %arg3[%dma_wait3A_182, %dma_wait3A_183] : memref<100000x128xf32, #tpu.memory_space<hbm>> -> memref<100000x128xf32, #tpu.memory_space<hbm>>
    tpu.wait_indirect_dma semaphore(%arg7 : memref<!tpu.dma_semaphore, #tpu.memory_space<semaphore_mem>>) src(%dma_wait3A_184 : memref<100000x128xf32, #tpu.memory_space<hbm>>) dst(%dma_wait3A_178 : memref<50x128xf32, #tpu.memory_space<vmem>>)
    %dma_wait3A_185 = arith.constant 0 : i32
    %dma_wait3A_186 = arith.constant 0 : i32
    %dma_wait3A_187 = arith.constant 2 : i32
    %dma_wait3A_188 = arith.constant 0 : i32
    %dma_wait3A_189 = arith.constant 0 : i32
    %dma_wait3A_190 = tpu.memref_slice %arg6[%dma_wait3A_186, %dma_wait3A_187, %dma_wait3A_188, %dma_wait3A_189] : memref<4x4x50x128xf32, #tpu.memory_space<vmem>> -> memref<1x1x50x128xf32, #tpu.memory_space<vmem>>
    %dma_wait3A_191 = tpu.memref_squeeze %dma_wait3A_190 : memref<1x1x50x128xf32, #tpu.memory_space<vmem>> -> memref<50x128xf32, #tpu.memory_space<vmem>>
    %dma_wait3A_192 = arith.constant 0 : i32
    %dma_wait3A_193 = tpu.memref_slice %arg5[%dma_wait3A_185, %dma_wait3A_192] : memref<128x50xi32, #tpu.memory_space<vmem>> -> memref<1x50xi32, #tpu.memory_space<vmem>>
    %dma_wait3A_194 = tpu.memref_squeeze %dma_wait3A_193 : memref<1x50xi32, #tpu.memory_space<vmem>> -> memref<50xi32, #tpu.memory_space<vmem>>
    %dma_wait3A_195 = arith.constant 0 : i32
    %dma_wait3A_196 = arith.constant 0 : i32
    %dma_wait3A_197 = tpu.memref_slice %arg3[%dma_wait3A_195, %dma_wait3A_196] : memref<100000x128xf32, #tpu.memory_space<hbm>> -> memref<100000x128xf32, #tpu.memory_space<hbm>>
    tpu.wait_indirect_dma semaphore(%arg7 : memref<!tpu.dma_semaphore, #tpu.memory_space<semaphore_mem>>) src(%dma_wait3A_197 : memref<100000x128xf32, #tpu.memory_space<hbm>>) dst(%dma_wait3A_191 : memref<50x128xf32, #tpu.memory_space<vmem>>)
    %dma_wait3A_198 = arith.constant 0 : i32
    %dma_wait3A_199 = arith.constant 0 : i32
    %dma_wait3A_200 = arith.constant 3 : i32
    %dma_wait3A_201 = arith.constant 0 : i32
    %dma_wait3A_202 = arith.constant 0 : i32
    %dma_wait3A_203 = tpu.memref_slice %arg6[%dma_wait3A_199, %dma_wait3A_200, %dma_wait3A_201, %dma_wait3A_202] : memref<4x4x50x128xf32, #tpu.memory_space<vmem>> -> memref<1x1x50x128xf32, #tpu.memory_space<vmem>>
    %dma_wait3A_204 = tpu.memref_squeeze %dma_wait3A_203 : memref<1x1x50x128xf32, #tpu.memory_space<vmem>> -> memref<50x128xf32, #tpu.memory_space<vmem>>
    %dma_wait3A_205 = arith.constant 0 : i32
    %dma_wait3A_206 = tpu.memref_slice %arg5[%dma_wait3A_198, %dma_wait3A_205] : memref<128x50xi32, #tpu.memory_space<vmem>> -> memref<1x50xi32, #tpu.memory_space<vmem>>
    %dma_wait3A_207 = tpu.memref_squeeze %dma_wait3A_206 : memref<1x50xi32, #tpu.memory_space<vmem>> -> memref<50xi32, #tpu.memory_space<vmem>>
    %dma_wait3A_208 = arith.constant 0 : i32
    %dma_wait3A_209 = arith.constant 0 : i32
    %dma_wait3A_210 = tpu.memref_slice %arg3[%dma_wait3A_208, %dma_wait3A_209] : memref<100000x128xf32, #tpu.memory_space<hbm>> -> memref<100000x128xf32, #tpu.memory_space<hbm>>
    tpu.wait_indirect_dma semaphore(%arg7 : memref<!tpu.dma_semaphore, #tpu.memory_space<semaphore_mem>>) src(%dma_wait3A_210 : memref<100000x128xf32, #tpu.memory_space<hbm>>) dst(%dma_wait3A_204 : memref<50x128xf32, #tpu.memory_space<vmem>>)
    %add3A_211 = arith.constant 0 : i32
    %add3A_212 = arith.addi %mul3A_2, %add3A_211 : i32
    %dma_start3A_213 = arith.constant 0 : i32
    %dma_start3A_214 = arith.constant 0 : i32
    %dma_start3A_215 = arith.constant 0 : i32
    %dma_start3A_216 = arith.constant 0 : i32
    %dma_start3A_217 = tpu.memref_slice %arg6[%dma_start3A_213, %dma_start3A_214, %dma_start3A_215, %dma_start3A_216] : memref<4x4x50x128xf32, #tpu.memory_space<vmem>> -> memref<1x4x50x128xf32, #tpu.memory_space<vmem>>
    %dma_start3A_218 = tpu.memref_squeeze %dma_start3A_217 : memref<1x4x50x128xf32, #tpu.memory_space<vmem>> -> memref<4x50x128xf32, #tpu.memory_space<vmem>>
    %dma_start3A_219 = arith.constant 0 : i32
    %dma_start3A_220 = arith.constant 0 : i32
    %dma_start3A_221 = tpu.memref_slice %arg4[%add3A_212, %dma_start3A_219, %dma_start3A_220] : memref<4096x50x128xf32, #tpu.memory_space<hbm>> -> memref<4x50x128xf32, #tpu.memory_space<hbm>>
    %dma_start3A_222 = arith.constant 0 : i32
    %dma_start3A_223 = arith.constant 0 : i32
    %dma_start3A_224 = tpu.memref_slice %arg4[%add3A_212, %dma_start3A_222, %dma_start3A_223] : memref<4096x50x128xf32, #tpu.memory_space<hbm>> -> memref<4x50x128xf32, #tpu.memory_space<hbm>>
    %dma_start3A_225 = arith.constant 0 : i32
    %dma_start3A_226 = arith.constant 0 : i32
    %dma_start3A_227 = arith.constant 0 : i32
    %dma_start3A_228 = tpu.memref_slice %arg6[%dma_start3A_213, %dma_start3A_225, %dma_start3A_226, %dma_start3A_227] : memref<4x4x50x128xf32, #tpu.memory_space<vmem>> -> memref<1x4x50x128xf32, #tpu.memory_space<vmem>>
    %dma_start3A_229 = tpu.memref_squeeze %dma_start3A_228 : memref<1x4x50x128xf32, #tpu.memory_space<vmem>> -> memref<4x50x128xf32, #tpu.memory_space<vmem>>
    tpu.enqueue_dma source(%dma_start3A_229 : memref<4x50x128xf32, #tpu.memory_space<vmem>>) target(%dma_start3A_224 : memref<4x50x128xf32, #tpu.memory_space<hbm>>) target_semaphore(%arg11 : memref<!tpu.dma_semaphore, #tpu.memory_space<semaphore_mem>>)
    %dma_start3A_230 = arith.constant 12 : i32
    %dma_start3A_231 = arith.constant 3 : i32
    %dma_start3A_232 = arith.constant 0 : i32
    %dma_start3A_233 = arith.constant 0 : i32
    %dma_start3A_234 = arith.constant 0 : i32
    %dma_start3A_235 = tpu.memref_slice %arg6[%dma_start3A_231, %dma_start3A_232, %dma_start3A_233, %dma_start3A_234] : memref<4x4x50x128xf32, #tpu.memory_space<vmem>> -> memref<1x1x50x128xf32, #tpu.memory_space<vmem>>
    %dma_start3A_236 = tpu.memref_squeeze %dma_start3A_235 : memref<1x1x50x128xf32, #tpu.memory_space<vmem>> -> memref<50x128xf32, #tpu.memory_space<vmem>>
    %dma_start3A_237 = arith.constant 0 : i32
    %dma_start3A_238 = tpu.memref_slice %arg5[%dma_start3A_230, %dma_start3A_237] : memref<128x50xi32, #tpu.memory_space<vmem>> -> memref<1x50xi32, #tpu.memory_space<vmem>>
    %dma_start3A_239 = tpu.memref_squeeze %dma_start3A_238 : memref<1x50xi32, #tpu.memory_space<vmem>> -> memref<50xi32, #tpu.memory_space<vmem>>
    %dma_start3A_240 = arith.constant 0 : i32
    %dma_start3A_241 = arith.constant 0 : i32
    %dma_start3A_242 = tpu.memref_slice %arg3[%dma_start3A_240, %dma_start3A_241] : memref<100000x128xf32, #tpu.memory_space<hbm>> -> memref<100000x128xf32, #tpu.memory_space<hbm>>
    tpu.enqueue_indirect_dma source(%dma_start3A_242 : memref<100000x128xf32, #tpu.memory_space<hbm>>) target(%dma_start3A_236 : memref<50x128xf32, #tpu.memory_space<vmem>>) offsets(%dma_start3A_239 : memref<50xi32, #tpu.memory_space<vmem>>) semaphore(%arg10 : memref<!tpu.dma_semaphore, #tpu.memory_space<semaphore_mem>>)
    %dma_start3A_243 = arith.constant 13 : i32
    %dma_start3A_244 = arith.constant 3 : i32
    %dma_start3A_245 = arith.constant 1 : i32
    %dma_start3A_246 = arith.constant 0 : i32
    %dma_start3A_247 = arith.constant 0 : i32
    %dma_start3A_248 = tpu.memref_slice %arg6[%dma_start3A_244, %dma_start3A_245, %dma_start3A_246, %dma_start3A_247] : memref<4x4x50x128xf32, #tpu.memory_space<vmem>> -> memref<1x1x50x128xf32, #tpu.memory_space<vmem>>
    %dma_start3A_249 = tpu.memref_squeeze %dma_start3A_248 : memref<1x1x50x128xf32, #tpu.memory_space<vmem>> -> memref<50x128xf32, #tpu.memory_space<vmem>>
    %dma_start3A_250 = arith.constant 0 : i32
    %dma_start3A_251 = tpu.memref_slice %arg5[%dma_start3A_243, %dma_start3A_250] : memref<128x50xi32, #tpu.memory_space<vmem>> -> memref<1x50xi32, #tpu.memory_space<vmem>>
    %dma_start3A_252 = tpu.memref_squeeze %dma_start3A_251 : memref<1x50xi32, #tpu.memory_space<vmem>> -> memref<50xi32, #tpu.memory_space<vmem>>
    %dma_start3A_253 = arith.constant 0 : i32
    %dma_start3A_254 = arith.constant 0 : i32
    %dma_start3A_255 = tpu.memref_slice %arg3[%dma_start3A_253, %dma_start3A_254] : memref<100000x128xf32, #tpu.memory_space<hbm>> -> memref<100000x128xf32, #tpu.memory_space<hbm>>
    tpu.enqueue_indirect_dma source(%dma_start3A_255 : memref<100000x128xf32, #tpu.memory_space<hbm>>) target(%dma_start3A_249 : memref<50x128xf32, #tpu.memory_space<vmem>>) offsets(%dma_start3A_252 : memref<50xi32, #tpu.memory_space<vmem>>) semaphore(%arg10 : memref<!tpu.dma_semaphore, #tpu.memory_space<semaphore_mem>>)
    %dma_start3A_256 = arith.constant 14 : i32
    %dma_start3A_257 = arith.constant 3 : i32
    %dma_start3A_258 = arith.constant 2 : i32
    %dma_start3A_259 = arith.constant 0 : i32
    %dma_start3A_260 = arith.constant 0 : i32
    %dma_start3A_261 = tpu.memref_slice %arg6[%dma_start3A_257, %dma_start3A_258, %dma_start3A_259, %dma_start3A_260] : memref<4x4x50x128xf32, #tpu.memory_space<vmem>> -> memref<1x1x50x128xf32, #tpu.memory_space<vmem>>
    %dma_start3A_262 = tpu.memref_squeeze %dma_start3A_261 : memref<1x1x50x128xf32, #tpu.memory_space<vmem>> -> memref<50x128xf32, #tpu.memory_space<vmem>>
    %dma_start3A_263 = arith.constant 0 : i32
    %dma_start3A_264 = tpu.memref_slice %arg5[%dma_start3A_256, %dma_start3A_263] : memref<128x50xi32, #tpu.memory_space<vmem>> -> memref<1x50xi32, #tpu.memory_space<vmem>>
    %dma_start3A_265 = tpu.memref_squeeze %dma_start3A_264 : memref<1x50xi32, #tpu.memory_space<vmem>> -> memref<50xi32, #tpu.memory_space<vmem>>
    %dma_start3A_266 = arith.constant 0 : i32
    %dma_start3A_267 = arith.constant 0 : i32
    %dma_start3A_268 = tpu.memref_slice %arg3[%dma_start3A_266, %dma_start3A_267] : memref<100000x128xf32, #tpu.memory_space<hbm>> -> memref<100000x128xf32, #tpu.memory_space<hbm>>
    tpu.enqueue_indirect_dma source(%dma_start3A_268 : memref<100000x128xf32, #tpu.memory_space<hbm>>) target(%dma_start3A_262 : memref<50x128xf32, #tpu.memory_space<vmem>>) offsets(%dma_start3A_265 : memref<50xi32, #tpu.memory_space<vmem>>) semaphore(%arg10 : memref<!tpu.dma_semaphore, #tpu.memory_space<semaphore_mem>>)
    %dma_start3A_269 = arith.constant 15 : i32
    %dma_start3A_270 = arith.constant 3 : i32
    %dma_start3A_271 = arith.constant 3 : i32
    %dma_start3A_272 = arith.constant 0 : i32
    %dma_start3A_273 = arith.constant 0 : i32
    %dma_start3A_274 = tpu.memref_slice %arg6[%dma_start3A_270, %dma_start3A_271, %dma_start3A_272, %dma_start3A_273] : memref<4x4x50x128xf32, #tpu.memory_space<vmem>> -> memref<1x1x50x128xf32, #tpu.memory_space<vmem>>
    %dma_start3A_275 = tpu.memref_squeeze %dma_start3A_274 : memref<1x1x50x128xf32, #tpu.memory_space<vmem>> -> memref<50x128xf32, #tpu.memory_space<vmem>>
    %dma_start3A_276 = arith.constant 0 : i32
    %dma_start3A_277 = tpu.memref_slice %arg5[%dma_start3A_269, %dma_start3A_276] : memref<128x50xi32, #tpu.memory_space<vmem>> -> memref<1x50xi32, #tpu.memory_space<vmem>>
    %dma_start3A_278 = tpu.memref_squeeze %dma_start3A_277 : memref<1x50xi32, #tpu.memory_space<vmem>> -> memref<50xi32, #tpu.memory_space<vmem>>
    %dma_start3A_279 = arith.constant 0 : i32
    %dma_start3A_280 = arith.constant 0 : i32
    %dma_start3A_281 = tpu.memref_slice %arg3[%dma_start3A_279, %dma_start3A_280] : memref<100000x128xf32, #tpu.memory_space<hbm>> -> memref<100000x128xf32, #tpu.memory_space<hbm>>
    tpu.enqueue_indirect_dma source(%dma_start3A_281 : memref<100000x128xf32, #tpu.memory_space<hbm>>) target(%dma_start3A_275 : memref<50x128xf32, #tpu.memory_space<vmem>>) offsets(%dma_start3A_278 : memref<50xi32, #tpu.memory_space<vmem>>) semaphore(%arg10 : memref<!tpu.dma_semaphore, #tpu.memory_space<semaphore_mem>>)
    %dma_wait3A_282 = arith.constant 0 : i32
    %dma_wait3A_283 = arith.constant 1 : i32
    %dma_wait3A_284 = arith.constant 0 : i32
    %dma_wait3A_285 = arith.constant 0 : i32
    %dma_wait3A_286 = arith.constant 0 : i32
    %dma_wait3A_287 = tpu.memref_slice %arg6[%dma_wait3A_283, %dma_wait3A_284, %dma_wait3A_285, %dma_wait3A_286] : memref<4x4x50x128xf32, #tpu.memory_space<vmem>> -> memref<1x1x50x128xf32, #tpu.memory_space<vmem>>
    %dma_wait3A_288 = tpu.memref_squeeze %dma_wait3A_287 : memref<1x1x50x128xf32, #tpu.memory_space<vmem>> -> memref<50x128xf32, #tpu.memory_space<vmem>>
    %dma_wait3A_289 = arith.constant 0 : i32
    %dma_wait3A_290 = tpu.memref_slice %arg5[%dma_wait3A_282, %dma_wait3A_289] : memref<128x50xi32, #tpu.memory_space<vmem>> -> memref<1x50xi32, #tpu.memory_space<vmem>>
    %dma_wait3A_291 = tpu.memref_squeeze %dma_wait3A_290 : memref<1x50xi32, #tpu.memory_space<vmem>> -> memref<50xi32, #tpu.memory_space<vmem>>
    %dma_wait3A_292 = arith.constant 0 : i32
    %dma_wait3A_293 = arith.constant 0 : i32
    %dma_wait3A_294 = tpu.memref_slice %arg3[%dma_wait3A_292, %dma_wait3A_293] : memref<100000x128xf32, #tpu.memory_space<hbm>> -> memref<100000x128xf32, #tpu.memory_space<hbm>>
    tpu.wait_indirect_dma semaphore(%arg8 : memref<!tpu.dma_semaphore, #tpu.memory_space<semaphore_mem>>) src(%dma_wait3A_294 : memref<100000x128xf32, #tpu.memory_space<hbm>>) dst(%dma_wait3A_288 : memref<50x128xf32, #tpu.memory_space<vmem>>)
    %dma_wait3A_295 = arith.constant 0 : i32
    %dma_wait3A_296 = arith.constant 1 : i32
    %dma_wait3A_297 = arith.constant 1 : i32
    %dma_wait3A_298 = arith.constant 0 : i32
    %dma_wait3A_299 = arith.constant 0 : i32
    %dma_wait3A_300 = tpu.memref_slice %arg6[%dma_wait3A_296, %dma_wait3A_297, %dma_wait3A_298, %dma_wait3A_299] : memref<4x4x50x128xf32, #tpu.memory_space<vmem>> -> memref<1x1x50x128xf32, #tpu.memory_space<vmem>>
    %dma_wait3A_301 = tpu.memref_squeeze %dma_wait3A_300 : memref<1x1x50x128xf32, #tpu.memory_space<vmem>> -> memref<50x128xf32, #tpu.memory_space<vmem>>
    %dma_wait3A_302 = arith.constant 0 : i32
    %dma_wait3A_303 = tpu.memref_slice %arg5[%dma_wait3A_295, %dma_wait3A_302] : memref<128x50xi32, #tpu.memory_space<vmem>> -> memref<1x50xi32, #tpu.memory_space<vmem>>
    %dma_wait3A_304 = tpu.memref_squeeze %dma_wait3A_303 : memref<1x50xi32, #tpu.memory_space<vmem>> -> memref<50xi32, #tpu.memory_space<vmem>>
    %dma_wait3A_305 = arith.constant 0 : i32
    %dma_wait3A_306 = arith.constant 0 : i32
    %dma_wait3A_307 = tpu.memref_slice %arg3[%dma_wait3A_305, %dma_wait3A_306] : memref<100000x128xf32, #tpu.memory_space<hbm>> -> memref<100000x128xf32, #tpu.memory_space<hbm>>
    tpu.wait_indirect_dma semaphore(%arg8 : memref<!tpu.dma_semaphore, #tpu.memory_space<semaphore_mem>>) src(%dma_wait3A_307 : memref<100000x128xf32, #tpu.memory_space<hbm>>) dst(%dma_wait3A_301 : memref<50x128xf32, #tpu.memory_space<vmem>>)
    %dma_wait3A_308 = arith.constant 0 : i32
    %dma_wait3A_309 = arith.constant 1 : i32
    %dma_wait3A_310 = arith.constant 2 : i32
    %dma_wait3A_311 = arith.constant 0 : i32
    %dma_wait3A_312 = arith.constant 0 : i32
    %dma_wait3A_313 = tpu.memref_slice %arg6[%dma_wait3A_309, %dma_wait3A_310, %dma_wait3A_311, %dma_wait3A_312] : memref<4x4x50x128xf32, #tpu.memory_space<vmem>> -> memref<1x1x50x128xf32, #tpu.memory_space<vmem>>
    %dma_wait3A_314 = tpu.memref_squeeze %dma_wait3A_313 : memref<1x1x50x128xf32, #tpu.memory_space<vmem>> -> memref<50x128xf32, #tpu.memory_space<vmem>>
    %dma_wait3A_315 = arith.constant 0 : i32
    %dma_wait3A_316 = tpu.memref_slice %arg5[%dma_wait3A_308, %dma_wait3A_315] : memref<128x50xi32, #tpu.memory_space<vmem>> -> memref<1x50xi32, #tpu.memory_space<vmem>>
    %dma_wait3A_317 = tpu.memref_squeeze %dma_wait3A_316 : memref<1x50xi32, #tpu.memory_space<vmem>> -> memref<50xi32, #tpu.memory_space<vmem>>
    %dma_wait3A_318 = arith.constant 0 : i32
    %dma_wait3A_319 = arith.constant 0 : i32
    %dma_wait3A_320 = tpu.memref_slice %arg3[%dma_wait3A_318, %dma_wait3A_319] : memref<100000x128xf32, #tpu.memory_space<hbm>> -> memref<100000x128xf32, #tpu.memory_space<hbm>>
    tpu.wait_indirect_dma semaphore(%arg8 : memref<!tpu.dma_semaphore, #tpu.memory_space<semaphore_mem>>) src(%dma_wait3A_320 : memref<100000x128xf32, #tpu.memory_space<hbm>>) dst(%dma_wait3A_314 : memref<50x128xf32, #tpu.memory_space<vmem>>)
    %dma_wait3A_321 = arith.constant 0 : i32
    %dma_wait3A_322 = arith.constant 1 : i32
    %dma_wait3A_323 = arith.constant 3 : i32
    %dma_wait3A_324 = arith.constant 0 : i32
    %dma_wait3A_325 = arith.constant 0 : i32
    %dma_wait3A_326 = tpu.memref_slice %arg6[%dma_wait3A_322, %dma_wait3A_323, %dma_wait3A_324, %dma_wait3A_325] : memref<4x4x50x128xf32, #tpu.memory_space<vmem>> -> memref<1x1x50x128xf32, #tpu.memory_space<vmem>>
    %dma_wait3A_327 = tpu.memref_squeeze %dma_wait3A_326 : memref<1x1x50x128xf32, #tpu.memory_space<vmem>> -> memref<50x128xf32, #tpu.memory_space<vmem>>
    %dma_wait3A_328 = arith.constant 0 : i32
    %dma_wait3A_329 = tpu.memref_slice %arg5[%dma_wait3A_321, %dma_wait3A_328] : memref<128x50xi32, #tpu.memory_space<vmem>> -> memref<1x50xi32, #tpu.memory_space<vmem>>
    %dma_wait3A_330 = tpu.memref_squeeze %dma_wait3A_329 : memref<1x50xi32, #tpu.memory_space<vmem>> -> memref<50xi32, #tpu.memory_space<vmem>>
    %dma_wait3A_331 = arith.constant 0 : i32
    %dma_wait3A_332 = arith.constant 0 : i32
    %dma_wait3A_333 = tpu.memref_slice %arg3[%dma_wait3A_331, %dma_wait3A_332] : memref<100000x128xf32, #tpu.memory_space<hbm>> -> memref<100000x128xf32, #tpu.memory_space<hbm>>
    tpu.wait_indirect_dma semaphore(%arg8 : memref<!tpu.dma_semaphore, #tpu.memory_space<semaphore_mem>>) src(%dma_wait3A_333 : memref<100000x128xf32, #tpu.memory_space<hbm>>) dst(%dma_wait3A_327 : memref<50x128xf32, #tpu.memory_space<vmem>>)
    %add3A_334 = arith.constant 4 : i32
    %add3A_335 = arith.addi %mul3A_2, %add3A_334 : i32
    %dma_start3A_336 = arith.constant 1 : i32
    %dma_start3A_337 = arith.constant 0 : i32
    %dma_start3A_338 = arith.constant 0 : i32
    %dma_start3A_339 = arith.constant 0 : i32
    %dma_start3A_340 = tpu.memref_slice %arg6[%dma_start3A_336, %dma_start3A_337, %dma_start3A_338, %dma_start3A_339] : memref<4x4x50x128xf32, #tpu.memory_space<vmem>> -> memref<1x4x50x128xf32, #tpu.memory_space<vmem>>
    %dma_start3A_341 = tpu.memref_squeeze %dma_start3A_340 : memref<1x4x50x128xf32, #tpu.memory_space<vmem>> -> memref<4x50x128xf32, #tpu.memory_space<vmem>>
    %dma_start3A_342 = arith.constant 0 : i32
    %dma_start3A_343 = arith.constant 0 : i32
    %dma_start3A_344 = tpu.memref_slice %arg4[%add3A_335, %dma_start3A_342, %dma_start3A_343] : memref<4096x50x128xf32, #tpu.memory_space<hbm>> -> memref<4x50x128xf32, #tpu.memory_space<hbm>>
    %dma_start3A_345 = arith.constant 0 : i32
    %dma_start3A_346 = arith.constant 0 : i32
    %dma_start3A_347 = tpu.memref_slice %arg4[%add3A_335, %dma_start3A_345, %dma_start3A_346] : memref<4096x50x128xf32, #tpu.memory_space<hbm>> -> memref<4x50x128xf32, #tpu.memory_space<hbm>>
    %dma_start3A_348 = arith.constant 0 : i32
    %dma_start3A_349 = arith.constant 0 : i32
    %dma_start3A_350 = arith.constant 0 : i32
    %dma_start3A_351 = tpu.memref_slice %arg6[%dma_start3A_336, %dma_start3A_348, %dma_start3A_349, %dma_start3A_350] : memref<4x4x50x128xf32, #tpu.memory_space<vmem>> -> memref<1x4x50x128xf32, #tpu.memory_space<vmem>>
    %dma_start3A_352 = tpu.memref_squeeze %dma_start3A_351 : memref<1x4x50x128xf32, #tpu.memory_space<vmem>> -> memref<4x50x128xf32, #tpu.memory_space<vmem>>
    tpu.enqueue_dma source(%dma_start3A_352 : memref<4x50x128xf32, #tpu.memory_space<vmem>>) target(%dma_start3A_347 : memref<4x50x128xf32, #tpu.memory_space<hbm>>) target_semaphore(%arg12 : memref<!tpu.dma_semaphore, #tpu.memory_space<semaphore_mem>>)
    %dma_wait3A_353 = arith.constant 0 : i32
    %dma_wait3A_354 = arith.constant 0 : i32
    %dma_wait3A_355 = arith.constant 0 : i32
    %dma_wait3A_356 = arith.constant 0 : i32
    %dma_wait3A_357 = tpu.memref_slice %arg6[%dma_wait3A_353, %dma_wait3A_354, %dma_wait3A_355, %dma_wait3A_356] : memref<4x4x50x128xf32, #tpu.memory_space<vmem>> -> memref<1x4x50x128xf32, #tpu.memory_space<vmem>>
    %dma_wait3A_358 = tpu.memref_squeeze %dma_wait3A_357 : memref<1x4x50x128xf32, #tpu.memory_space<vmem>> -> memref<4x50x128xf32, #tpu.memory_space<vmem>>
    %dma_wait3A_359 = arith.constant 0 : i32
    %dma_wait3A_360 = arith.constant 0 : i32
    %dma_wait3A_361 = tpu.memref_slice %arg4[%mul3A_2, %dma_wait3A_359, %dma_wait3A_360] : memref<4096x50x128xf32, #tpu.memory_space<hbm>> -> memref<4x50x128xf32, #tpu.memory_space<hbm>>
    %dma_wait3A_362 = arith.constant 0 : i32
    %dma_wait3A_363 = arith.constant 0 : i32
    %dma_wait3A_364 = tpu.memref_slice %arg4[%mul3A_2, %dma_wait3A_362, %dma_wait3A_363] : memref<4096x50x128xf32, #tpu.memory_space<hbm>> -> memref<4x50x128xf32, #tpu.memory_space<hbm>>
    %dma_wait3A_365 = arith.constant 0 : i32
    %dma_wait3A_366 = arith.constant 0 : i32
    %dma_wait3A_367 = arith.constant 0 : i32
    %dma_wait3A_368 = tpu.memref_slice %arg6[%dma_wait3A_353, %dma_wait3A_365, %dma_wait3A_366, %dma_wait3A_367] : memref<4x4x50x128xf32, #tpu.memory_space<vmem>> -> memref<1x4x50x128xf32, #tpu.memory_space<vmem>>
    %dma_wait3A_369 = tpu.memref_squeeze %dma_wait3A_368 : memref<1x4x50x128xf32, #tpu.memory_space<vmem>> -> memref<4x50x128xf32, #tpu.memory_space<vmem>>
    tpu.wait_dma2 semaphore(%arg11 : memref<!tpu.dma_semaphore, #tpu.memory_space<semaphore_mem>>) src(%dma_wait3A_369 : memref<4x50x128xf32, #tpu.memory_space<vmem>>) dst(%dma_wait3A_364 : memref<4x50x128xf32, #tpu.memory_space<hbm>>)
    %dma_start3A_370 = arith.constant 16 : i32
    %dma_start3A_371 = arith.constant 0 : i32
    %dma_start3A_372 = arith.constant 0 : i32
    %dma_start3A_373 = arith.constant 0 : i32
    %dma_start3A_374 = arith.constant 0 : i32
    %dma_start3A_375 = tpu.memref_slice %arg6[%dma_start3A_371, %dma_start3A_372, %dma_start3A_373, %dma_start3A_374] : memref<4x4x50x128xf32, #tpu.memory_space<vmem>> -> memref<1x1x50x128xf32, #tpu.memory_space<vmem>>
    %dma_start3A_376 = tpu.memref_squeeze %dma_start3A_375 : memref<1x1x50x128xf32, #tpu.memory_space<vmem>> -> memref<50x128xf32, #tpu.memory_space<vmem>>
    %dma_start3A_377 = arith.constant 0 : i32
    %dma_start3A_378 = tpu.memref_slice %arg5[%dma_start3A_370, %dma_start3A_377] : memref<128x50xi32, #tpu.memory_space<vmem>> -> memref<1x50xi32, #tpu.memory_space<vmem>>
    %dma_start3A_379 = tpu.memref_squeeze %dma_start3A_378 : memref<1x50xi32, #tpu.memory_space<vmem>> -> memref<50xi32, #tpu.memory_space<vmem>>
    %dma_start3A_380 = arith.constant 0 : i32
    %dma_start3A_381 = arith.constant 0 : i32
    %dma_start3A_382 = tpu.memref_slice %arg3[%dma_start3A_380, %dma_start3A_381] : memref<100000x128xf32, #tpu.memory_space<hbm>> -> memref<100000x128xf32, #tpu.memory_space<hbm>>
    tpu.enqueue_indirect_dma source(%dma_start3A_382 : memref<100000x128xf32, #tpu.memory_space<hbm>>) target(%dma_start3A_376 : memref<50x128xf32, #tpu.memory_space<vmem>>) offsets(%dma_start3A_379 : memref<50xi32, #tpu.memory_space<vmem>>) semaphore(%arg7 : memref<!tpu.dma_semaphore, #tpu.memory_space<semaphore_mem>>)
    %dma_start3A_383 = arith.constant 17 : i32
    %dma_start3A_384 = arith.constant 0 : i32
    %dma_start3A_385 = arith.constant 1 : i32
    %dma_start3A_386 = arith.constant 0 : i32
    %dma_start3A_387 = arith.constant 0 : i32
    %dma_start3A_388 = tpu.memref_slice %arg6[%dma_start3A_384, %dma_start3A_385, %dma_start3A_386, %dma_start3A_387] : memref<4x4x50x128xf32, #tpu.memory_space<vmem>> -> memref<1x1x50x128xf32, #tpu.memory_space<vmem>>
    %dma_start3A_389 = tpu.memref_squeeze %dma_start3A_388 : memref<1x1x50x128xf32, #tpu.memory_space<vmem>> -> memref<50x128xf32, #tpu.memory_space<vmem>>
    %dma_start3A_390 = arith.constant 0 : i32
    %dma_start3A_391 = tpu.memref_slice %arg5[%dma_start3A_383, %dma_start3A_390] : memref<128x50xi32, #tpu.memory_space<vmem>> -> memref<1x50xi32, #tpu.memory_space<vmem>>
    %dma_start3A_392 = tpu.memref_squeeze %dma_start3A_391 : memref<1x50xi32, #tpu.memory_space<vmem>> -> memref<50xi32, #tpu.memory_space<vmem>>
    %dma_start3A_393 = arith.constant 0 : i32
    %dma_start3A_394 = arith.constant 0 : i32
    %dma_start3A_395 = tpu.memref_slice %arg3[%dma_start3A_393, %dma_start3A_394] : memref<100000x128xf32, #tpu.memory_space<hbm>> -> memref<100000x128xf32, #tpu.memory_space<hbm>>
    tpu.enqueue_indirect_dma source(%dma_start3A_395 : memref<100000x128xf32, #tpu.memory_space<hbm>>) target(%dma_start3A_389 : memref<50x128xf32, #tpu.memory_space<vmem>>) offsets(%dma_start3A_392 : memref<50xi32, #tpu.memory_space<vmem>>) semaphore(%arg7 : memref<!tpu.dma_semaphore, #tpu.memory_space<semaphore_mem>>)
    %dma_start3A_396 = arith.constant 18 : i32
    %dma_start3A_397 = arith.constant 0 : i32
    %dma_start3A_398 = arith.constant 2 : i32
    %dma_start3A_399 = arith.constant 0 : i32
    %dma_start3A_400 = arith.constant 0 : i32
    %dma_start3A_401 = tpu.memref_slice %arg6[%dma_start3A_397, %dma_start3A_398, %dma_start3A_399, %dma_start3A_400] : memref<4x4x50x128xf32, #tpu.memory_space<vmem>> -> memref<1x1x50x128xf32, #tpu.memory_space<vmem>>
    %dma_start3A_402 = tpu.memref_squeeze %dma_start3A_401 : memref<1x1x50x128xf32, #tpu.memory_space<vmem>> -> memref<50x128xf32, #tpu.memory_space<vmem>>
    %dma_start3A_403 = arith.constant 0 : i32
    %dma_start3A_404 = tpu.memref_slice %arg5[%dma_start3A_396, %dma_start3A_403] : memref<128x50xi32, #tpu.memory_space<vmem>> -> memref<1x50xi32, #tpu.memory_space<vmem>>
    %dma_start3A_405 = tpu.memref_squeeze %dma_start3A_404 : memref<1x50xi32, #tpu.memory_space<vmem>> -> memref<50xi32, #tpu.memory_space<vmem>>
    %dma_start3A_406 = arith.constant 0 : i32
    %dma_start3A_407 = arith.constant 0 : i32
    %dma_start3A_408 = tpu.memref_slice %arg3[%dma_start3A_406, %dma_start3A_407] : memref<100000x128xf32, #tpu.memory_space<hbm>> -> memref<100000x128xf32, #tpu.memory_space<hbm>>
    tpu.enqueue_indirect_dma source(%dma_start3A_408 : memref<100000x128xf32, #tpu.memory_space<hbm>>) target(%dma_start3A_402 : memref<50x128xf32, #tpu.memory_space<vmem>>) offsets(%dma_start3A_405 : memref<50xi32, #tpu.memory_space<vmem>>) semaphore(%arg7 : memref<!tpu.dma_semaphore, #tpu.memory_space<semaphore_mem>>)
    %dma_start3A_409 = arith.constant 19 : i32
    %dma_start3A_410 = arith.constant 0 : i32
    %dma_start3A_411 = arith.constant 3 : i32
    %dma_start3A_412 = arith.constant 0 : i32
    %dma_start3A_413 = arith.constant 0 : i32
    %dma_start3A_414 = tpu.memref_slice %arg6[%dma_start3A_410, %dma_start3A_411, %dma_start3A_412, %dma_start3A_413] : memref<4x4x50x128xf32, #tpu.memory_space<vmem>> -> memref<1x1x50x128xf32, #tpu.memory_space<vmem>>
    %dma_start3A_415 = tpu.memref_squeeze %dma_start3A_414 : memref<1x1x50x128xf32, #tpu.memory_space<vmem>> -> memref<50x128xf32, #tpu.memory_space<vmem>>
    %dma_start3A_416 = arith.constant 0 : i32
    %dma_start3A_417 = tpu.memref_slice %arg5[%dma_start3A_409, %dma_start3A_416] : memref<128x50xi32, #tpu.memory_space<vmem>> -> memref<1x50xi32, #tpu.memory_space<vmem>>
    %dma_start3A_418 = tpu.memref_squeeze %dma_start3A_417 : memref<1x50xi32, #tpu.memory_space<vmem>> -> memref<50xi32, #tpu.memory_space<vmem>>
    %dma_start3A_419 = arith.constant 0 : i32
    %dma_start3A_420 = arith.constant 0 : i32
    %dma_start3A_421 = tpu.memref_slice %arg3[%dma_start3A_419, %dma_start3A_420] : memref<100000x128xf32, #tpu.memory_space<hbm>> -> memref<100000x128xf32, #tpu.memory_space<hbm>>
    tpu.enqueue_indirect_dma source(%dma_start3A_421 : memref<100000x128xf32, #tpu.memory_space<hbm>>) target(%dma_start3A_415 : memref<50x128xf32, #tpu.memory_space<vmem>>) offsets(%dma_start3A_418 : memref<50xi32, #tpu.memory_space<vmem>>) semaphore(%arg7 : memref<!tpu.dma_semaphore, #tpu.memory_space<semaphore_mem>>)
    %dma_wait3A_422 = arith.constant 0 : i32
    %dma_wait3A_423 = arith.constant 2 : i32
    %dma_wait3A_424 = arith.constant 0 : i32
    %dma_wait3A_425 = arith.constant 0 : i32
    %dma_wait3A_426 = arith.constant 0 : i32
    %dma_wait3A_427 = tpu.memref_slice %arg6[%dma_wait3A_423, %dma_wait3A_424, %dma_wait3A_425, %dma_wait3A_426] : memref<4x4x50x128xf32, #tpu.memory_space<vmem>> -> memref<1x1x50x128xf32, #tpu.memory_space<vmem>>
    %dma_wait3A_428 = tpu.memref_squeeze %dma_wait3A_427 : memref<1x1x50x128xf32, #tpu.memory_space<vmem>> -> memref<50x128xf32, #tpu.memory_space<vmem>>
    %dma_wait3A_429 = arith.constant 0 : i32
    %dma_wait3A_430 = tpu.memref_slice %arg5[%dma_wait3A_422, %dma_wait3A_429] : memref<128x50xi32, #tpu.memory_space<vmem>> -> memref<1x50xi32, #tpu.memory_space<vmem>>
    %dma_wait3A_431 = tpu.memref_squeeze %dma_wait3A_430 : memref<1x50xi32, #tpu.memory_space<vmem>> -> memref<50xi32, #tpu.memory_space<vmem>>
    %dma_wait3A_432 = arith.constant 0 : i32
    %dma_wait3A_433 = arith.constant 0 : i32
    %dma_wait3A_434 = tpu.memref_slice %arg3[%dma_wait3A_432, %dma_wait3A_433] : memref<100000x128xf32, #tpu.memory_space<hbm>> -> memref<100000x128xf32, #tpu.memory_space<hbm>>
    tpu.wait_indirect_dma semaphore(%arg9 : memref<!tpu.dma_semaphore, #tpu.memory_space<semaphore_mem>>) src(%dma_wait3A_434 : memref<100000x128xf32, #tpu.memory_space<hbm>>) dst(%dma_wait3A_428 : memref<50x128xf32, #tpu.memory_space<vmem>>)
    %dma_wait3A_435 = arith.constant 0 : i32
    %dma_wait3A_436 = arith.constant 2 : i32
    %dma_wait3A_437 = arith.constant 1 : i32
    %dma_wait3A_438 = arith.constant 0 : i32
    %dma_wait3A_439 = arith.constant 0 : i32
    %dma_wait3A_440 = tpu.memref_slice %arg6[%dma_wait3A_436, %dma_wait3A_437, %dma_wait3A_438, %dma_wait3A_439] : memref<4x4x50x128xf32, #tpu.memory_space<vmem>> -> memref<1x1x50x128xf32, #tpu.memory_space<vmem>>
    %dma_wait3A_441 = tpu.memref_squeeze %dma_wait3A_440 : memref<1x1x50x128xf32, #tpu.memory_space<vmem>> -> memref<50x128xf32, #tpu.memory_space<vmem>>
    %dma_wait3A_442 = arith.constant 0 : i32
    %dma_wait3A_443 = tpu.memref_slice %arg5[%dma_wait3A_435, %dma_wait3A_442] : memref<128x50xi32, #tpu.memory_space<vmem>> -> memref<1x50xi32, #tpu.memory_space<vmem>>
    %dma_wait3A_444 = tpu.memref_squeeze %dma_wait3A_443 : memref<1x50xi32, #tpu.memory_space<vmem>> -> memref<50xi32, #tpu.memory_space<vmem>>
    %dma_wait3A_445 = arith.constant 0 : i32
    %dma_wait3A_446 = arith.constant 0 : i32
    %dma_wait3A_447 = tpu.memref_slice %arg3[%dma_wait3A_445, %dma_wait3A_446] : memref<100000x128xf32, #tpu.memory_space<hbm>> -> memref<100000x128xf32, #tpu.memory_space<hbm>>
    tpu.wait_indirect_dma semaphore(%arg9 : memref<!tpu.dma_semaphore, #tpu.memory_space<semaphore_mem>>) src(%dma_wait3A_447 : memref<100000x128xf32, #tpu.memory_space<hbm>>) dst(%dma_wait3A_441 : memref<50x128xf32, #tpu.memory_space<vmem>>)
    %dma_wait3A_448 = arith.constant 0 : i32
    %dma_wait3A_449 = arith.constant 2 : i32
    %dma_wait3A_450 = arith.constant 2 : i32
    %dma_wait3A_451 = arith.constant 0 : i32
    %dma_wait3A_452 = arith.constant 0 : i32
    %dma_wait3A_453 = tpu.memref_slice %arg6[%dma_wait3A_449, %dma_wait3A_450, %dma_wait3A_451, %dma_wait3A_452] : memref<4x4x50x128xf32, #tpu.memory_space<vmem>> -> memref<1x1x50x128xf32, #tpu.memory_space<vmem>>
    %dma_wait3A_454 = tpu.memref_squeeze %dma_wait3A_453 : memref<1x1x50x128xf32, #tpu.memory_space<vmem>> -> memref<50x128xf32, #tpu.memory_space<vmem>>
    %dma_wait3A_455 = arith.constant 0 : i32
    %dma_wait3A_456 = tpu.memref_slice %arg5[%dma_wait3A_448, %dma_wait3A_455] : memref<128x50xi32, #tpu.memory_space<vmem>> -> memref<1x50xi32, #tpu.memory_space<vmem>>
    %dma_wait3A_457 = tpu.memref_squeeze %dma_wait3A_456 : memref<1x50xi32, #tpu.memory_space<vmem>> -> memref<50xi32, #tpu.memory_space<vmem>>
    %dma_wait3A_458 = arith.constant 0 : i32
    %dma_wait3A_459 = arith.constant 0 : i32
    %dma_wait3A_460 = tpu.memref_slice %arg3[%dma_wait3A_458, %dma_wait3A_459] : memref<100000x128xf32, #tpu.memory_space<hbm>> -> memref<100000x128xf32, #tpu.memory_space<hbm>>
    tpu.wait_indirect_dma semaphore(%arg9 : memref<!tpu.dma_semaphore, #tpu.memory_space<semaphore_mem>>) src(%dma_wait3A_460 : memref<100000x128xf32, #tpu.memory_space<hbm>>) dst(%dma_wait3A_454 : memref<50x128xf32, #tpu.memory_space<vmem>>)
    %dma_wait3A_461 = arith.constant 0 : i32
    %dma_wait3A_462 = arith.constant 2 : i32
    %dma_wait3A_463 = arith.constant 3 : i32
    %dma_wait3A_464 = arith.constant 0 : i32
    %dma_wait3A_465 = arith.constant 0 : i32
    %dma_wait3A_466 = tpu.memref_slice %arg6[%dma_wait3A_462, %dma_wait3A_463, %dma_wait3A_464, %dma_wait3A_465] : memref<4x4x50x128xf32, #tpu.memory_space<vmem>> -> memref<1x1x50x128xf32, #tpu.memory_space<vmem>>
    %dma_wait3A_467 = tpu.memref_squeeze %dma_wait3A_466 : memref<1x1x50x128xf32, #tpu.memory_space<vmem>> -> memref<50x128xf32, #tpu.memory_space<vmem>>
    %dma_wait3A_468 = arith.constant 0 : i32
    %dma_wait3A_469 = tpu.memref_slice %arg5[%dma_wait3A_461, %dma_wait3A_468] : memref<128x50xi32, #tpu.memory_space<vmem>> -> memref<1x50xi32, #tpu.memory_space<vmem>>
    %dma_wait3A_470 = tpu.memref_squeeze %dma_wait3A_469 : memref<1x50xi32, #tpu.memory_space<vmem>> -> memref<50xi32, #tpu.memory_space<vmem>>
    %dma_wait3A_471 = arith.constant 0 : i32
    %dma_wait3A_472 = arith.constant 0 : i32
    %dma_wait3A_473 = tpu.memref_slice %arg3[%dma_wait3A_471, %dma_wait3A_472] : memref<100000x128xf32, #tpu.memory_space<hbm>> -> memref<100000x128xf32, #tpu.memory_space<hbm>>
    tpu.wait_indirect_dma semaphore(%arg9 : memref<!tpu.dma_semaphore, #tpu.memory_space<semaphore_mem>>) src(%dma_wait3A_473 : memref<100000x128xf32, #tpu.memory_space<hbm>>) dst(%dma_wait3A_467 : memref<50x128xf32, #tpu.memory_space<vmem>>)
    %add3A_474 = arith.constant 8 : i32
    %add3A_475 = arith.addi %mul3A_2, %add3A_474 : i32
    %dma_start3A_476 = arith.constant 2 : i32
    %dma_start3A_477 = arith.constant 0 : i32
    %dma_start3A_478 = arith.constant 0 : i32
    %dma_start3A_479 = arith.constant 0 : i32
    %dma_start3A_480 = tpu.memref_slice %arg6[%dma_start3A_476, %dma_start3A_477, %dma_start3A_478, %dma_start3A_479] : memref<4x4x50x128xf32, #tpu.memory_space<vmem>> -> memref<1x4x50x128xf32, #tpu.memory_space<vmem>>
    %dma_start3A_481 = tpu.memref_squeeze %dma_start3A_480 : memref<1x4x50x128xf32, #tpu.memory_space<vmem>> -> memref<4x50x128xf32, #tpu.memory_space<vmem>>
    %dma_start3A_482 = arith.constant 0 : i32
    %dma_start3A_483 = arith.constant 0 : i32
    %dma_start3A_484 = tpu.memref_slice %arg4[%add3A_475, %dma_start3A_482, %dma_start3A_483] : memref<4096x50x128xf32, #tpu.memory_space<hbm>> -> memref<4x50x128xf32, #tpu.memory_space<hbm>>
    %dma_start3A_485 = arith.constant 0 : i32
    %dma_start3A_486 = arith.constant 0 : i32
    %dma_start3A_487 = tpu.memref_slice %arg4[%add3A_475, %dma_start3A_485, %dma_start3A_486] : memref<4096x50x128xf32, #tpu.memory_space<hbm>> -> memref<4x50x128xf32, #tpu.memory_space<hbm>>
    %dma_start3A_488 = arith.constant 0 : i32
    %dma_start3A_489 = arith.constant 0 : i32
    %dma_start3A_490 = arith.constant 0 : i32
    %dma_start3A_491 = tpu.memref_slice %arg6[%dma_start3A_476, %dma_start3A_488, %dma_start3A_489, %dma_start3A_490] : memref<4x4x50x128xf32, #tpu.memory_space<vmem>> -> memref<1x4x50x128xf32, #tpu.memory_space<vmem>>
    %dma_start3A_492 = tpu.memref_squeeze %dma_start3A_491 : memref<1x4x50x128xf32, #tpu.memory_space<vmem>> -> memref<4x50x128xf32, #tpu.memory_space<vmem>>
    tpu.enqueue_dma source(%dma_start3A_492 : memref<4x50x128xf32, #tpu.memory_space<vmem>>) target(%dma_start3A_487 : memref<4x50x128xf32, #tpu.memory_space<hbm>>) target_semaphore(%arg13 : memref<!tpu.dma_semaphore, #tpu.memory_space<semaphore_mem>>)
    %dma_wait3A_493 = arith.constant 1 : i32
    %dma_wait3A_494 = arith.constant 0 : i32
    %dma_wait3A_495 = arith.constant 0 : i32
    %dma_wait3A_496 = arith.constant 0 : i32
    %dma_wait3A_497 = tpu.memref_slice %arg6[%dma_wait3A_493, %dma_wait3A_494, %dma_wait3A_495, %dma_wait3A_496] : memref<4x4x50x128xf32, #tpu.memory_space<vmem>> -> memref<1x4x50x128xf32, #tpu.memory_space<vmem>>
    %dma_wait3A_498 = tpu.memref_squeeze %dma_wait3A_497 : memref<1x4x50x128xf32, #tpu.memory_space<vmem>> -> memref<4x50x128xf32, #tpu.memory_space<vmem>>
    %dma_wait3A_499 = arith.constant 0 : i32
    %dma_wait3A_500 = arith.constant 0 : i32
    %dma_wait3A_501 = tpu.memref_slice %arg4[%mul3A_2, %dma_wait3A_499, %dma_wait3A_500] : memref<4096x50x128xf32, #tpu.memory_space<hbm>> -> memref<4x50x128xf32, #tpu.memory_space<hbm>>
    %dma_wait3A_502 = arith.constant 0 : i32
    %dma_wait3A_503 = arith.constant 0 : i32
    %dma_wait3A_504 = tpu.memref_slice %arg4[%mul3A_2, %dma_wait3A_502, %dma_wait3A_503] : memref<4096x50x128xf32, #tpu.memory_space<hbm>> -> memref<4x50x128xf32, #tpu.memory_space<hbm>>
    %dma_wait3A_505 = arith.constant 0 : i32
    %dma_wait3A_506 = arith.constant 0 : i32
    %dma_wait3A_507 = arith.constant 0 : i32
    %dma_wait3A_508 = tpu.memref_slice %arg6[%dma_wait3A_493, %dma_wait3A_505, %dma_wait3A_506, %dma_wait3A_507] : memref<4x4x50x128xf32, #tpu.memory_space<vmem>> -> memref<1x4x50x128xf32, #tpu.memory_space<vmem>>
    %dma_wait3A_509 = tpu.memref_squeeze %dma_wait3A_508 : memref<1x4x50x128xf32, #tpu.memory_space<vmem>> -> memref<4x50x128xf32, #tpu.memory_space<vmem>>
    tpu.wait_dma2 semaphore(%arg12 : memref<!tpu.dma_semaphore, #tpu.memory_space<semaphore_mem>>) src(%dma_wait3A_509 : memref<4x50x128xf32, #tpu.memory_space<vmem>>) dst(%dma_wait3A_504 : memref<4x50x128xf32, #tpu.memory_space<hbm>>)
    %dma_start3A_510 = arith.constant 20 : i32
    %dma_start3A_511 = arith.constant 1 : i32
    %dma_start3A_512 = arith.constant 0 : i32
    %dma_start3A_513 = arith.constant 0 : i32
    %dma_start3A_514 = arith.constant 0 : i32
    %dma_start3A_515 = tpu.memref_slice %arg6[%dma_start3A_511, %dma_start3A_512, %dma_start3A_513, %dma_start3A_514] : memref<4x4x50x128xf32, #tpu.memory_space<vmem>> -> memref<1x1x50x128xf32, #tpu.memory_space<vmem>>
    %dma_start3A_516 = tpu.memref_squeeze %dma_start3A_515 : memref<1x1x50x128xf32, #tpu.memory_space<vmem>> -> memref<50x128xf32, #tpu.memory_space<vmem>>
    %dma_start3A_517 = arith.constant 0 : i32
    %dma_start3A_518 = tpu.memref_slice %arg5[%dma_start3A_510, %dma_start3A_517] : memref<128x50xi32, #tpu.memory_space<vmem>> -> memref<1x50xi32, #tpu.memory_space<vmem>>
    %dma_start3A_519 = tpu.memref_squeeze %dma_start3A_518 : memref<1x50xi32, #tpu.memory_space<vmem>> -> memref<50xi32, #tpu.memory_space<vmem>>
    %dma_start3A_520 = arith.constant 0 : i32
    %dma_start3A_521 = arith.constant 0 : i32
    %dma_start3A_522 = tpu.memref_slice %arg3[%dma_start3A_520, %dma_start3A_521] : memref<100000x128xf32, #tpu.memory_space<hbm>> -> memref<100000x128xf32, #tpu.memory_space<hbm>>
    tpu.enqueue_indirect_dma source(%dma_start3A_522 : memref<100000x128xf32, #tpu.memory_space<hbm>>) target(%dma_start3A_516 : memref<50x128xf32, #tpu.memory_space<vmem>>) offsets(%dma_start3A_519 : memref<50xi32, #tpu.memory_space<vmem>>) semaphore(%arg8 : memref<!tpu.dma_semaphore, #tpu.memory_space<semaphore_mem>>)
    %dma_start3A_523 = arith.constant 21 : i32
    %dma_start3A_524 = arith.constant 1 : i32
    %dma_start3A_525 = arith.constant 1 : i32
    %dma_start3A_526 = arith.constant 0 : i32
    %dma_start3A_527 = arith.constant 0 : i32
    %dma_start3A_528 = tpu.memref_slice %arg6[%dma_start3A_524, %dma_start3A_525, %dma_start3A_526, %dma_start3A_527] : memref<4x4x50x128xf32, #tpu.memory_space<vmem>> -> memref<1x1x50x128xf32, #tpu.memory_space<vmem>>
    %dma_start3A_529 = tpu.memref_squeeze %dma_start3A_528 : memref<1x1x50x128xf32, #tpu.memory_space<vmem>> -> memref<50x128xf32, #tpu.memory_space<vmem>>
    %dma_start3A_530 = arith.constant 0 : i32
    %dma_start3A_531 = tpu.memref_slice %arg5[%dma_start3A_523, %dma_start3A_530] : memref<128x50xi32, #tpu.memory_space<vmem>> -> memref<1x50xi32, #tpu.memory_space<vmem>>
    %dma_start3A_532 = tpu.memref_squeeze %dma_start3A_531 : memref<1x50xi32, #tpu.memory_space<vmem>> -> memref<50xi32, #tpu.memory_space<vmem>>
    %dma_start3A_533 = arith.constant 0 : i32
    %dma_start3A_534 = arith.constant 0 : i32
    %dma_start3A_535 = tpu.memref_slice %arg3[%dma_start3A_533, %dma_start3A_534] : memref<100000x128xf32, #tpu.memory_space<hbm>> -> memref<100000x128xf32, #tpu.memory_space<hbm>>
    tpu.enqueue_indirect_dma source(%dma_start3A_535 : memref<100000x128xf32, #tpu.memory_space<hbm>>) target(%dma_start3A_529 : memref<50x128xf32, #tpu.memory_space<vmem>>) offsets(%dma_start3A_532 : memref<50xi32, #tpu.memory_space<vmem>>) semaphore(%arg8 : memref<!tpu.dma_semaphore, #tpu.memory_space<semaphore_mem>>)
    %dma_start3A_536 = arith.constant 22 : i32
    %dma_start3A_537 = arith.constant 1 : i32
    %dma_start3A_538 = arith.constant 2 : i32
    %dma_start3A_539 = arith.constant 0 : i32
    %dma_start3A_540 = arith.constant 0 : i32
    %dma_start3A_541 = tpu.memref_slice %arg6[%dma_start3A_537, %dma_start3A_538, %dma_start3A_539, %dma_start3A_540] : memref<4x4x50x128xf32, #tpu.memory_space<vmem>> -> memref<1x1x50x128xf32, #tpu.memory_space<vmem>>
    %dma_start3A_542 = tpu.memref_squeeze %dma_start3A_541 : memref<1x1x50x128xf32, #tpu.memory_space<vmem>> -> memref<50x128xf32, #tpu.memory_space<vmem>>
    %dma_start3A_543 = arith.constant 0 : i32
    %dma_start3A_544 = tpu.memref_slice %arg5[%dma_start3A_536, %dma_start3A_543] : memref<128x50xi32, #tpu.memory_space<vmem>> -> memref<1x50xi32, #tpu.memory_space<vmem>>
    %dma_start3A_545 = tpu.memref_squeeze %dma_start3A_544 : memref<1x50xi32, #tpu.memory_space<vmem>> -> memref<50xi32, #tpu.memory_space<vmem>>
    %dma_start3A_546 = arith.constant 0 : i32
    %dma_start3A_547 = arith.constant 0 : i32
    %dma_start3A_548 = tpu.memref_slice %arg3[%dma_start3A_546, %dma_start3A_547] : memref<100000x128xf32, #tpu.memory_space<hbm>> -> memref<100000x128xf32, #tpu.memory_space<hbm>>
    tpu.enqueue_indirect_dma source(%dma_start3A_548 : memref<100000x128xf32, #tpu.memory_space<hbm>>) target(%dma_start3A_542 : memref<50x128xf32, #tpu.memory_space<vmem>>) offsets(%dma_start3A_545 : memref<50xi32, #tpu.memory_space<vmem>>) semaphore(%arg8 : memref<!tpu.dma_semaphore, #tpu.memory_space<semaphore_mem>>)
    %dma_start3A_549 = arith.constant 23 : i32
    %dma_start3A_550 = arith.constant 1 : i32
    %dma_start3A_551 = arith.constant 3 : i32
    %dma_start3A_552 = arith.constant 0 : i32
    %dma_start3A_553 = arith.constant 0 : i32
    %dma_start3A_554 = tpu.memref_slice %arg6[%dma_start3A_550, %dma_start3A_551, %dma_start3A_552, %dma_start3A_553] : memref<4x4x50x128xf32, #tpu.memory_space<vmem>> -> memref<1x1x50x128xf32, #tpu.memory_space<vmem>>
    %dma_start3A_555 = tpu.memref_squeeze %dma_start3A_554 : memref<1x1x50x128xf32, #tpu.memory_space<vmem>> -> memref<50x128xf32, #tpu.memory_space<vmem>>
    %dma_start3A_556 = arith.constant 0 : i32
    %dma_start3A_557 = tpu.memref_slice %arg5[%dma_start3A_549, %dma_start3A_556] : memref<128x50xi32, #tpu.memory_space<vmem>> -> memref<1x50xi32, #tpu.memory_space<vmem>>
    %dma_start3A_558 = tpu.memref_squeeze %dma_start3A_557 : memref<1x50xi32, #tpu.memory_space<vmem>> -> memref<50xi32, #tpu.memory_space<vmem>>
    %dma_start3A_559 = arith.constant 0 : i32
    %dma_start3A_560 = arith.constant 0 : i32
    %dma_start3A_561 = tpu.memref_slice %arg3[%dma_start3A_559, %dma_start3A_560] : memref<100000x128xf32, #tpu.memory_space<hbm>> -> memref<100000x128xf32, #tpu.memory_space<hbm>>
    tpu.enqueue_indirect_dma source(%dma_start3A_561 : memref<100000x128xf32, #tpu.memory_space<hbm>>) target(%dma_start3A_555 : memref<50x128xf32, #tpu.memory_space<vmem>>) offsets(%dma_start3A_558 : memref<50xi32, #tpu.memory_space<vmem>>) semaphore(%arg8 : memref<!tpu.dma_semaphore, #tpu.memory_space<semaphore_mem>>)
    %dma_wait3A_562 = arith.constant 0 : i32
    %dma_wait3A_563 = arith.constant 3 : i32
    %dma_wait3A_564 = arith.constant 0 : i32
    %dma_wait3A_565 = arith.constant 0 : i32
    %dma_wait3A_566 = arith.constant 0 : i32
    %dma_wait3A_567 = tpu.memref_slice %arg6[%dma_wait3A_563, %dma_wait3A_564, %dma_wait3A_565, %dma_wait3A_566] : memref<4x4x50x128xf32, #tpu.memory_space<vmem>> -> memref<1x1x50x128xf32, #tpu.memory_space<vmem>>
    %dma_wait3A_568 = tpu.memref_squeeze %dma_wait3A_567 : memref<1x1x50x128xf32, #tpu.memory_space<vmem>> -> memref<50x128xf32, #tpu.memory_space<vmem>>
    %dma_wait3A_569 = arith.constant 0 : i32
    %dma_wait3A_570 = tpu.memref_slice %arg5[%dma_wait3A_562, %dma_wait3A_569] : memref<128x50xi32, #tpu.memory_space<vmem>> -> memref<1x50xi32, #tpu.memory_space<vmem>>
    %dma_wait3A_571 = tpu.memref_squeeze %dma_wait3A_570 : memref<1x50xi32, #tpu.memory_space<vmem>> -> memref<50xi32, #tpu.memory_space<vmem>>
    %dma_wait3A_572 = arith.constant 0 : i32
    %dma_wait3A_573 = arith.constant 0 : i32
    %dma_wait3A_574 = tpu.memref_slice %arg3[%dma_wait3A_572, %dma_wait3A_573] : memref<100000x128xf32, #tpu.memory_space<hbm>> -> memref<100000x128xf32, #tpu.memory_space<hbm>>
    tpu.wait_indirect_dma semaphore(%arg10 : memref<!tpu.dma_semaphore, #tpu.memory_space<semaphore_mem>>) src(%dma_wait3A_574 : memref<100000x128xf32, #tpu.memory_space<hbm>>) dst(%dma_wait3A_568 : memref<50x128xf32, #tpu.memory_space<vmem>>)
    %dma_wait3A_575 = arith.constant 0 : i32
    %dma_wait3A_576 = arith.constant 3 : i32
    %dma_wait3A_577 = arith.constant 1 : i32
    %dma_wait3A_578 = arith.constant 0 : i32
    %dma_wait3A_579 = arith.constant 0 : i32
    %dma_wait3A_580 = tpu.memref_slice %arg6[%dma_wait3A_576, %dma_wait3A_577, %dma_wait3A_578, %dma_wait3A_579] : memref<4x4x50x128xf32, #tpu.memory_space<vmem>> -> memref<1x1x50x128xf32, #tpu.memory_space<vmem>>
    %dma_wait3A_581 = tpu.memref_squeeze %dma_wait3A_580 : memref<1x1x50x128xf32, #tpu.memory_space<vmem>> -> memref<50x128xf32, #tpu.memory_space<vmem>>
    %dma_wait3A_582 = arith.constant 0 : i32
    %dma_wait3A_583 = tpu.memref_slice %arg5[%dma_wait3A_575, %dma_wait3A_582] : memref<128x50xi32, #tpu.memory_space<vmem>> -> memref<1x50xi32, #tpu.memory_space<vmem>>
    %dma_wait3A_584 = tpu.memref_squeeze %dma_wait3A_583 : memref<1x50xi32, #tpu.memory_space<vmem>> -> memref<50xi32, #tpu.memory_space<vmem>>
    %dma_wait3A_585 = arith.constant 0 : i32
    %dma_wait3A_586 = arith.constant 0 : i32
    %dma_wait3A_587 = tpu.memref_slice %arg3[%dma_wait3A_585, %dma_wait3A_586] : memref<100000x128xf32, #tpu.memory_space<hbm>> -> memref<100000x128xf32, #tpu.memory_space<hbm>>
    tpu.wait_indirect_dma semaphore(%arg10 : memref<!tpu.dma_semaphore, #tpu.memory_space<semaphore_mem>>) src(%dma_wait3A_587 : memref<100000x128xf32, #tpu.memory_space<hbm>>) dst(%dma_wait3A_581 : memref<50x128xf32, #tpu.memory_space<vmem>>)
    %dma_wait3A_588 = arith.constant 0 : i32
    %dma_wait3A_589 = arith.constant 3 : i32
    %dma_wait3A_590 = arith.constant 2 : i32
    %dma_wait3A_591 = arith.constant 0 : i32
    %dma_wait3A_592 = arith.constant 0 : i32
    %dma_wait3A_593 = tpu.memref_slice %arg6[%dma_wait3A_589, %dma_wait3A_590, %dma_wait3A_591, %dma_wait3A_592] : memref<4x4x50x128xf32, #tpu.memory_space<vmem>> -> memref<1x1x50x128xf32, #tpu.memory_space<vmem>>
    %dma_wait3A_594 = tpu.memref_squeeze %dma_wait3A_593 : memref<1x1x50x128xf32, #tpu.memory_space<vmem>> -> memref<50x128xf32, #tpu.memory_space<vmem>>
    %dma_wait3A_595 = arith.constant 0 : i32
    %dma_wait3A_596 = tpu.memref_slice %arg5[%dma_wait3A_588, %dma_wait3A_595] : memref<128x50xi32, #tpu.memory_space<vmem>> -> memref<1x50xi32, #tpu.memory_space<vmem>>
    %dma_wait3A_597 = tpu.memref_squeeze %dma_wait3A_596 : memref<1x50xi32, #tpu.memory_space<vmem>> -> memref<50xi32, #tpu.memory_space<vmem>>
    %dma_wait3A_598 = arith.constant 0 : i32
    %dma_wait3A_599 = arith.constant 0 : i32
    %dma_wait3A_600 = tpu.memref_slice %arg3[%dma_wait3A_598, %dma_wait3A_599] : memref<100000x128xf32, #tpu.memory_space<hbm>> -> memref<100000x128xf32, #tpu.memory_space<hbm>>
    tpu.wait_indirect_dma semaphore(%arg10 : memref<!tpu.dma_semaphore, #tpu.memory_space<semaphore_mem>>) src(%dma_wait3A_600 : memref<100000x128xf32, #tpu.memory_space<hbm>>) dst(%dma_wait3A_594 : memref<50x128xf32, #tpu.memory_space<vmem>>)
    %dma_wait3A_601 = arith.constant 0 : i32
    %dma_wait3A_602 = arith.constant 3 : i32
    %dma_wait3A_603 = arith.constant 3 : i32
    %dma_wait3A_604 = arith.constant 0 : i32
    %dma_wait3A_605 = arith.constant 0 : i32
    %dma_wait3A_606 = tpu.memref_slice %arg6[%dma_wait3A_602, %dma_wait3A_603, %dma_wait3A_604, %dma_wait3A_605] : memref<4x4x50x128xf32, #tpu.memory_space<vmem>> -> memref<1x1x50x128xf32, #tpu.memory_space<vmem>>
    %dma_wait3A_607 = tpu.memref_squeeze %dma_wait3A_606 : memref<1x1x50x128xf32, #tpu.memory_space<vmem>> -> memref<50x128xf32, #tpu.memory_space<vmem>>
    %dma_wait3A_608 = arith.constant 0 : i32
    %dma_wait3A_609 = tpu.memref_slice %arg5[%dma_wait3A_601, %dma_wait3A_608] : memref<128x50xi32, #tpu.memory_space<vmem>> -> memref<1x50xi32, #tpu.memory_space<vmem>>
    %dma_wait3A_610 = tpu.memref_squeeze %dma_wait3A_609 : memref<1x50xi32, #tpu.memory_space<vmem>> -> memref<50xi32, #tpu.memory_space<vmem>>
    %dma_wait3A_611 = arith.constant 0 : i32
    %dma_wait3A_612 = arith.constant 0 : i32
    %dma_wait3A_613 = tpu.memref_slice %arg3[%dma_wait3A_611, %dma_wait3A_612] : memref<100000x128xf32, #tpu.memory_space<hbm>> -> memref<100000x128xf32, #tpu.memory_space<hbm>>
    tpu.wait_indirect_dma semaphore(%arg10 : memref<!tpu.dma_semaphore, #tpu.memory_space<semaphore_mem>>) src(%dma_wait3A_613 : memref<100000x128xf32, #tpu.memory_space<hbm>>) dst(%dma_wait3A_607 : memref<50x128xf32, #tpu.memory_space<vmem>>)
    %add3A_614 = arith.constant 12 : i32
    %add3A_615 = arith.addi %mul3A_2, %add3A_614 : i32
    %dma_start3A_616 = arith.constant 3 : i32
    %dma_start3A_617 = arith.constant 0 : i32
    %dma_start3A_618 = arith.constant 0 : i32
    %dma_start3A_619 = arith.constant 0 : i32
    %dma_start3A_620 = tpu.memref_slice %arg6[%dma_start3A_616, %dma_start3A_617, %dma_start3A_618, %dma_start3A_619] : memref<4x4x50x128xf32, #tpu.memory_space<vmem>> -> memref<1x4x50x128xf32, #tpu.memory_space<vmem>>
    %dma_start3A_621 = tpu.memref_squeeze %dma_start3A_620 : memref<1x4x50x128xf32, #tpu.memory_space<vmem>> -> memref<4x50x128xf32, #tpu.memory_space<vmem>>
    %dma_start3A_622 = arith.constant 0 : i32
    %dma_start3A_623 = arith.constant 0 : i32
    %dma_start3A_624 = tpu.memref_slice %arg4[%add3A_615, %dma_start3A_622, %dma_start3A_623] : memref<4096x50x128xf32, #tpu.memory_space<hbm>> -> memref<4x50x128xf32, #tpu.memory_space<hbm>>
    %dma_start3A_625 = arith.constant 0 : i32
    %dma_start3A_626 = arith.constant 0 : i32
    %dma_start3A_627 = tpu.memref_slice %arg4[%add3A_615, %dma_start3A_625, %dma_start3A_626] : memref<4096x50x128xf32, #tpu.memory_space<hbm>> -> memref<4x50x128xf32, #tpu.memory_space<hbm>>
    %dma_start3A_628 = arith.constant 0 : i32
    %dma_start3A_629 = arith.constant 0 : i32
    %dma_start3A_630 = arith.constant 0 : i32
    %dma_start3A_631 = tpu.memref_slice %arg6[%dma_start3A_616, %dma_start3A_628, %dma_start3A_629, %dma_start3A_630] : memref<4x4x50x128xf32, #tpu.memory_space<vmem>> -> memref<1x4x50x128xf32, #tpu.memory_space<vmem>>
    %dma_start3A_632 = tpu.memref_squeeze %dma_start3A_631 : memref<1x4x50x128xf32, #tpu.memory_space<vmem>> -> memref<4x50x128xf32, #tpu.memory_space<vmem>>
    tpu.enqueue_dma source(%dma_start3A_632 : memref<4x50x128xf32, #tpu.memory_space<vmem>>) target(%dma_start3A_627 : memref<4x50x128xf32, #tpu.memory_space<hbm>>) target_semaphore(%arg14 : memref<!tpu.dma_semaphore, #tpu.memory_space<semaphore_mem>>)
    %scan3A = arith.constant 0 : i32
    %scan3A_633 = arith.constant 1 : i32
    %scan3A_634 = arith.constant 6 : i32
    %scan3A_635 = arith.addi %scan3A_633, %scan3A_634 : i32
    %scan3A_636 = arith.constant 1 : i32
    scf.for %scan3A_1128 = %scan3A_633 to %scan3A_635 step %scan3A_636  : i32 {
      %mul3A_1129 = arith.constant 4 : i32
      %mul3A_1130 = arith.muli %scan3A_1128, %mul3A_1129 : i32
      %add3A_1131 = arith.constant 0 : i32
      %add3A_1132 = arith.addi %mul3A_1130, %add3A_1131 : i32
      %dma_wait3A_1133 = arith.constant 2 : i32
      %dma_wait3A_1134 = arith.constant 0 : i32
      %dma_wait3A_1135 = arith.constant 0 : i32
      %dma_wait3A_1136 = arith.constant 0 : i32
      %dma_wait3A_1137 = tpu.memref_slice %arg6[%dma_wait3A_1133, %dma_wait3A_1134, %dma_wait3A_1135, %dma_wait3A_1136] : memref<4x4x50x128xf32, #tpu.memory_space<vmem>> -> memref<1x4x50x128xf32, #tpu.memory_space<vmem>>
      %dma_wait3A_1138 = tpu.memref_squeeze %dma_wait3A_1137 : memref<1x4x50x128xf32, #tpu.memory_space<vmem>> -> memref<4x50x128xf32, #tpu.memory_space<vmem>>
      %dma_wait3A_1139 = arith.constant 0 : i32
      %dma_wait3A_1140 = arith.constant 0 : i32
      %dma_wait3A_1141 = tpu.memref_slice %arg4[%mul3A_2, %dma_wait3A_1139, %dma_wait3A_1140] : memref<4096x50x128xf32, #tpu.memory_space<hbm>> -> memref<4x50x128xf32, #tpu.memory_space<hbm>>
      %dma_wait3A_1142 = arith.constant 0 : i32
      %dma_wait3A_1143 = arith.constant 0 : i32
      %dma_wait3A_1144 = tpu.memref_slice %arg4[%mul3A_2, %dma_wait3A_1142, %dma_wait3A_1143] : memref<4096x50x128xf32, #tpu.memory_space<hbm>> -> memref<4x50x128xf32, #tpu.memory_space<hbm>>
      %dma_wait3A_1145 = arith.constant 0 : i32
      %dma_wait3A_1146 = arith.constant 0 : i32
      %dma_wait3A_1147 = arith.constant 0 : i32
      %dma_wait3A_1148 = tpu.memref_slice %arg6[%dma_wait3A_1133, %dma_wait3A_1145, %dma_wait3A_1146, %dma_wait3A_1147] : memref<4x4x50x128xf32, #tpu.memory_space<vmem>> -> memref<1x4x50x128xf32, #tpu.memory_space<vmem>>
      %dma_wait3A_1149 = tpu.memref_squeeze %dma_wait3A_1148 : memref<1x4x50x128xf32, #tpu.memory_space<vmem>> -> memref<4x50x128xf32, #tpu.memory_space<vmem>>
      tpu.wait_dma2 semaphore(%arg13 : memref<!tpu.dma_semaphore, #tpu.memory_space<semaphore_mem>>) src(%dma_wait3A_1149 : memref<4x50x128xf32, #tpu.memory_space<vmem>>) dst(%dma_wait3A_1144 : memref<4x50x128xf32, #tpu.memory_space<hbm>>)
      %add3A_1150 = arith.constant 2 : i32
      %add3A_1151 = arith.addi %add3A_1132, %add3A_1150 : i32
      %mul3A_1152 = arith.constant 4 : i32
      %mul3A_1153 = arith.muli %add3A_1151, %mul3A_1152 : i32
      %add3A_1154 = arith.constant 0 : i32
      %add3A_1155 = arith.addi %mul3A_1153, %add3A_1154 : i32
      %dma_start3A_1156 = arith.constant 2 : i32
      %dma_start3A_1157 = arith.constant 0 : i32
      %dma_start3A_1158 = arith.constant 0 : i32
      %dma_start3A_1159 = arith.constant 0 : i32
      %dma_start3A_1160 = tpu.memref_slice %arg6[%dma_start3A_1156, %dma_start3A_1157, %dma_start3A_1158, %dma_start3A_1159] : memref<4x4x50x128xf32, #tpu.memory_space<vmem>> -> memref<1x1x50x128xf32, #tpu.memory_space<vmem>>
      %dma_start3A_1161 = tpu.memref_squeeze %dma_start3A_1160 : memref<1x1x50x128xf32, #tpu.memory_space<vmem>> -> memref<50x128xf32, #tpu.memory_space<vmem>>
      %dma_start3A_1162 = arith.constant 0 : i32
      %dma_start3A_1163 = tpu.memref_slice %arg5[%add3A_1155, %dma_start3A_1162] : memref<128x50xi32, #tpu.memory_space<vmem>> -> memref<1x50xi32, #tpu.memory_space<vmem>>
      %dma_start3A_1164 = tpu.memref_squeeze %dma_start3A_1163 : memref<1x50xi32, #tpu.memory_space<vmem>> -> memref<50xi32, #tpu.memory_space<vmem>>
      %dma_start3A_1165 = arith.constant 0 : i32
      %dma_start3A_1166 = arith.constant 0 : i32
      %dma_start3A_1167 = tpu.memref_slice %arg3[%dma_start3A_1165, %dma_start3A_1166] : memref<100000x128xf32, #tpu.memory_space<hbm>> -> memref<100000x128xf32, #tpu.memory_space<hbm>>
      tpu.enqueue_indirect_dma source(%dma_start3A_1167 : memref<100000x128xf32, #tpu.memory_space<hbm>>) target(%dma_start3A_1161 : memref<50x128xf32, #tpu.memory_space<vmem>>) offsets(%dma_start3A_1164 : memref<50xi32, #tpu.memory_space<vmem>>) semaphore(%arg9 : memref<!tpu.dma_semaphore, #tpu.memory_space<semaphore_mem>>)
      %mul3A_1168 = arith.constant 4 : i32
      %mul3A_1169 = arith.muli %add3A_1151, %mul3A_1168 : i32
      %add3A_1170 = arith.constant 1 : i32
      %add3A_1171 = arith.addi %mul3A_1169, %add3A_1170 : i32
      %dma_start3A_1172 = arith.constant 2 : i32
      %dma_start3A_1173 = arith.constant 1 : i32
      %dma_start3A_1174 = arith.constant 0 : i32
      %dma_start3A_1175 = arith.constant 0 : i32
      %dma_start3A_1176 = tpu.memref_slice %arg6[%dma_start3A_1172, %dma_start3A_1173, %dma_start3A_1174, %dma_start3A_1175] : memref<4x4x50x128xf32, #tpu.memory_space<vmem>> -> memref<1x1x50x128xf32, #tpu.memory_space<vmem>>
      %dma_start3A_1177 = tpu.memref_squeeze %dma_start3A_1176 : memref<1x1x50x128xf32, #tpu.memory_space<vmem>> -> memref<50x128xf32, #tpu.memory_space<vmem>>
      %dma_start3A_1178 = arith.constant 0 : i32
      %dma_start3A_1179 = tpu.memref_slice %arg5[%add3A_1171, %dma_start3A_1178] : memref<128x50xi32, #tpu.memory_space<vmem>> -> memref<1x50xi32, #tpu.memory_space<vmem>>
      %dma_start3A_1180 = tpu.memref_squeeze %dma_start3A_1179 : memref<1x50xi32, #tpu.memory_space<vmem>> -> memref<50xi32, #tpu.memory_space<vmem>>
      %dma_start3A_1181 = arith.constant 0 : i32
      %dma_start3A_1182 = arith.constant 0 : i32
      %dma_start3A_1183 = tpu.memref_slice %arg3[%dma_start3A_1181, %dma_start3A_1182] : memref<100000x128xf32, #tpu.memory_space<hbm>> -> memref<100000x128xf32, #tpu.memory_space<hbm>>
      tpu.enqueue_indirect_dma source(%dma_start3A_1183 : memref<100000x128xf32, #tpu.memory_space<hbm>>) target(%dma_start3A_1177 : memref<50x128xf32, #tpu.memory_space<vmem>>) offsets(%dma_start3A_1180 : memref<50xi32, #tpu.memory_space<vmem>>) semaphore(%arg9 : memref<!tpu.dma_semaphore, #tpu.memory_space<semaphore_mem>>)
      %mul3A_1184 = arith.constant 4 : i32
      %mul3A_1185 = arith.muli %add3A_1151, %mul3A_1184 : i32
      %add3A_1186 = arith.constant 2 : i32
      %add3A_1187 = arith.addi %mul3A_1185, %add3A_1186 : i32
      %dma_start3A_1188 = arith.constant 2 : i32
      %dma_start3A_1189 = arith.constant 2 : i32
      %dma_start3A_1190 = arith.constant 0 : i32
      %dma_start3A_1191 = arith.constant 0 : i32
      %dma_start3A_1192 = tpu.memref_slice %arg6[%dma_start3A_1188, %dma_start3A_1189, %dma_start3A_1190, %dma_start3A_1191] : memref<4x4x50x128xf32, #tpu.memory_space<vmem>> -> memref<1x1x50x128xf32, #tpu.memory_space<vmem>>
      %dma_start3A_1193 = tpu.memref_squeeze %dma_start3A_1192 : memref<1x1x50x128xf32, #tpu.memory_space<vmem>> -> memref<50x128xf32, #tpu.memory_space<vmem>>
      %dma_start3A_1194 = arith.constant 0 : i32
      %dma_start3A_1195 = tpu.memref_slice %arg5[%add3A_1187, %dma_start3A_1194] : memref<128x50xi32, #tpu.memory_space<vmem>> -> memref<1x50xi32, #tpu.memory_space<vmem>>
      %dma_start3A_1196 = tpu.memref_squeeze %dma_start3A_1195 : memref<1x50xi32, #tpu.memory_space<vmem>> -> memref<50xi32, #tpu.memory_space<vmem>>
      %dma_start3A_1197 = arith.constant 0 : i32
      %dma_start3A_1198 = arith.constant 0 : i32
      %dma_start3A_1199 = tpu.memref_slice %arg3[%dma_start3A_1197, %dma_start3A_1198] : memref<100000x128xf32, #tpu.memory_space<hbm>> -> memref<100000x128xf32, #tpu.memory_space<hbm>>
      tpu.enqueue_indirect_dma source(%dma_start3A_1199 : memref<100000x128xf32, #tpu.memory_space<hbm>>) target(%dma_start3A_1193 : memref<50x128xf32, #tpu.memory_space<vmem>>) offsets(%dma_start3A_1196 : memref<50xi32, #tpu.memory_space<vmem>>) semaphore(%arg9 : memref<!tpu.dma_semaphore, #tpu.memory_space<semaphore_mem>>)
      %mul3A_1200 = arith.constant 4 : i32
      %mul3A_1201 = arith.muli %add3A_1151, %mul3A_1200 : i32
      %add3A_1202 = arith.constant 3 : i32
      %add3A_1203 = arith.addi %mul3A_1201, %add3A_1202 : i32
      %dma_start3A_1204 = arith.constant 2 : i32
      %dma_start3A_1205 = arith.constant 3 : i32
      %dma_start3A_1206 = arith.constant 0 : i32
      %dma_start3A_1207 = arith.constant 0 : i32
      %dma_start3A_1208 = tpu.memref_slice %arg6[%dma_start3A_1204, %dma_start3A_1205, %dma_start3A_1206, %dma_start3A_1207] : memref<4x4x50x128xf32, #tpu.memory_space<vmem>> -> memref<1x1x50x128xf32, #tpu.memory_space<vmem>>
      %dma_start3A_1209 = tpu.memref_squeeze %dma_start3A_1208 : memref<1x1x50x128xf32, #tpu.memory_space<vmem>> -> memref<50x128xf32, #tpu.memory_space<vmem>>
      %dma_start3A_1210 = arith.constant 0 : i32
      %dma_start3A_1211 = tpu.memref_slice %arg5[%add3A_1203, %dma_start3A_1210] : memref<128x50xi32, #tpu.memory_space<vmem>> -> memref<1x50xi32, #tpu.memory_space<vmem>>
      %dma_start3A_1212 = tpu.memref_squeeze %dma_start3A_1211 : memref<1x50xi32, #tpu.memory_space<vmem>> -> memref<50xi32, #tpu.memory_space<vmem>>
      %dma_start3A_1213 = arith.constant 0 : i32
      %dma_start3A_1214 = arith.constant 0 : i32
      %dma_start3A_1215 = tpu.memref_slice %arg3[%dma_start3A_1213, %dma_start3A_1214] : memref<100000x128xf32, #tpu.memory_space<hbm>> -> memref<100000x128xf32, #tpu.memory_space<hbm>>
      tpu.enqueue_indirect_dma source(%dma_start3A_1215 : memref<100000x128xf32, #tpu.memory_space<hbm>>) target(%dma_start3A_1209 : memref<50x128xf32, #tpu.memory_space<vmem>>) offsets(%dma_start3A_1212 : memref<50xi32, #tpu.memory_space<vmem>>) semaphore(%arg9 : memref<!tpu.dma_semaphore, #tpu.memory_space<semaphore_mem>>)
      %dma_wait3A_1216 = arith.constant 0 : i32
      %dma_wait3A_1217 = arith.constant 0 : i32
      %dma_wait3A_1218 = arith.constant 0 : i32
      %dma_wait3A_1219 = arith.constant 0 : i32
      %dma_wait3A_1220 = arith.constant 0 : i32
      %dma_wait3A_1221 = tpu.memref_slice %arg6[%dma_wait3A_1217, %dma_wait3A_1218, %dma_wait3A_1219, %dma_wait3A_1220] : memref<4x4x50x128xf32, #tpu.memory_space<vmem>> -> memref<1x1x50x128xf32, #tpu.memory_space<vmem>>
      %dma_wait3A_1222 = tpu.memref_squeeze %dma_wait3A_1221 : memref<1x1x50x128xf32, #tpu.memory_space<vmem>> -> memref<50x128xf32, #tpu.memory_space<vmem>>
      %dma_wait3A_1223 = arith.constant 0 : i32
      %dma_wait3A_1224 = tpu.memref_slice %arg5[%dma_wait3A_1216, %dma_wait3A_1223] : memref<128x50xi32, #tpu.memory_space<vmem>> -> memref<1x50xi32, #tpu.memory_space<vmem>>
      %dma_wait3A_1225 = tpu.memref_squeeze %dma_wait3A_1224 : memref<1x50xi32, #tpu.memory_space<vmem>> -> memref<50xi32, #tpu.memory_space<vmem>>
      %dma_wait3A_1226 = arith.constant 0 : i32
      %dma_wait3A_1227 = arith.constant 0 : i32
      %dma_wait3A_1228 = tpu.memref_slice %arg3[%dma_wait3A_1226, %dma_wait3A_1227] : memref<100000x128xf32, #tpu.memory_space<hbm>> -> memref<100000x128xf32, #tpu.memory_space<hbm>>
      tpu.wait_indirect_dma semaphore(%arg7 : memref<!tpu.dma_semaphore, #tpu.memory_space<semaphore_mem>>) src(%dma_wait3A_1228 : memref<100000x128xf32, #tpu.memory_space<hbm>>) dst(%dma_wait3A_1222 : memref<50x128xf32, #tpu.memory_space<vmem>>)
      %dma_wait3A_1229 = arith.constant 0 : i32
      %dma_wait3A_1230 = arith.constant 0 : i32
      %dma_wait3A_1231 = arith.constant 1 : i32
      %dma_wait3A_1232 = arith.constant 0 : i32
      %dma_wait3A_1233 = arith.constant 0 : i32
      %dma_wait3A_1234 = tpu.memref_slice %arg6[%dma_wait3A_1230, %dma_wait3A_1231, %dma_wait3A_1232, %dma_wait3A_1233] : memref<4x4x50x128xf32, #tpu.memory_space<vmem>> -> memref<1x1x50x128xf32, #tpu.memory_space<vmem>>
      %dma_wait3A_1235 = tpu.memref_squeeze %dma_wait3A_1234 : memref<1x1x50x128xf32, #tpu.memory_space<vmem>> -> memref<50x128xf32, #tpu.memory_space<vmem>>
      %dma_wait3A_1236 = arith.constant 0 : i32
      %dma_wait3A_1237 = tpu.memref_slice %arg5[%dma_wait3A_1229, %dma_wait3A_1236] : memref<128x50xi32, #tpu.memory_space<vmem>> -> memref<1x50xi32, #tpu.memory_space<vmem>>
      %dma_wait3A_1238 = tpu.memref_squeeze %dma_wait3A_1237 : memref<1x50xi32, #tpu.memory_space<vmem>> -> memref<50xi32, #tpu.memory_space<vmem>>
      %dma_wait3A_1239 = arith.constant 0 : i32
      %dma_wait3A_1240 = arith.constant 0 : i32
      %dma_wait3A_1241 = tpu.memref_slice %arg3[%dma_wait3A_1239, %dma_wait3A_1240] : memref<100000x128xf32, #tpu.memory_space<hbm>> -> memref<100000x128xf32, #tpu.memory_space<hbm>>
      tpu.wait_indirect_dma semaphore(%arg7 : memref<!tpu.dma_semaphore, #tpu.memory_space<semaphore_mem>>) src(%dma_wait3A_1241 : memref<100000x128xf32, #tpu.memory_space<hbm>>) dst(%dma_wait3A_1235 : memref<50x128xf32, #tpu.memory_space<vmem>>)
      %dma_wait3A_1242 = arith.constant 0 : i32
      %dma_wait3A_1243 = arith.constant 0 : i32
      %dma_wait3A_1244 = arith.constant 2 : i32
      %dma_wait3A_1245 = arith.constant 0 : i32
      %dma_wait3A_1246 = arith.constant 0 : i32
      %dma_wait3A_1247 = tpu.memref_slice %arg6[%dma_wait3A_1243, %dma_wait3A_1244, %dma_wait3A_1245, %dma_wait3A_1246] : memref<4x4x50x128xf32, #tpu.memory_space<vmem>> -> memref<1x1x50x128xf32, #tpu.memory_space<vmem>>
      %dma_wait3A_1248 = tpu.memref_squeeze %dma_wait3A_1247 : memref<1x1x50x128xf32, #tpu.memory_space<vmem>> -> memref<50x128xf32, #tpu.memory_space<vmem>>
      %dma_wait3A_1249 = arith.constant 0 : i32
      %dma_wait3A_1250 = tpu.memref_slice %arg5[%dma_wait3A_1242, %dma_wait3A_1249] : memref<128x50xi32, #tpu.memory_space<vmem>> -> memref<1x50xi32, #tpu.memory_space<vmem>>
      %dma_wait3A_1251 = tpu.memref_squeeze %dma_wait3A_1250 : memref<1x50xi32, #tpu.memory_space<vmem>> -> memref<50xi32, #tpu.memory_space<vmem>>
      %dma_wait3A_1252 = arith.constant 0 : i32
      %dma_wait3A_1253 = arith.constant 0 : i32
      %dma_wait3A_1254 = tpu.memref_slice %arg3[%dma_wait3A_1252, %dma_wait3A_1253] : memref<100000x128xf32, #tpu.memory_space<hbm>> -> memref<100000x128xf32, #tpu.memory_space<hbm>>
      tpu.wait_indirect_dma semaphore(%arg7 : memref<!tpu.dma_semaphore, #tpu.memory_space<semaphore_mem>>) src(%dma_wait3A_1254 : memref<100000x128xf32, #tpu.memory_space<hbm>>) dst(%dma_wait3A_1248 : memref<50x128xf32, #tpu.memory_space<vmem>>)
      %dma_wait3A_1255 = arith.constant 0 : i32
      %dma_wait3A_1256 = arith.constant 0 : i32
      %dma_wait3A_1257 = arith.constant 3 : i32
      %dma_wait3A_1258 = arith.constant 0 : i32
      %dma_wait3A_1259 = arith.constant 0 : i32
      %dma_wait3A_1260 = tpu.memref_slice %arg6[%dma_wait3A_1256, %dma_wait3A_1257, %dma_wait3A_1258, %dma_wait3A_1259] : memref<4x4x50x128xf32, #tpu.memory_space<vmem>> -> memref<1x1x50x128xf32, #tpu.memory_space<vmem>>
      %dma_wait3A_1261 = tpu.memref_squeeze %dma_wait3A_1260 : memref<1x1x50x128xf32, #tpu.memory_space<vmem>> -> memref<50x128xf32, #tpu.memory_space<vmem>>
      %dma_wait3A_1262 = arith.constant 0 : i32
      %dma_wait3A_1263 = tpu.memref_slice %arg5[%dma_wait3A_1255, %dma_wait3A_1262] : memref<128x50xi32, #tpu.memory_space<vmem>> -> memref<1x50xi32, #tpu.memory_space<vmem>>
      %dma_wait3A_1264 = tpu.memref_squeeze %dma_wait3A_1263 : memref<1x50xi32, #tpu.memory_space<vmem>> -> memref<50xi32, #tpu.memory_space<vmem>>
      %dma_wait3A_1265 = arith.constant 0 : i32
      %dma_wait3A_1266 = arith.constant 0 : i32
      %dma_wait3A_1267 = tpu.memref_slice %arg3[%dma_wait3A_1265, %dma_wait3A_1266] : memref<100000x128xf32, #tpu.memory_space<hbm>> -> memref<100000x128xf32, #tpu.memory_space<hbm>>
      tpu.wait_indirect_dma semaphore(%arg7 : memref<!tpu.dma_semaphore, #tpu.memory_space<semaphore_mem>>) src(%dma_wait3A_1267 : memref<100000x128xf32, #tpu.memory_space<hbm>>) dst(%dma_wait3A_1261 : memref<50x128xf32, #tpu.memory_space<vmem>>)
      %mul3A_1268 = arith.constant 4 : i32
      %mul3A_1269 = arith.muli %add3A_1132, %mul3A_1268 : i32
      %add3A_1270 = arith.addi %mul3A_2, %mul3A_1269 : i32
      %dma_start3A_1271 = arith.constant 0 : i32
      %dma_start3A_1272 = arith.constant 0 : i32
      %dma_start3A_1273 = arith.constant 0 : i32
      %dma_start3A_1274 = arith.constant 0 : i32
      %dma_start3A_1275 = tpu.memref_slice %arg6[%dma_start3A_1271, %dma_start3A_1272, %dma_start3A_1273, %dma_start3A_1274] : memref<4x4x50x128xf32, #tpu.memory_space<vmem>> -> memref<1x4x50x128xf32, #tpu.memory_space<vmem>>
      %dma_start3A_1276 = tpu.memref_squeeze %dma_start3A_1275 : memref<1x4x50x128xf32, #tpu.memory_space<vmem>> -> memref<4x50x128xf32, #tpu.memory_space<vmem>>
      %dma_start3A_1277 = arith.constant 0 : i32
      %dma_start3A_1278 = arith.constant 0 : i32
      %dma_start3A_1279 = tpu.memref_slice %arg4[%add3A_1270, %dma_start3A_1277, %dma_start3A_1278] : memref<4096x50x128xf32, #tpu.memory_space<hbm>> -> memref<4x50x128xf32, #tpu.memory_space<hbm>>
      %dma_start3A_1280 = arith.constant 0 : i32
      %dma_start3A_1281 = arith.constant 0 : i32
      %dma_start3A_1282 = tpu.memref_slice %arg4[%add3A_1270, %dma_start3A_1280, %dma_start3A_1281] : memref<4096x50x128xf32, #tpu.memory_space<hbm>> -> memref<4x50x128xf32, #tpu.memory_space<hbm>>
      %dma_start3A_1283 = arith.constant 0 : i32
      %dma_start3A_1284 = arith.constant 0 : i32
      %dma_start3A_1285 = arith.constant 0 : i32
      %dma_start3A_1286 = tpu.memref_slice %arg6[%dma_start3A_1271, %dma_start3A_1283, %dma_start3A_1284, %dma_start3A_1285] : memref<4x4x50x128xf32, #tpu.memory_space<vmem>> -> memref<1x4x50x128xf32, #tpu.memory_space<vmem>>
      %dma_start3A_1287 = tpu.memref_squeeze %dma_start3A_1286 : memref<1x4x50x128xf32, #tpu.memory_space<vmem>> -> memref<4x50x128xf32, #tpu.memory_space<vmem>>
      tpu.enqueue_dma source(%dma_start3A_1287 : memref<4x50x128xf32, #tpu.memory_space<vmem>>) target(%dma_start3A_1282 : memref<4x50x128xf32, #tpu.memory_space<hbm>>) target_semaphore(%arg11 : memref<!tpu.dma_semaphore, #tpu.memory_space<semaphore_mem>>)
      %mul3A_1288 = arith.constant 4 : i32
      %mul3A_1289 = arith.muli %scan3A_1128, %mul3A_1288 : i32
      %add3A_1290 = arith.constant 1 : i32
      %add3A_1291 = arith.addi %mul3A_1289, %add3A_1290 : i32
      %dma_wait3A_1292 = arith.constant 3 : i32
      %dma_wait3A_1293 = arith.constant 0 : i32
      %dma_wait3A_1294 = arith.constant 0 : i32
      %dma_wait3A_1295 = arith.constant 0 : i32
      %dma_wait3A_1296 = tpu.memref_slice %arg6[%dma_wait3A_1292, %dma_wait3A_1293, %dma_wait3A_1294, %dma_wait3A_1295] : memref<4x4x50x128xf32, #tpu.memory_space<vmem>> -> memref<1x4x50x128xf32, #tpu.memory_space<vmem>>
      %dma_wait3A_1297 = tpu.memref_squeeze %dma_wait3A_1296 : memref<1x4x50x128xf32, #tpu.memory_space<vmem>> -> memref<4x50x128xf32, #tpu.memory_space<vmem>>
      %dma_wait3A_1298 = arith.constant 0 : i32
      %dma_wait3A_1299 = arith.constant 0 : i32
      %dma_wait3A_1300 = tpu.memref_slice %arg4[%mul3A_2, %dma_wait3A_1298, %dma_wait3A_1299] : memref<4096x50x128xf32, #tpu.memory_space<hbm>> -> memref<4x50x128xf32, #tpu.memory_space<hbm>>
      %dma_wait3A_1301 = arith.constant 0 : i32
      %dma_wait3A_1302 = arith.constant 0 : i32
      %dma_wait3A_1303 = tpu.memref_slice %arg4[%mul3A_2, %dma_wait3A_1301, %dma_wait3A_1302] : memref<4096x50x128xf32, #tpu.memory_space<hbm>> -> memref<4x50x128xf32, #tpu.memory_space<hbm>>
      %dma_wait3A_1304 = arith.constant 0 : i32
      %dma_wait3A_1305 = arith.constant 0 : i32
      %dma_wait3A_1306 = arith.constant 0 : i32
      %dma_wait3A_1307 = tpu.memref_slice %arg6[%dma_wait3A_1292, %dma_wait3A_1304, %dma_wait3A_1305, %dma_wait3A_1306] : memref<4x4x50x128xf32, #tpu.memory_space<vmem>> -> memref<1x4x50x128xf32, #tpu.memory_space<vmem>>
      %dma_wait3A_1308 = tpu.memref_squeeze %dma_wait3A_1307 : memref<1x4x50x128xf32, #tpu.memory_space<vmem>> -> memref<4x50x128xf32, #tpu.memory_space<vmem>>
      tpu.wait_dma2 semaphore(%arg14 : memref<!tpu.dma_semaphore, #tpu.memory_space<semaphore_mem>>) src(%dma_wait3A_1308 : memref<4x50x128xf32, #tpu.memory_space<vmem>>) dst(%dma_wait3A_1303 : memref<4x50x128xf32, #tpu.memory_space<hbm>>)
      %add3A_1309 = arith.constant 2 : i32
      %add3A_1310 = arith.addi %add3A_1291, %add3A_1309 : i32
      %mul3A_1311 = arith.constant 4 : i32
      %mul3A_1312 = arith.muli %add3A_1310, %mul3A_1311 : i32
      %add3A_1313 = arith.constant 0 : i32
      %add3A_1314 = arith.addi %mul3A_1312, %add3A_1313 : i32
      %dma_start3A_1315 = arith.constant 3 : i32
      %dma_start3A_1316 = arith.constant 0 : i32
      %dma_start3A_1317 = arith.constant 0 : i32
      %dma_start3A_1318 = arith.constant 0 : i32
      %dma_start3A_1319 = tpu.memref_slice %arg6[%dma_start3A_1315, %dma_start3A_1316, %dma_start3A_1317, %dma_start3A_1318] : memref<4x4x50x128xf32, #tpu.memory_space<vmem>> -> memref<1x1x50x128xf32, #tpu.memory_space<vmem>>
      %dma_start3A_1320 = tpu.memref_squeeze %dma_start3A_1319 : memref<1x1x50x128xf32, #tpu.memory_space<vmem>> -> memref<50x128xf32, #tpu.memory_space<vmem>>
      %dma_start3A_1321 = arith.constant 0 : i32
      %dma_start3A_1322 = tpu.memref_slice %arg5[%add3A_1314, %dma_start3A_1321] : memref<128x50xi32, #tpu.memory_space<vmem>> -> memref<1x50xi32, #tpu.memory_space<vmem>>
      %dma_start3A_1323 = tpu.memref_squeeze %dma_start3A_1322 : memref<1x50xi32, #tpu.memory_space<vmem>> -> memref<50xi32, #tpu.memory_space<vmem>>
      %dma_start3A_1324 = arith.constant 0 : i32
      %dma_start3A_1325 = arith.constant 0 : i32
      %dma_start3A_1326 = tpu.memref_slice %arg3[%dma_start3A_1324, %dma_start3A_1325] : memref<100000x128xf32, #tpu.memory_space<hbm>> -> memref<100000x128xf32, #tpu.memory_space<hbm>>
      tpu.enqueue_indirect_dma source(%dma_start3A_1326 : memref<100000x128xf32, #tpu.memory_space<hbm>>) target(%dma_start3A_1320 : memref<50x128xf32, #tpu.memory_space<vmem>>) offsets(%dma_start3A_1323 : memref<50xi32, #tpu.memory_space<vmem>>) semaphore(%arg10 : memref<!tpu.dma_semaphore, #tpu.memory_space<semaphore_mem>>)
      %mul3A_1327 = arith.constant 4 : i32
      %mul3A_1328 = arith.muli %add3A_1310, %mul3A_1327 : i32
      %add3A_1329 = arith.constant 1 : i32
      %add3A_1330 = arith.addi %mul3A_1328, %add3A_1329 : i32
      %dma_start3A_1331 = arith.constant 3 : i32
      %dma_start3A_1332 = arith.constant 1 : i32
      %dma_start3A_1333 = arith.constant 0 : i32
      %dma_start3A_1334 = arith.constant 0 : i32
      %dma_start3A_1335 = tpu.memref_slice %arg6[%dma_start3A_1331, %dma_start3A_1332, %dma_start3A_1333, %dma_start3A_1334] : memref<4x4x50x128xf32, #tpu.memory_space<vmem>> -> memref<1x1x50x128xf32, #tpu.memory_space<vmem>>
      %dma_start3A_1336 = tpu.memref_squeeze %dma_start3A_1335 : memref<1x1x50x128xf32, #tpu.memory_space<vmem>> -> memref<50x128xf32, #tpu.memory_space<vmem>>
      %dma_start3A_1337 = arith.constant 0 : i32
      %dma_start3A_1338 = tpu.memref_slice %arg5[%add3A_1330, %dma_start3A_1337] : memref<128x50xi32, #tpu.memory_space<vmem>> -> memref<1x50xi32, #tpu.memory_space<vmem>>
      %dma_start3A_1339 = tpu.memref_squeeze %dma_start3A_1338 : memref<1x50xi32, #tpu.memory_space<vmem>> -> memref<50xi32, #tpu.memory_space<vmem>>
      %dma_start3A_1340 = arith.constant 0 : i32
      %dma_start3A_1341 = arith.constant 0 : i32
      %dma_start3A_1342 = tpu.memref_slice %arg3[%dma_start3A_1340, %dma_start3A_1341] : memref<100000x128xf32, #tpu.memory_space<hbm>> -> memref<100000x128xf32, #tpu.memory_space<hbm>>
      tpu.enqueue_indirect_dma source(%dma_start3A_1342 : memref<100000x128xf32, #tpu.memory_space<hbm>>) target(%dma_start3A_1336 : memref<50x128xf32, #tpu.memory_space<vmem>>) offsets(%dma_start3A_1339 : memref<50xi32, #tpu.memory_space<vmem>>) semaphore(%arg10 : memref<!tpu.dma_semaphore, #tpu.memory_space<semaphore_mem>>)
      %mul3A_1343 = arith.constant 4 : i32
      %mul3A_1344 = arith.muli %add3A_1310, %mul3A_1343 : i32
      %add3A_1345 = arith.constant 2 : i32
      %add3A_1346 = arith.addi %mul3A_1344, %add3A_1345 : i32
      %dma_start3A_1347 = arith.constant 3 : i32
      %dma_start3A_1348 = arith.constant 2 : i32
      %dma_start3A_1349 = arith.constant 0 : i32
      %dma_start3A_1350 = arith.constant 0 : i32
      %dma_start3A_1351 = tpu.memref_slice %arg6[%dma_start3A_1347, %dma_start3A_1348, %dma_start3A_1349, %dma_start3A_1350] : memref<4x4x50x128xf32, #tpu.memory_space<vmem>> -> memref<1x1x50x128xf32, #tpu.memory_space<vmem>>
      %dma_start3A_1352 = tpu.memref_squeeze %dma_start3A_1351 : memref<1x1x50x128xf32, #tpu.memory_space<vmem>> -> memref<50x128xf32, #tpu.memory_space<vmem>>
      %dma_start3A_1353 = arith.constant 0 : i32
      %dma_start3A_1354 = tpu.memref_slice %arg5[%add3A_1346, %dma_start3A_1353] : memref<128x50xi32, #tpu.memory_space<vmem>> -> memref<1x50xi32, #tpu.memory_space<vmem>>
      %dma_start3A_1355 = tpu.memref_squeeze %dma_start3A_1354 : memref<1x50xi32, #tpu.memory_space<vmem>> -> memref<50xi32, #tpu.memory_space<vmem>>
      %dma_start3A_1356 = arith.constant 0 : i32
      %dma_start3A_1357 = arith.constant 0 : i32
      %dma_start3A_1358 = tpu.memref_slice %arg3[%dma_start3A_1356, %dma_start3A_1357] : memref<100000x128xf32, #tpu.memory_space<hbm>> -> memref<100000x128xf32, #tpu.memory_space<hbm>>
      tpu.enqueue_indirect_dma source(%dma_start3A_1358 : memref<100000x128xf32, #tpu.memory_space<hbm>>) target(%dma_start3A_1352 : memref<50x128xf32, #tpu.memory_space<vmem>>) offsets(%dma_start3A_1355 : memref<50xi32, #tpu.memory_space<vmem>>) semaphore(%arg10 : memref<!tpu.dma_semaphore, #tpu.memory_space<semaphore_mem>>)
      %mul3A_1359 = arith.constant 4 : i32
      %mul3A_1360 = arith.muli %add3A_1310, %mul3A_1359 : i32
      %add3A_1361 = arith.constant 3 : i32
      %add3A_1362 = arith.addi %mul3A_1360, %add3A_1361 : i32
      %dma_start3A_1363 = arith.constant 3 : i32
      %dma_start3A_1364 = arith.constant 3 : i32
      %dma_start3A_1365 = arith.constant 0 : i32
      %dma_start3A_1366 = arith.constant 0 : i32
      %dma_start3A_1367 = tpu.memref_slice %arg6[%dma_start3A_1363, %dma_start3A_1364, %dma_start3A_1365, %dma_start3A_1366] : memref<4x4x50x128xf32, #tpu.memory_space<vmem>> -> memref<1x1x50x128xf32, #tpu.memory_space<vmem>>
      %dma_start3A_1368 = tpu.memref_squeeze %dma_start3A_1367 : memref<1x1x50x128xf32, #tpu.memory_space<vmem>> -> memref<50x128xf32, #tpu.memory_space<vmem>>
      %dma_start3A_1369 = arith.constant 0 : i32
      %dma_start3A_1370 = tpu.memref_slice %arg5[%add3A_1362, %dma_start3A_1369] : memref<128x50xi32, #tpu.memory_space<vmem>> -> memref<1x50xi32, #tpu.memory_space<vmem>>
      %dma_start3A_1371 = tpu.memref_squeeze %dma_start3A_1370 : memref<1x50xi32, #tpu.memory_space<vmem>> -> memref<50xi32, #tpu.memory_space<vmem>>
      %dma_start3A_1372 = arith.constant 0 : i32
      %dma_start3A_1373 = arith.constant 0 : i32
      %dma_start3A_1374 = tpu.memref_slice %arg3[%dma_start3A_1372, %dma_start3A_1373] : memref<100000x128xf32, #tpu.memory_space<hbm>> -> memref<100000x128xf32, #tpu.memory_space<hbm>>
      tpu.enqueue_indirect_dma source(%dma_start3A_1374 : memref<100000x128xf32, #tpu.memory_space<hbm>>) target(%dma_start3A_1368 : memref<50x128xf32, #tpu.memory_space<vmem>>) offsets(%dma_start3A_1371 : memref<50xi32, #tpu.memory_space<vmem>>) semaphore(%arg10 : memref<!tpu.dma_semaphore, #tpu.memory_space<semaphore_mem>>)
      %dma_wait3A_1375 = arith.constant 0 : i32
      %dma_wait3A_1376 = arith.constant 1 : i32
      %dma_wait3A_1377 = arith.constant 0 : i32
      %dma_wait3A_1378 = arith.constant 0 : i32
      %dma_wait3A_1379 = arith.constant 0 : i32
      %dma_wait3A_1380 = tpu.memref_slice %arg6[%dma_wait3A_1376, %dma_wait3A_1377, %dma_wait3A_1378, %dma_wait3A_1379] : memref<4x4x50x128xf32, #tpu.memory_space<vmem>> -> memref<1x1x50x128xf32, #tpu.memory_space<vmem>>
      %dma_wait3A_1381 = tpu.memref_squeeze %dma_wait3A_1380 : memref<1x1x50x128xf32, #tpu.memory_space<vmem>> -> memref<50x128xf32, #tpu.memory_space<vmem>>
      %dma_wait3A_1382 = arith.constant 0 : i32
      %dma_wait3A_1383 = tpu.memref_slice %arg5[%dma_wait3A_1375, %dma_wait3A_1382] : memref<128x50xi32, #tpu.memory_space<vmem>> -> memref<1x50xi32, #tpu.memory_space<vmem>>
      %dma_wait3A_1384 = tpu.memref_squeeze %dma_wait3A_1383 : memref<1x50xi32, #tpu.memory_space<vmem>> -> memref<50xi32, #tpu.memory_space<vmem>>
      %dma_wait3A_1385 = arith.constant 0 : i32
      %dma_wait3A_1386 = arith.constant 0 : i32
      %dma_wait3A_1387 = tpu.memref_slice %arg3[%dma_wait3A_1385, %dma_wait3A_1386] : memref<100000x128xf32, #tpu.memory_space<hbm>> -> memref<100000x128xf32, #tpu.memory_space<hbm>>
      tpu.wait_indirect_dma semaphore(%arg8 : memref<!tpu.dma_semaphore, #tpu.memory_space<semaphore_mem>>) src(%dma_wait3A_1387 : memref<100000x128xf32, #tpu.memory_space<hbm>>) dst(%dma_wait3A_1381 : memref<50x128xf32, #tpu.memory_space<vmem>>)
      %dma_wait3A_1388 = arith.constant 0 : i32
      %dma_wait3A_1389 = arith.constant 1 : i32
      %dma_wait3A_1390 = arith.constant 1 : i32
      %dma_wait3A_1391 = arith.constant 0 : i32
      %dma_wait3A_1392 = arith.constant 0 : i32
      %dma_wait3A_1393 = tpu.memref_slice %arg6[%dma_wait3A_1389, %dma_wait3A_1390, %dma_wait3A_1391, %dma_wait3A_1392] : memref<4x4x50x128xf32, #tpu.memory_space<vmem>> -> memref<1x1x50x128xf32, #tpu.memory_space<vmem>>
      %dma_wait3A_1394 = tpu.memref_squeeze %dma_wait3A_1393 : memref<1x1x50x128xf32, #tpu.memory_space<vmem>> -> memref<50x128xf32, #tpu.memory_space<vmem>>
      %dma_wait3A_1395 = arith.constant 0 : i32
      %dma_wait3A_1396 = tpu.memref_slice %arg5[%dma_wait3A_1388, %dma_wait3A_1395] : memref<128x50xi32, #tpu.memory_space<vmem>> -> memref<1x50xi32, #tpu.memory_space<vmem>>
      %dma_wait3A_1397 = tpu.memref_squeeze %dma_wait3A_1396 : memref<1x50xi32, #tpu.memory_space<vmem>> -> memref<50xi32, #tpu.memory_space<vmem>>
      %dma_wait3A_1398 = arith.constant 0 : i32
      %dma_wait3A_1399 = arith.constant 0 : i32
      %dma_wait3A_1400 = tpu.memref_slice %arg3[%dma_wait3A_1398, %dma_wait3A_1399] : memref<100000x128xf32, #tpu.memory_space<hbm>> -> memref<100000x128xf32, #tpu.memory_space<hbm>>
      tpu.wait_indirect_dma semaphore(%arg8 : memref<!tpu.dma_semaphore, #tpu.memory_space<semaphore_mem>>) src(%dma_wait3A_1400 : memref<100000x128xf32, #tpu.memory_space<hbm>>) dst(%dma_wait3A_1394 : memref<50x128xf32, #tpu.memory_space<vmem>>)
      %dma_wait3A_1401 = arith.constant 0 : i32
      %dma_wait3A_1402 = arith.constant 1 : i32
      %dma_wait3A_1403 = arith.constant 2 : i32
      %dma_wait3A_1404 = arith.constant 0 : i32
      %dma_wait3A_1405 = arith.constant 0 : i32
      %dma_wait3A_1406 = tpu.memref_slice %arg6[%dma_wait3A_1402, %dma_wait3A_1403, %dma_wait3A_1404, %dma_wait3A_1405] : memref<4x4x50x128xf32, #tpu.memory_space<vmem>> -> memref<1x1x50x128xf32, #tpu.memory_space<vmem>>
      %dma_wait3A_1407 = tpu.memref_squeeze %dma_wait3A_1406 : memref<1x1x50x128xf32, #tpu.memory_space<vmem>> -> memref<50x128xf32, #tpu.memory_space<vmem>>
      %dma_wait3A_1408 = arith.constant 0 : i32
      %dma_wait3A_1409 = tpu.memref_slice %arg5[%dma_wait3A_1401, %dma_wait3A_1408] : memref<128x50xi32, #tpu.memory_space<vmem>> -> memref<1x50xi32, #tpu.memory_space<vmem>>
      %dma_wait3A_1410 = tpu.memref_squeeze %dma_wait3A_1409 : memref<1x50xi32, #tpu.memory_space<vmem>> -> memref<50xi32, #tpu.memory_space<vmem>>
      %dma_wait3A_1411 = arith.constant 0 : i32
      %dma_wait3A_1412 = arith.constant 0 : i32
      %dma_wait3A_1413 = tpu.memref_slice %arg3[%dma_wait3A_1411, %dma_wait3A_1412] : memref<100000x128xf32, #tpu.memory_space<hbm>> -> memref<100000x128xf32, #tpu.memory_space<hbm>>
      tpu.wait_indirect_dma semaphore(%arg8 : memref<!tpu.dma_semaphore, #tpu.memory_space<semaphore_mem>>) src(%dma_wait3A_1413 : memref<100000x128xf32, #tpu.memory_space<hbm>>) dst(%dma_wait3A_1407 : memref<50x128xf32, #tpu.memory_space<vmem>>)
      %dma_wait3A_1414 = arith.constant 0 : i32
      %dma_wait3A_1415 = arith.constant 1 : i32
      %dma_wait3A_1416 = arith.constant 3 : i32
      %dma_wait3A_1417 = arith.constant 0 : i32
      %dma_wait3A_1418 = arith.constant 0 : i32
      %dma_wait3A_1419 = tpu.memref_slice %arg6[%dma_wait3A_1415, %dma_wait3A_1416, %dma_wait3A_1417, %dma_wait3A_1418] : memref<4x4x50x128xf32, #tpu.memory_space<vmem>> -> memref<1x1x50x128xf32, #tpu.memory_space<vmem>>
      %dma_wait3A_1420 = tpu.memref_squeeze %dma_wait3A_1419 : memref<1x1x50x128xf32, #tpu.memory_space<vmem>> -> memref<50x128xf32, #tpu.memory_space<vmem>>
      %dma_wait3A_1421 = arith.constant 0 : i32
      %dma_wait3A_1422 = tpu.memref_slice %arg5[%dma_wait3A_1414, %dma_wait3A_1421] : memref<128x50xi32, #tpu.memory_space<vmem>> -> memref<1x50xi32, #tpu.memory_space<vmem>>
      %dma_wait3A_1423 = tpu.memref_squeeze %dma_wait3A_1422 : memref<1x50xi32, #tpu.memory_space<vmem>> -> memref<50xi32, #tpu.memory_space<vmem>>
      %dma_wait3A_1424 = arith.constant 0 : i32
      %dma_wait3A_1425 = arith.constant 0 : i32
      %dma_wait3A_1426 = tpu.memref_slice %arg3[%dma_wait3A_1424, %dma_wait3A_1425] : memref<100000x128xf32, #tpu.memory_space<hbm>> -> memref<100000x128xf32, #tpu.memory_space<hbm>>
      tpu.wait_indirect_dma semaphore(%arg8 : memref<!tpu.dma_semaphore, #tpu.memory_space<semaphore_mem>>) src(%dma_wait3A_1426 : memref<100000x128xf32, #tpu.memory_space<hbm>>) dst(%dma_wait3A_1420 : memref<50x128xf32, #tpu.memory_space<vmem>>)
      %mul3A_1427 = arith.constant 4 : i32
      %mul3A_1428 = arith.muli %add3A_1291, %mul3A_1427 : i32
      %add3A_1429 = arith.addi %mul3A_2, %mul3A_1428 : i32
      %dma_start3A_1430 = arith.constant 1 : i32
      %dma_start3A_1431 = arith.constant 0 : i32
      %dma_start3A_1432 = arith.constant 0 : i32
      %dma_start3A_1433 = arith.constant 0 : i32
      %dma_start3A_1434 = tpu.memref_slice %arg6[%dma_start3A_1430, %dma_start3A_1431, %dma_start3A_1432, %dma_start3A_1433] : memref<4x4x50x128xf32, #tpu.memory_space<vmem>> -> memref<1x4x50x128xf32, #tpu.memory_space<vmem>>
      %dma_start3A_1435 = tpu.memref_squeeze %dma_start3A_1434 : memref<1x4x50x128xf32, #tpu.memory_space<vmem>> -> memref<4x50x128xf32, #tpu.memory_space<vmem>>
      %dma_start3A_1436 = arith.constant 0 : i32
      %dma_start3A_1437 = arith.constant 0 : i32
      %dma_start3A_1438 = tpu.memref_slice %arg4[%add3A_1429, %dma_start3A_1436, %dma_start3A_1437] : memref<4096x50x128xf32, #tpu.memory_space<hbm>> -> memref<4x50x128xf32, #tpu.memory_space<hbm>>
      %dma_start3A_1439 = arith.constant 0 : i32
      %dma_start3A_1440 = arith.constant 0 : i32
      %dma_start3A_1441 = tpu.memref_slice %arg4[%add3A_1429, %dma_start3A_1439, %dma_start3A_1440] : memref<4096x50x128xf32, #tpu.memory_space<hbm>> -> memref<4x50x128xf32, #tpu.memory_space<hbm>>
      %dma_start3A_1442 = arith.constant 0 : i32
      %dma_start3A_1443 = arith.constant 0 : i32
      %dma_start3A_1444 = arith.constant 0 : i32
      %dma_start3A_1445 = tpu.memref_slice %arg6[%dma_start3A_1430, %dma_start3A_1442, %dma_start3A_1443, %dma_start3A_1444] : memref<4x4x50x128xf32, #tpu.memory_space<vmem>> -> memref<1x4x50x128xf32, #tpu.memory_space<vmem>>
      %dma_start3A_1446 = tpu.memref_squeeze %dma_start3A_1445 : memref<1x4x50x128xf32, #tpu.memory_space<vmem>> -> memref<4x50x128xf32, #tpu.memory_space<vmem>>
      tpu.enqueue_dma source(%dma_start3A_1446 : memref<4x50x128xf32, #tpu.memory_space<vmem>>) target(%dma_start3A_1441 : memref<4x50x128xf32, #tpu.memory_space<hbm>>) target_semaphore(%arg12 : memref<!tpu.dma_semaphore, #tpu.memory_space<semaphore_mem>>)
      %mul3A_1447 = arith.constant 4 : i32
      %mul3A_1448 = arith.muli %scan3A_1128, %mul3A_1447 : i32
      %add3A_1449 = arith.constant 2 : i32
      %add3A_1450 = arith.addi %mul3A_1448, %add3A_1449 : i32
      %dma_wait3A_1451 = arith.constant 0 : i32
      %dma_wait3A_1452 = arith.constant 0 : i32
      %dma_wait3A_1453 = arith.constant 0 : i32
      %dma_wait3A_1454 = arith.constant 0 : i32
      %dma_wait3A_1455 = tpu.memref_slice %arg6[%dma_wait3A_1451, %dma_wait3A_1452, %dma_wait3A_1453, %dma_wait3A_1454] : memref<4x4x50x128xf32, #tpu.memory_space<vmem>> -> memref<1x4x50x128xf32, #tpu.memory_space<vmem>>
      %dma_wait3A_1456 = tpu.memref_squeeze %dma_wait3A_1455 : memref<1x4x50x128xf32, #tpu.memory_space<vmem>> -> memref<4x50x128xf32, #tpu.memory_space<vmem>>
      %dma_wait3A_1457 = arith.constant 0 : i32
      %dma_wait3A_1458 = arith.constant 0 : i32
      %dma_wait3A_1459 = tpu.memref_slice %arg4[%mul3A_2, %dma_wait3A_1457, %dma_wait3A_1458] : memref<4096x50x128xf32, #tpu.memory_space<hbm>> -> memref<4x50x128xf32, #tpu.memory_space<hbm>>
      %dma_wait3A_1460 = arith.constant 0 : i32
      %dma_wait3A_1461 = arith.constant 0 : i32
      %dma_wait3A_1462 = tpu.memref_slice %arg4[%mul3A_2, %dma_wait3A_1460, %dma_wait3A_1461] : memref<4096x50x128xf32, #tpu.memory_space<hbm>> -> memref<4x50x128xf32, #tpu.memory_space<hbm>>
      %dma_wait3A_1463 = arith.constant 0 : i32
      %dma_wait3A_1464 = arith.constant 0 : i32
      %dma_wait3A_1465 = arith.constant 0 : i32
      %dma_wait3A_1466 = tpu.memref_slice %arg6[%dma_wait3A_1451, %dma_wait3A_1463, %dma_wait3A_1464, %dma_wait3A_1465] : memref<4x4x50x128xf32, #tpu.memory_space<vmem>> -> memref<1x4x50x128xf32, #tpu.memory_space<vmem>>
      %dma_wait3A_1467 = tpu.memref_squeeze %dma_wait3A_1466 : memref<1x4x50x128xf32, #tpu.memory_space<vmem>> -> memref<4x50x128xf32, #tpu.memory_space<vmem>>
      tpu.wait_dma2 semaphore(%arg11 : memref<!tpu.dma_semaphore, #tpu.memory_space<semaphore_mem>>) src(%dma_wait3A_1467 : memref<4x50x128xf32, #tpu.memory_space<vmem>>) dst(%dma_wait3A_1462 : memref<4x50x128xf32, #tpu.memory_space<hbm>>)
      %add3A_1468 = arith.constant 2 : i32
      %add3A_1469 = arith.addi %add3A_1450, %add3A_1468 : i32
      %mul3A_1470 = arith.constant 4 : i32
      %mul3A_1471 = arith.muli %add3A_1469, %mul3A_1470 : i32
      %add3A_1472 = arith.constant 0 : i32
      %add3A_1473 = arith.addi %mul3A_1471, %add3A_1472 : i32
      %dma_start3A_1474 = arith.constant 0 : i32
      %dma_start3A_1475 = arith.constant 0 : i32
      %dma_start3A_1476 = arith.constant 0 : i32
      %dma_start3A_1477 = arith.constant 0 : i32
      %dma_start3A_1478 = tpu.memref_slice %arg6[%dma_start3A_1474, %dma_start3A_1475, %dma_start3A_1476, %dma_start3A_1477] : memref<4x4x50x128xf32, #tpu.memory_space<vmem>> -> memref<1x1x50x128xf32, #tpu.memory_space<vmem>>
      %dma_start3A_1479 = tpu.memref_squeeze %dma_start3A_1478 : memref<1x1x50x128xf32, #tpu.memory_space<vmem>> -> memref<50x128xf32, #tpu.memory_space<vmem>>
      %dma_start3A_1480 = arith.constant 0 : i32
      %dma_start3A_1481 = tpu.memref_slice %arg5[%add3A_1473, %dma_start3A_1480] : memref<128x50xi32, #tpu.memory_space<vmem>> -> memref<1x50xi32, #tpu.memory_space<vmem>>
      %dma_start3A_1482 = tpu.memref_squeeze %dma_start3A_1481 : memref<1x50xi32, #tpu.memory_space<vmem>> -> memref<50xi32, #tpu.memory_space<vmem>>
      %dma_start3A_1483 = arith.constant 0 : i32
      %dma_start3A_1484 = arith.constant 0 : i32
      %dma_start3A_1485 = tpu.memref_slice %arg3[%dma_start3A_1483, %dma_start3A_1484] : memref<100000x128xf32, #tpu.memory_space<hbm>> -> memref<100000x128xf32, #tpu.memory_space<hbm>>
      tpu.enqueue_indirect_dma source(%dma_start3A_1485 : memref<100000x128xf32, #tpu.memory_space<hbm>>) target(%dma_start3A_1479 : memref<50x128xf32, #tpu.memory_space<vmem>>) offsets(%dma_start3A_1482 : memref<50xi32, #tpu.memory_space<vmem>>) semaphore(%arg7 : memref<!tpu.dma_semaphore, #tpu.memory_space<semaphore_mem>>)
      %mul3A_1486 = arith.constant 4 : i32
      %mul3A_1487 = arith.muli %add3A_1469, %mul3A_1486 : i32
      %add3A_1488 = arith.constant 1 : i32
      %add3A_1489 = arith.addi %mul3A_1487, %add3A_1488 : i32
      %dma_start3A_1490 = arith.constant 0 : i32
      %dma_start3A_1491 = arith.constant 1 : i32
      %dma_start3A_1492 = arith.constant 0 : i32
      %dma_start3A_1493 = arith.constant 0 : i32
      %dma_start3A_1494 = tpu.memref_slice %arg6[%dma_start3A_1490, %dma_start3A_1491, %dma_start3A_1492, %dma_start3A_1493] : memref<4x4x50x128xf32, #tpu.memory_space<vmem>> -> memref<1x1x50x128xf32, #tpu.memory_space<vmem>>
      %dma_start3A_1495 = tpu.memref_squeeze %dma_start3A_1494 : memref<1x1x50x128xf32, #tpu.memory_space<vmem>> -> memref<50x128xf32, #tpu.memory_space<vmem>>
      %dma_start3A_1496 = arith.constant 0 : i32
      %dma_start3A_1497 = tpu.memref_slice %arg5[%add3A_1489, %dma_start3A_1496] : memref<128x50xi32, #tpu.memory_space<vmem>> -> memref<1x50xi32, #tpu.memory_space<vmem>>
      %dma_start3A_1498 = tpu.memref_squeeze %dma_start3A_1497 : memref<1x50xi32, #tpu.memory_space<vmem>> -> memref<50xi32, #tpu.memory_space<vmem>>
      %dma_start3A_1499 = arith.constant 0 : i32
      %dma_start3A_1500 = arith.constant 0 : i32
      %dma_start3A_1501 = tpu.memref_slice %arg3[%dma_start3A_1499, %dma_start3A_1500] : memref<100000x128xf32, #tpu.memory_space<hbm>> -> memref<100000x128xf32, #tpu.memory_space<hbm>>
      tpu.enqueue_indirect_dma source(%dma_start3A_1501 : memref<100000x128xf32, #tpu.memory_space<hbm>>) target(%dma_start3A_1495 : memref<50x128xf32, #tpu.memory_space<vmem>>) offsets(%dma_start3A_1498 : memref<50xi32, #tpu.memory_space<vmem>>) semaphore(%arg7 : memref<!tpu.dma_semaphore, #tpu.memory_space<semaphore_mem>>)
      %mul3A_1502 = arith.constant 4 : i32
      %mul3A_1503 = arith.muli %add3A_1469, %mul3A_1502 : i32
      %add3A_1504 = arith.constant 2 : i32
      %add3A_1505 = arith.addi %mul3A_1503, %add3A_1504 : i32
      %dma_start3A_1506 = arith.constant 0 : i32
      %dma_start3A_1507 = arith.constant 2 : i32
      %dma_start3A_1508 = arith.constant 0 : i32
      %dma_start3A_1509 = arith.constant 0 : i32
      %dma_start3A_1510 = tpu.memref_slice %arg6[%dma_start3A_1506, %dma_start3A_1507, %dma_start3A_1508, %dma_start3A_1509] : memref<4x4x50x128xf32, #tpu.memory_space<vmem>> -> memref<1x1x50x128xf32, #tpu.memory_space<vmem>>
      %dma_start3A_1511 = tpu.memref_squeeze %dma_start3A_1510 : memref<1x1x50x128xf32, #tpu.memory_space<vmem>> -> memref<50x128xf32, #tpu.memory_space<vmem>>
      %dma_start3A_1512 = arith.constant 0 : i32
      %dma_start3A_1513 = tpu.memref_slice %arg5[%add3A_1505, %dma_start3A_1512] : memref<128x50xi32, #tpu.memory_space<vmem>> -> memref<1x50xi32, #tpu.memory_space<vmem>>
      %dma_start3A_1514 = tpu.memref_squeeze %dma_start3A_1513 : memref<1x50xi32, #tpu.memory_space<vmem>> -> memref<50xi32, #tpu.memory_space<vmem>>
      %dma_start3A_1515 = arith.constant 0 : i32
      %dma_start3A_1516 = arith.constant 0 : i32
      %dma_start3A_1517 = tpu.memref_slice %arg3[%dma_start3A_1515, %dma_start3A_1516] : memref<100000x128xf32, #tpu.memory_space<hbm>> -> memref<100000x128xf32, #tpu.memory_space<hbm>>
      tpu.enqueue_indirect_dma source(%dma_start3A_1517 : memref<100000x128xf32, #tpu.memory_space<hbm>>) target(%dma_start3A_1511 : memref<50x128xf32, #tpu.memory_space<vmem>>) offsets(%dma_start3A_1514 : memref<50xi32, #tpu.memory_space<vmem>>) semaphore(%arg7 : memref<!tpu.dma_semaphore, #tpu.memory_space<semaphore_mem>>)
      %mul3A_1518 = arith.constant 4 : i32
      %mul3A_1519 = arith.muli %add3A_1469, %mul3A_1518 : i32
      %add3A_1520 = arith.constant 3 : i32
      %add3A_1521 = arith.addi %mul3A_1519, %add3A_1520 : i32
      %dma_start3A_1522 = arith.constant 0 : i32
      %dma_start3A_1523 = arith.constant 3 : i32
      %dma_start3A_1524 = arith.constant 0 : i32
      %dma_start3A_1525 = arith.constant 0 : i32
      %dma_start3A_1526 = tpu.memref_slice %arg6[%dma_start3A_1522, %dma_start3A_1523, %dma_start3A_1524, %dma_start3A_1525] : memref<4x4x50x128xf32, #tpu.memory_space<vmem>> -> memref<1x1x50x128xf32, #tpu.memory_space<vmem>>
      %dma_start3A_1527 = tpu.memref_squeeze %dma_start3A_1526 : memref<1x1x50x128xf32, #tpu.memory_space<vmem>> -> memref<50x128xf32, #tpu.memory_space<vmem>>
      %dma_start3A_1528 = arith.constant 0 : i32
      %dma_start3A_1529 = tpu.memref_slice %arg5[%add3A_1521, %dma_start3A_1528] : memref<128x50xi32, #tpu.memory_space<vmem>> -> memref<1x50xi32, #tpu.memory_space<vmem>>
      %dma_start3A_1530 = tpu.memref_squeeze %dma_start3A_1529 : memref<1x50xi32, #tpu.memory_space<vmem>> -> memref<50xi32, #tpu.memory_space<vmem>>
      %dma_start3A_1531 = arith.constant 0 : i32
      %dma_start3A_1532 = arith.constant 0 : i32
      %dma_start3A_1533 = tpu.memref_slice %arg3[%dma_start3A_1531, %dma_start3A_1532] : memref<100000x128xf32, #tpu.memory_space<hbm>> -> memref<100000x128xf32, #tpu.memory_space<hbm>>
      tpu.enqueue_indirect_dma source(%dma_start3A_1533 : memref<100000x128xf32, #tpu.memory_space<hbm>>) target(%dma_start3A_1527 : memref<50x128xf32, #tpu.memory_space<vmem>>) offsets(%dma_start3A_1530 : memref<50xi32, #tpu.memory_space<vmem>>) semaphore(%arg7 : memref<!tpu.dma_semaphore, #tpu.memory_space<semaphore_mem>>)
      %dma_wait3A_1534 = arith.constant 0 : i32
      %dma_wait3A_1535 = arith.constant 2 : i32
      %dma_wait3A_1536 = arith.constant 0 : i32
      %dma_wait3A_1537 = arith.constant 0 : i32
      %dma_wait3A_1538 = arith.constant 0 : i32
      %dma_wait3A_1539 = tpu.memref_slice %arg6[%dma_wait3A_1535, %dma_wait3A_1536, %dma_wait3A_1537, %dma_wait3A_1538] : memref<4x4x50x128xf32, #tpu.memory_space<vmem>> -> memref<1x1x50x128xf32, #tpu.memory_space<vmem>>
      %dma_wait3A_1540 = tpu.memref_squeeze %dma_wait3A_1539 : memref<1x1x50x128xf32, #tpu.memory_space<vmem>> -> memref<50x128xf32, #tpu.memory_space<vmem>>
      %dma_wait3A_1541 = arith.constant 0 : i32
      %dma_wait3A_1542 = tpu.memref_slice %arg5[%dma_wait3A_1534, %dma_wait3A_1541] : memref<128x50xi32, #tpu.memory_space<vmem>> -> memref<1x50xi32, #tpu.memory_space<vmem>>
      %dma_wait3A_1543 = tpu.memref_squeeze %dma_wait3A_1542 : memref<1x50xi32, #tpu.memory_space<vmem>> -> memref<50xi32, #tpu.memory_space<vmem>>
      %dma_wait3A_1544 = arith.constant 0 : i32
      %dma_wait3A_1545 = arith.constant 0 : i32
      %dma_wait3A_1546 = tpu.memref_slice %arg3[%dma_wait3A_1544, %dma_wait3A_1545] : memref<100000x128xf32, #tpu.memory_space<hbm>> -> memref<100000x128xf32, #tpu.memory_space<hbm>>
      tpu.wait_indirect_dma semaphore(%arg9 : memref<!tpu.dma_semaphore, #tpu.memory_space<semaphore_mem>>) src(%dma_wait3A_1546 : memref<100000x128xf32, #tpu.memory_space<hbm>>) dst(%dma_wait3A_1540 : memref<50x128xf32, #tpu.memory_space<vmem>>)
      %dma_wait3A_1547 = arith.constant 0 : i32
      %dma_wait3A_1548 = arith.constant 2 : i32
      %dma_wait3A_1549 = arith.constant 1 : i32
      %dma_wait3A_1550 = arith.constant 0 : i32
      %dma_wait3A_1551 = arith.constant 0 : i32
      %dma_wait3A_1552 = tpu.memref_slice %arg6[%dma_wait3A_1548, %dma_wait3A_1549, %dma_wait3A_1550, %dma_wait3A_1551] : memref<4x4x50x128xf32, #tpu.memory_space<vmem>> -> memref<1x1x50x128xf32, #tpu.memory_space<vmem>>
      %dma_wait3A_1553 = tpu.memref_squeeze %dma_wait3A_1552 : memref<1x1x50x128xf32, #tpu.memory_space<vmem>> -> memref<50x128xf32, #tpu.memory_space<vmem>>
      %dma_wait3A_1554 = arith.constant 0 : i32
      %dma_wait3A_1555 = tpu.memref_slice %arg5[%dma_wait3A_1547, %dma_wait3A_1554] : memref<128x50xi32, #tpu.memory_space<vmem>> -> memref<1x50xi32, #tpu.memory_space<vmem>>
      %dma_wait3A_1556 = tpu.memref_squeeze %dma_wait3A_1555 : memref<1x50xi32, #tpu.memory_space<vmem>> -> memref<50xi32, #tpu.memory_space<vmem>>
      %dma_wait3A_1557 = arith.constant 0 : i32
      %dma_wait3A_1558 = arith.constant 0 : i32
      %dma_wait3A_1559 = tpu.memref_slice %arg3[%dma_wait3A_1557, %dma_wait3A_1558] : memref<100000x128xf32, #tpu.memory_space<hbm>> -> memref<100000x128xf32, #tpu.memory_space<hbm>>
      tpu.wait_indirect_dma semaphore(%arg9 : memref<!tpu.dma_semaphore, #tpu.memory_space<semaphore_mem>>) src(%dma_wait3A_1559 : memref<100000x128xf32, #tpu.memory_space<hbm>>) dst(%dma_wait3A_1553 : memref<50x128xf32, #tpu.memory_space<vmem>>)
      %dma_wait3A_1560 = arith.constant 0 : i32
      %dma_wait3A_1561 = arith.constant 2 : i32
      %dma_wait3A_1562 = arith.constant 2 : i32
      %dma_wait3A_1563 = arith.constant 0 : i32
      %dma_wait3A_1564 = arith.constant 0 : i32
      %dma_wait3A_1565 = tpu.memref_slice %arg6[%dma_wait3A_1561, %dma_wait3A_1562, %dma_wait3A_1563, %dma_wait3A_1564] : memref<4x4x50x128xf32, #tpu.memory_space<vmem>> -> memref<1x1x50x128xf32, #tpu.memory_space<vmem>>
      %dma_wait3A_1566 = tpu.memref_squeeze %dma_wait3A_1565 : memref<1x1x50x128xf32, #tpu.memory_space<vmem>> -> memref<50x128xf32, #tpu.memory_space<vmem>>
      %dma_wait3A_1567 = arith.constant 0 : i32
      %dma_wait3A_1568 = tpu.memref_slice %arg5[%dma_wait3A_1560, %dma_wait3A_1567] : memref<128x50xi32, #tpu.memory_space<vmem>> -> memref<1x50xi32, #tpu.memory_space<vmem>>
      %dma_wait3A_1569 = tpu.memref_squeeze %dma_wait3A_1568 : memref<1x50xi32, #tpu.memory_space<vmem>> -> memref<50xi32, #tpu.memory_space<vmem>>
      %dma_wait3A_1570 = arith.constant 0 : i32
      %dma_wait3A_1571 = arith.constant 0 : i32
      %dma_wait3A_1572 = tpu.memref_slice %arg3[%dma_wait3A_1570, %dma_wait3A_1571] : memref<100000x128xf32, #tpu.memory_space<hbm>> -> memref<100000x128xf32, #tpu.memory_space<hbm>>
      tpu.wait_indirect_dma semaphore(%arg9 : memref<!tpu.dma_semaphore, #tpu.memory_space<semaphore_mem>>) src(%dma_wait3A_1572 : memref<100000x128xf32, #tpu.memory_space<hbm>>) dst(%dma_wait3A_1566 : memref<50x128xf32, #tpu.memory_space<vmem>>)
      %dma_wait3A_1573 = arith.constant 0 : i32
      %dma_wait3A_1574 = arith.constant 2 : i32
      %dma_wait3A_1575 = arith.constant 3 : i32
      %dma_wait3A_1576 = arith.constant 0 : i32
      %dma_wait3A_1577 = arith.constant 0 : i32
      %dma_wait3A_1578 = tpu.memref_slice %arg6[%dma_wait3A_1574, %dma_wait3A_1575, %dma_wait3A_1576, %dma_wait3A_1577] : memref<4x4x50x128xf32, #tpu.memory_space<vmem>> -> memref<1x1x50x128xf32, #tpu.memory_space<vmem>>
      %dma_wait3A_1579 = tpu.memref_squeeze %dma_wait3A_1578 : memref<1x1x50x128xf32, #tpu.memory_space<vmem>> -> memref<50x128xf32, #tpu.memory_space<vmem>>
      %dma_wait3A_1580 = arith.constant 0 : i32
      %dma_wait3A_1581 = tpu.memref_slice %arg5[%dma_wait3A_1573, %dma_wait3A_1580] : memref<128x50xi32, #tpu.memory_space<vmem>> -> memref<1x50xi32, #tpu.memory_space<vmem>>
      %dma_wait3A_1582 = tpu.memref_squeeze %dma_wait3A_1581 : memref<1x50xi32, #tpu.memory_space<vmem>> -> memref<50xi32, #tpu.memory_space<vmem>>
      %dma_wait3A_1583 = arith.constant 0 : i32
      %dma_wait3A_1584 = arith.constant 0 : i32
      %dma_wait3A_1585 = tpu.memref_slice %arg3[%dma_wait3A_1583, %dma_wait3A_1584] : memref<100000x128xf32, #tpu.memory_space<hbm>> -> memref<100000x128xf32, #tpu.memory_space<hbm>>
      tpu.wait_indirect_dma semaphore(%arg9 : memref<!tpu.dma_semaphore, #tpu.memory_space<semaphore_mem>>) src(%dma_wait3A_1585 : memref<100000x128xf32, #tpu.memory_space<hbm>>) dst(%dma_wait3A_1579 : memref<50x128xf32, #tpu.memory_space<vmem>>)
      %mul3A_1586 = arith.constant 4 : i32
      %mul3A_1587 = arith.muli %add3A_1450, %mul3A_1586 : i32
      %add3A_1588 = arith.addi %mul3A_2, %mul3A_1587 : i32
      %dma_start3A_1589 = arith.constant 2 : i32
      %dma_start3A_1590 = arith.constant 0 : i32
      %dma_start3A_1591 = arith.constant 0 : i32
      %dma_start3A_1592 = arith.constant 0 : i32
      %dma_start3A_1593 = tpu.memref_slice %arg6[%dma_start3A_1589, %dma_start3A_1590, %dma_start3A_1591, %dma_start3A_1592] : memref<4x4x50x128xf32, #tpu.memory_space<vmem>> -> memref<1x4x50x128xf32, #tpu.memory_space<vmem>>
      %dma_start3A_1594 = tpu.memref_squeeze %dma_start3A_1593 : memref<1x4x50x128xf32, #tpu.memory_space<vmem>> -> memref<4x50x128xf32, #tpu.memory_space<vmem>>
      %dma_start3A_1595 = arith.constant 0 : i32
      %dma_start3A_1596 = arith.constant 0 : i32
      %dma_start3A_1597 = tpu.memref_slice %arg4[%add3A_1588, %dma_start3A_1595, %dma_start3A_1596] : memref<4096x50x128xf32, #tpu.memory_space<hbm>> -> memref<4x50x128xf32, #tpu.memory_space<hbm>>
      %dma_start3A_1598 = arith.constant 0 : i32
      %dma_start3A_1599 = arith.constant 0 : i32
      %dma_start3A_1600 = tpu.memref_slice %arg4[%add3A_1588, %dma_start3A_1598, %dma_start3A_1599] : memref<4096x50x128xf32, #tpu.memory_space<hbm>> -> memref<4x50x128xf32, #tpu.memory_space<hbm>>
      %dma_start3A_1601 = arith.constant 0 : i32
      %dma_start3A_1602 = arith.constant 0 : i32
      %dma_start3A_1603 = arith.constant 0 : i32
      %dma_start3A_1604 = tpu.memref_slice %arg6[%dma_start3A_1589, %dma_start3A_1601, %dma_start3A_1602, %dma_start3A_1603] : memref<4x4x50x128xf32, #tpu.memory_space<vmem>> -> memref<1x4x50x128xf32, #tpu.memory_space<vmem>>
      %dma_start3A_1605 = tpu.memref_squeeze %dma_start3A_1604 : memref<1x4x50x128xf32, #tpu.memory_space<vmem>> -> memref<4x50x128xf32, #tpu.memory_space<vmem>>
      tpu.enqueue_dma source(%dma_start3A_1605 : memref<4x50x128xf32, #tpu.memory_space<vmem>>) target(%dma_start3A_1600 : memref<4x50x128xf32, #tpu.memory_space<hbm>>) target_semaphore(%arg13 : memref<!tpu.dma_semaphore, #tpu.memory_space<semaphore_mem>>)
      %mul3A_1606 = arith.constant 4 : i32
      %mul3A_1607 = arith.muli %scan3A_1128, %mul3A_1606 : i32
      %add3A_1608 = arith.constant 3 : i32
      %add3A_1609 = arith.addi %mul3A_1607, %add3A_1608 : i32
      %dma_wait3A_1610 = arith.constant 1 : i32
      %dma_wait3A_1611 = arith.constant 0 : i32
      %dma_wait3A_1612 = arith.constant 0 : i32
      %dma_wait3A_1613 = arith.constant 0 : i32
      %dma_wait3A_1614 = tpu.memref_slice %arg6[%dma_wait3A_1610, %dma_wait3A_1611, %dma_wait3A_1612, %dma_wait3A_1613] : memref<4x4x50x128xf32, #tpu.memory_space<vmem>> -> memref<1x4x50x128xf32, #tpu.memory_space<vmem>>
      %dma_wait3A_1615 = tpu.memref_squeeze %dma_wait3A_1614 : memref<1x4x50x128xf32, #tpu.memory_space<vmem>> -> memref<4x50x128xf32, #tpu.memory_space<vmem>>
      %dma_wait3A_1616 = arith.constant 0 : i32
      %dma_wait3A_1617 = arith.constant 0 : i32
      %dma_wait3A_1618 = tpu.memref_slice %arg4[%mul3A_2, %dma_wait3A_1616, %dma_wait3A_1617] : memref<4096x50x128xf32, #tpu.memory_space<hbm>> -> memref<4x50x128xf32, #tpu.memory_space<hbm>>
      %dma_wait3A_1619 = arith.constant 0 : i32
      %dma_wait3A_1620 = arith.constant 0 : i32
      %dma_wait3A_1621 = tpu.memref_slice %arg4[%mul3A_2, %dma_wait3A_1619, %dma_wait3A_1620] : memref<4096x50x128xf32, #tpu.memory_space<hbm>> -> memref<4x50x128xf32, #tpu.memory_space<hbm>>
      %dma_wait3A_1622 = arith.constant 0 : i32
      %dma_wait3A_1623 = arith.constant 0 : i32
      %dma_wait3A_1624 = arith.constant 0 : i32
      %dma_wait3A_1625 = tpu.memref_slice %arg6[%dma_wait3A_1610, %dma_wait3A_1622, %dma_wait3A_1623, %dma_wait3A_1624] : memref<4x4x50x128xf32, #tpu.memory_space<vmem>> -> memref<1x4x50x128xf32, #tpu.memory_space<vmem>>
      %dma_wait3A_1626 = tpu.memref_squeeze %dma_wait3A_1625 : memref<1x4x50x128xf32, #tpu.memory_space<vmem>> -> memref<4x50x128xf32, #tpu.memory_space<vmem>>
      tpu.wait_dma2 semaphore(%arg12 : memref<!tpu.dma_semaphore, #tpu.memory_space<semaphore_mem>>) src(%dma_wait3A_1626 : memref<4x50x128xf32, #tpu.memory_space<vmem>>) dst(%dma_wait3A_1621 : memref<4x50x128xf32, #tpu.memory_space<hbm>>)
      %add3A_1627 = arith.constant 2 : i32
      %add3A_1628 = arith.addi %add3A_1609, %add3A_1627 : i32
      %mul3A_1629 = arith.constant 4 : i32
      %mul3A_1630 = arith.muli %add3A_1628, %mul3A_1629 : i32
      %add3A_1631 = arith.constant 0 : i32
      %add3A_1632 = arith.addi %mul3A_1630, %add3A_1631 : i32
      %dma_start3A_1633 = arith.constant 1 : i32
      %dma_start3A_1634 = arith.constant 0 : i32
      %dma_start3A_1635 = arith.constant 0 : i32
      %dma_start3A_1636 = arith.constant 0 : i32
      %dma_start3A_1637 = tpu.memref_slice %arg6[%dma_start3A_1633, %dma_start3A_1634, %dma_start3A_1635, %dma_start3A_1636] : memref<4x4x50x128xf32, #tpu.memory_space<vmem>> -> memref<1x1x50x128xf32, #tpu.memory_space<vmem>>
      %dma_start3A_1638 = tpu.memref_squeeze %dma_start3A_1637 : memref<1x1x50x128xf32, #tpu.memory_space<vmem>> -> memref<50x128xf32, #tpu.memory_space<vmem>>
      %dma_start3A_1639 = arith.constant 0 : i32
      %dma_start3A_1640 = tpu.memref_slice %arg5[%add3A_1632, %dma_start3A_1639] : memref<128x50xi32, #tpu.memory_space<vmem>> -> memref<1x50xi32, #tpu.memory_space<vmem>>
      %dma_start3A_1641 = tpu.memref_squeeze %dma_start3A_1640 : memref<1x50xi32, #tpu.memory_space<vmem>> -> memref<50xi32, #tpu.memory_space<vmem>>
      %dma_start3A_1642 = arith.constant 0 : i32
      %dma_start3A_1643 = arith.constant 0 : i32
      %dma_start3A_1644 = tpu.memref_slice %arg3[%dma_start3A_1642, %dma_start3A_1643] : memref<100000x128xf32, #tpu.memory_space<hbm>> -> memref<100000x128xf32, #tpu.memory_space<hbm>>
      tpu.enqueue_indirect_dma source(%dma_start3A_1644 : memref<100000x128xf32, #tpu.memory_space<hbm>>) target(%dma_start3A_1638 : memref<50x128xf32, #tpu.memory_space<vmem>>) offsets(%dma_start3A_1641 : memref<50xi32, #tpu.memory_space<vmem>>) semaphore(%arg8 : memref<!tpu.dma_semaphore, #tpu.memory_space<semaphore_mem>>)
      %mul3A_1645 = arith.constant 4 : i32
      %mul3A_1646 = arith.muli %add3A_1628, %mul3A_1645 : i32
      %add3A_1647 = arith.constant 1 : i32
      %add3A_1648 = arith.addi %mul3A_1646, %add3A_1647 : i32
      %dma_start3A_1649 = arith.constant 1 : i32
      %dma_start3A_1650 = arith.constant 1 : i32
      %dma_start3A_1651 = arith.constant 0 : i32
      %dma_start3A_1652 = arith.constant 0 : i32
      %dma_start3A_1653 = tpu.memref_slice %arg6[%dma_start3A_1649, %dma_start3A_1650, %dma_start3A_1651, %dma_start3A_1652] : memref<4x4x50x128xf32, #tpu.memory_space<vmem>> -> memref<1x1x50x128xf32, #tpu.memory_space<vmem>>
      %dma_start3A_1654 = tpu.memref_squeeze %dma_start3A_1653 : memref<1x1x50x128xf32, #tpu.memory_space<vmem>> -> memref<50x128xf32, #tpu.memory_space<vmem>>
      %dma_start3A_1655 = arith.constant 0 : i32
      %dma_start3A_1656 = tpu.memref_slice %arg5[%add3A_1648, %dma_start3A_1655] : memref<128x50xi32, #tpu.memory_space<vmem>> -> memref<1x50xi32, #tpu.memory_space<vmem>>
      %dma_start3A_1657 = tpu.memref_squeeze %dma_start3A_1656 : memref<1x50xi32, #tpu.memory_space<vmem>> -> memref<50xi32, #tpu.memory_space<vmem>>
      %dma_start3A_1658 = arith.constant 0 : i32
      %dma_start3A_1659 = arith.constant 0 : i32
      %dma_start3A_1660 = tpu.memref_slice %arg3[%dma_start3A_1658, %dma_start3A_1659] : memref<100000x128xf32, #tpu.memory_space<hbm>> -> memref<100000x128xf32, #tpu.memory_space<hbm>>
      tpu.enqueue_indirect_dma source(%dma_start3A_1660 : memref<100000x128xf32, #tpu.memory_space<hbm>>) target(%dma_start3A_1654 : memref<50x128xf32, #tpu.memory_space<vmem>>) offsets(%dma_start3A_1657 : memref<50xi32, #tpu.memory_space<vmem>>) semaphore(%arg8 : memref<!tpu.dma_semaphore, #tpu.memory_space<semaphore_mem>>)
      %mul3A_1661 = arith.constant 4 : i32
      %mul3A_1662 = arith.muli %add3A_1628, %mul3A_1661 : i32
      %add3A_1663 = arith.constant 2 : i32
      %add3A_1664 = arith.addi %mul3A_1662, %add3A_1663 : i32
      %dma_start3A_1665 = arith.constant 1 : i32
      %dma_start3A_1666 = arith.constant 2 : i32
      %dma_start3A_1667 = arith.constant 0 : i32
      %dma_start3A_1668 = arith.constant 0 : i32
      %dma_start3A_1669 = tpu.memref_slice %arg6[%dma_start3A_1665, %dma_start3A_1666, %dma_start3A_1667, %dma_start3A_1668] : memref<4x4x50x128xf32, #tpu.memory_space<vmem>> -> memref<1x1x50x128xf32, #tpu.memory_space<vmem>>
      %dma_start3A_1670 = tpu.memref_squeeze %dma_start3A_1669 : memref<1x1x50x128xf32, #tpu.memory_space<vmem>> -> memref<50x128xf32, #tpu.memory_space<vmem>>
      %dma_start3A_1671 = arith.constant 0 : i32
      %dma_start3A_1672 = tpu.memref_slice %arg5[%add3A_1664, %dma_start3A_1671] : memref<128x50xi32, #tpu.memory_space<vmem>> -> memref<1x50xi32, #tpu.memory_space<vmem>>
      %dma_start3A_1673 = tpu.memref_squeeze %dma_start3A_1672 : memref<1x50xi32, #tpu.memory_space<vmem>> -> memref<50xi32, #tpu.memory_space<vmem>>
      %dma_start3A_1674 = arith.constant 0 : i32
      %dma_start3A_1675 = arith.constant 0 : i32
      %dma_start3A_1676 = tpu.memref_slice %arg3[%dma_start3A_1674, %dma_start3A_1675] : memref<100000x128xf32, #tpu.memory_space<hbm>> -> memref<100000x128xf32, #tpu.memory_space<hbm>>
      tpu.enqueue_indirect_dma source(%dma_start3A_1676 : memref<100000x128xf32, #tpu.memory_space<hbm>>) target(%dma_start3A_1670 : memref<50x128xf32, #tpu.memory_space<vmem>>) offsets(%dma_start3A_1673 : memref<50xi32, #tpu.memory_space<vmem>>) semaphore(%arg8 : memref<!tpu.dma_semaphore, #tpu.memory_space<semaphore_mem>>)
      %mul3A_1677 = arith.constant 4 : i32
      %mul3A_1678 = arith.muli %add3A_1628, %mul3A_1677 : i32
      %add3A_1679 = arith.constant 3 : i32
      %add3A_1680 = arith.addi %mul3A_1678, %add3A_1679 : i32
      %dma_start3A_1681 = arith.constant 1 : i32
      %dma_start3A_1682 = arith.constant 3 : i32
      %dma_start3A_1683 = arith.constant 0 : i32
      %dma_start3A_1684 = arith.constant 0 : i32
      %dma_start3A_1685 = tpu.memref_slice %arg6[%dma_start3A_1681, %dma_start3A_1682, %dma_start3A_1683, %dma_start3A_1684] : memref<4x4x50x128xf32, #tpu.memory_space<vmem>> -> memref<1x1x50x128xf32, #tpu.memory_space<vmem>>
      %dma_start3A_1686 = tpu.memref_squeeze %dma_start3A_1685 : memref<1x1x50x128xf32, #tpu.memory_space<vmem>> -> memref<50x128xf32, #tpu.memory_space<vmem>>
      %dma_start3A_1687 = arith.constant 0 : i32
      %dma_start3A_1688 = tpu.memref_slice %arg5[%add3A_1680, %dma_start3A_1687] : memref<128x50xi32, #tpu.memory_space<vmem>> -> memref<1x50xi32, #tpu.memory_space<vmem>>
      %dma_start3A_1689 = tpu.memref_squeeze %dma_start3A_1688 : memref<1x50xi32, #tpu.memory_space<vmem>> -> memref<50xi32, #tpu.memory_space<vmem>>
      %dma_start3A_1690 = arith.constant 0 : i32
      %dma_start3A_1691 = arith.constant 0 : i32
      %dma_start3A_1692 = tpu.memref_slice %arg3[%dma_start3A_1690, %dma_start3A_1691] : memref<100000x128xf32, #tpu.memory_space<hbm>> -> memref<100000x128xf32, #tpu.memory_space<hbm>>
      tpu.enqueue_indirect_dma source(%dma_start3A_1692 : memref<100000x128xf32, #tpu.memory_space<hbm>>) target(%dma_start3A_1686 : memref<50x128xf32, #tpu.memory_space<vmem>>) offsets(%dma_start3A_1689 : memref<50xi32, #tpu.memory_space<vmem>>) semaphore(%arg8 : memref<!tpu.dma_semaphore, #tpu.memory_space<semaphore_mem>>)
      %dma_wait3A_1693 = arith.constant 0 : i32
      %dma_wait3A_1694 = arith.constant 3 : i32
      %dma_wait3A_1695 = arith.constant 0 : i32
      %dma_wait3A_1696 = arith.constant 0 : i32
      %dma_wait3A_1697 = arith.constant 0 : i32
      %dma_wait3A_1698 = tpu.memref_slice %arg6[%dma_wait3A_1694, %dma_wait3A_1695, %dma_wait3A_1696, %dma_wait3A_1697] : memref<4x4x50x128xf32, #tpu.memory_space<vmem>> -> memref<1x1x50x128xf32, #tpu.memory_space<vmem>>
      %dma_wait3A_1699 = tpu.memref_squeeze %dma_wait3A_1698 : memref<1x1x50x128xf32, #tpu.memory_space<vmem>> -> memref<50x128xf32, #tpu.memory_space<vmem>>
      %dma_wait3A_1700 = arith.constant 0 : i32
      %dma_wait3A_1701 = tpu.memref_slice %arg5[%dma_wait3A_1693, %dma_wait3A_1700] : memref<128x50xi32, #tpu.memory_space<vmem>> -> memref<1x50xi32, #tpu.memory_space<vmem>>
      %dma_wait3A_1702 = tpu.memref_squeeze %dma_wait3A_1701 : memref<1x50xi32, #tpu.memory_space<vmem>> -> memref<50xi32, #tpu.memory_space<vmem>>
      %dma_wait3A_1703 = arith.constant 0 : i32
      %dma_wait3A_1704 = arith.constant 0 : i32
      %dma_wait3A_1705 = tpu.memref_slice %arg3[%dma_wait3A_1703, %dma_wait3A_1704] : memref<100000x128xf32, #tpu.memory_space<hbm>> -> memref<100000x128xf32, #tpu.memory_space<hbm>>
      tpu.wait_indirect_dma semaphore(%arg10 : memref<!tpu.dma_semaphore, #tpu.memory_space<semaphore_mem>>) src(%dma_wait3A_1705 : memref<100000x128xf32, #tpu.memory_space<hbm>>) dst(%dma_wait3A_1699 : memref<50x128xf32, #tpu.memory_space<vmem>>)
      %dma_wait3A_1706 = arith.constant 0 : i32
      %dma_wait3A_1707 = arith.constant 3 : i32
      %dma_wait3A_1708 = arith.constant 1 : i32
      %dma_wait3A_1709 = arith.constant 0 : i32
      %dma_wait3A_1710 = arith.constant 0 : i32
      %dma_wait3A_1711 = tpu.memref_slice %arg6[%dma_wait3A_1707, %dma_wait3A_1708, %dma_wait3A_1709, %dma_wait3A_1710] : memref<4x4x50x128xf32, #tpu.memory_space<vmem>> -> memref<1x1x50x128xf32, #tpu.memory_space<vmem>>
      %dma_wait3A_1712 = tpu.memref_squeeze %dma_wait3A_1711 : memref<1x1x50x128xf32, #tpu.memory_space<vmem>> -> memref<50x128xf32, #tpu.memory_space<vmem>>
      %dma_wait3A_1713 = arith.constant 0 : i32
      %dma_wait3A_1714 = tpu.memref_slice %arg5[%dma_wait3A_1706, %dma_wait3A_1713] : memref<128x50xi32, #tpu.memory_space<vmem>> -> memref<1x50xi32, #tpu.memory_space<vmem>>
      %dma_wait3A_1715 = tpu.memref_squeeze %dma_wait3A_1714 : memref<1x50xi32, #tpu.memory_space<vmem>> -> memref<50xi32, #tpu.memory_space<vmem>>
      %dma_wait3A_1716 = arith.constant 0 : i32
      %dma_wait3A_1717 = arith.constant 0 : i32
      %dma_wait3A_1718 = tpu.memref_slice %arg3[%dma_wait3A_1716, %dma_wait3A_1717] : memref<100000x128xf32, #tpu.memory_space<hbm>> -> memref<100000x128xf32, #tpu.memory_space<hbm>>
      tpu.wait_indirect_dma semaphore(%arg10 : memref<!tpu.dma_semaphore, #tpu.memory_space<semaphore_mem>>) src(%dma_wait3A_1718 : memref<100000x128xf32, #tpu.memory_space<hbm>>) dst(%dma_wait3A_1712 : memref<50x128xf32, #tpu.memory_space<vmem>>)
      %dma_wait3A_1719 = arith.constant 0 : i32
      %dma_wait3A_1720 = arith.constant 3 : i32
      %dma_wait3A_1721 = arith.constant 2 : i32
      %dma_wait3A_1722 = arith.constant 0 : i32
      %dma_wait3A_1723 = arith.constant 0 : i32
      %dma_wait3A_1724 = tpu.memref_slice %arg6[%dma_wait3A_1720, %dma_wait3A_1721, %dma_wait3A_1722, %dma_wait3A_1723] : memref<4x4x50x128xf32, #tpu.memory_space<vmem>> -> memref<1x1x50x128xf32, #tpu.memory_space<vmem>>
      %dma_wait3A_1725 = tpu.memref_squeeze %dma_wait3A_1724 : memref<1x1x50x128xf32, #tpu.memory_space<vmem>> -> memref<50x128xf32, #tpu.memory_space<vmem>>
      %dma_wait3A_1726 = arith.constant 0 : i32
      %dma_wait3A_1727 = tpu.memref_slice %arg5[%dma_wait3A_1719, %dma_wait3A_1726] : memref<128x50xi32, #tpu.memory_space<vmem>> -> memref<1x50xi32, #tpu.memory_space<vmem>>
      %dma_wait3A_1728 = tpu.memref_squeeze %dma_wait3A_1727 : memref<1x50xi32, #tpu.memory_space<vmem>> -> memref<50xi32, #tpu.memory_space<vmem>>
      %dma_wait3A_1729 = arith.constant 0 : i32
      %dma_wait3A_1730 = arith.constant 0 : i32
      %dma_wait3A_1731 = tpu.memref_slice %arg3[%dma_wait3A_1729, %dma_wait3A_1730] : memref<100000x128xf32, #tpu.memory_space<hbm>> -> memref<100000x128xf32, #tpu.memory_space<hbm>>
      tpu.wait_indirect_dma semaphore(%arg10 : memref<!tpu.dma_semaphore, #tpu.memory_space<semaphore_mem>>) src(%dma_wait3A_1731 : memref<100000x128xf32, #tpu.memory_space<hbm>>) dst(%dma_wait3A_1725 : memref<50x128xf32, #tpu.memory_space<vmem>>)
      %dma_wait3A_1732 = arith.constant 0 : i32
      %dma_wait3A_1733 = arith.constant 3 : i32
      %dma_wait3A_1734 = arith.constant 3 : i32
      %dma_wait3A_1735 = arith.constant 0 : i32
      %dma_wait3A_1736 = arith.constant 0 : i32
      %dma_wait3A_1737 = tpu.memref_slice %arg6[%dma_wait3A_1733, %dma_wait3A_1734, %dma_wait3A_1735, %dma_wait3A_1736] : memref<4x4x50x128xf32, #tpu.memory_space<vmem>> -> memref<1x1x50x128xf32, #tpu.memory_space<vmem>>
      %dma_wait3A_1738 = tpu.memref_squeeze %dma_wait3A_1737 : memref<1x1x50x128xf32, #tpu.memory_space<vmem>> -> memref<50x128xf32, #tpu.memory_space<vmem>>
      %dma_wait3A_1739 = arith.constant 0 : i32
      %dma_wait3A_1740 = tpu.memref_slice %arg5[%dma_wait3A_1732, %dma_wait3A_1739] : memref<128x50xi32, #tpu.memory_space<vmem>> -> memref<1x50xi32, #tpu.memory_space<vmem>>
      %dma_wait3A_1741 = tpu.memref_squeeze %dma_wait3A_1740 : memref<1x50xi32, #tpu.memory_space<vmem>> -> memref<50xi32, #tpu.memory_space<vmem>>
      %dma_wait3A_1742 = arith.constant 0 : i32
      %dma_wait3A_1743 = arith.constant 0 : i32
      %dma_wait3A_1744 = tpu.memref_slice %arg3[%dma_wait3A_1742, %dma_wait3A_1743] : memref<100000x128xf32, #tpu.memory_space<hbm>> -> memref<100000x128xf32, #tpu.memory_space<hbm>>
      tpu.wait_indirect_dma semaphore(%arg10 : memref<!tpu.dma_semaphore, #tpu.memory_space<semaphore_mem>>) src(%dma_wait3A_1744 : memref<100000x128xf32, #tpu.memory_space<hbm>>) dst(%dma_wait3A_1738 : memref<50x128xf32, #tpu.memory_space<vmem>>)
      %mul3A_1745 = arith.constant 4 : i32
      %mul3A_1746 = arith.muli %add3A_1609, %mul3A_1745 : i32
      %add3A_1747 = arith.addi %mul3A_2, %mul3A_1746 : i32
      %dma_start3A_1748 = arith.constant 3 : i32
      %dma_start3A_1749 = arith.constant 0 : i32
      %dma_start3A_1750 = arith.constant 0 : i32
      %dma_start3A_1751 = arith.constant 0 : i32
      %dma_start3A_1752 = tpu.memref_slice %arg6[%dma_start3A_1748, %dma_start3A_1749, %dma_start3A_1750, %dma_start3A_1751] : memref<4x4x50x128xf32, #tpu.memory_space<vmem>> -> memref<1x4x50x128xf32, #tpu.memory_space<vmem>>
      %dma_start3A_1753 = tpu.memref_squeeze %dma_start3A_1752 : memref<1x4x50x128xf32, #tpu.memory_space<vmem>> -> memref<4x50x128xf32, #tpu.memory_space<vmem>>
      %dma_start3A_1754 = arith.constant 0 : i32
      %dma_start3A_1755 = arith.constant 0 : i32
      %dma_start3A_1756 = tpu.memref_slice %arg4[%add3A_1747, %dma_start3A_1754, %dma_start3A_1755] : memref<4096x50x128xf32, #tpu.memory_space<hbm>> -> memref<4x50x128xf32, #tpu.memory_space<hbm>>
      %dma_start3A_1757 = arith.constant 0 : i32
      %dma_start3A_1758 = arith.constant 0 : i32
      %dma_start3A_1759 = tpu.memref_slice %arg4[%add3A_1747, %dma_start3A_1757, %dma_start3A_1758] : memref<4096x50x128xf32, #tpu.memory_space<hbm>> -> memref<4x50x128xf32, #tpu.memory_space<hbm>>
      %dma_start3A_1760 = arith.constant 0 : i32
      %dma_start3A_1761 = arith.constant 0 : i32
      %dma_start3A_1762 = arith.constant 0 : i32
      %dma_start3A_1763 = tpu.memref_slice %arg6[%dma_start3A_1748, %dma_start3A_1760, %dma_start3A_1761, %dma_start3A_1762] : memref<4x4x50x128xf32, #tpu.memory_space<vmem>> -> memref<1x4x50x128xf32, #tpu.memory_space<vmem>>
      %dma_start3A_1764 = tpu.memref_squeeze %dma_start3A_1763 : memref<1x4x50x128xf32, #tpu.memory_space<vmem>> -> memref<4x50x128xf32, #tpu.memory_space<vmem>>
      tpu.enqueue_dma source(%dma_start3A_1764 : memref<4x50x128xf32, #tpu.memory_space<vmem>>) target(%dma_start3A_1759 : memref<4x50x128xf32, #tpu.memory_space<hbm>>) target_semaphore(%arg14 : memref<!tpu.dma_semaphore, #tpu.memory_space<semaphore_mem>>)
    }
    %scan3A_637 = arith.constant 6 : i32
    %dma_wait3A_638 = arith.constant 2 : i32
    %dma_wait3A_639 = arith.constant 0 : i32
    %dma_wait3A_640 = arith.constant 0 : i32
    %dma_wait3A_641 = arith.constant 0 : i32
    %dma_wait3A_642 = tpu.memref_slice %arg6[%dma_wait3A_638, %dma_wait3A_639, %dma_wait3A_640, %dma_wait3A_641] : memref<4x4x50x128xf32, #tpu.memory_space<vmem>> -> memref<1x4x50x128xf32, #tpu.memory_space<vmem>>
    %dma_wait3A_643 = tpu.memref_squeeze %dma_wait3A_642 : memref<1x4x50x128xf32, #tpu.memory_space<vmem>> -> memref<4x50x128xf32, #tpu.memory_space<vmem>>
    %dma_wait3A_644 = arith.constant 0 : i32
    %dma_wait3A_645 = arith.constant 0 : i32
    %dma_wait3A_646 = tpu.memref_slice %arg4[%mul3A_2, %dma_wait3A_644, %dma_wait3A_645] : memref<4096x50x128xf32, #tpu.memory_space<hbm>> -> memref<4x50x128xf32, #tpu.memory_space<hbm>>
    %dma_wait3A_647 = arith.constant 0 : i32
    %dma_wait3A_648 = arith.constant 0 : i32
    %dma_wait3A_649 = tpu.memref_slice %arg4[%mul3A_2, %dma_wait3A_647, %dma_wait3A_648] : memref<4096x50x128xf32, #tpu.memory_space<hbm>> -> memref<4x50x128xf32, #tpu.memory_space<hbm>>
    %dma_wait3A_650 = arith.constant 0 : i32
    %dma_wait3A_651 = arith.constant 0 : i32
    %dma_wait3A_652 = arith.constant 0 : i32
    %dma_wait3A_653 = tpu.memref_slice %arg6[%dma_wait3A_638, %dma_wait3A_650, %dma_wait3A_651, %dma_wait3A_652] : memref<4x4x50x128xf32, #tpu.memory_space<vmem>> -> memref<1x4x50x128xf32, #tpu.memory_space<vmem>>
    %dma_wait3A_654 = tpu.memref_squeeze %dma_wait3A_653 : memref<1x4x50x128xf32, #tpu.memory_space<vmem>> -> memref<4x50x128xf32, #tpu.memory_space<vmem>>
    tpu.wait_dma2 semaphore(%arg13 : memref<!tpu.dma_semaphore, #tpu.memory_space<semaphore_mem>>) src(%dma_wait3A_654 : memref<4x50x128xf32, #tpu.memory_space<vmem>>) dst(%dma_wait3A_649 : memref<4x50x128xf32, #tpu.memory_space<hbm>>)
    %dma_start3A_655 = arith.constant 120 : i32
    %dma_start3A_656 = arith.constant 2 : i32
    %dma_start3A_657 = arith.constant 0 : i32
    %dma_start3A_658 = arith.constant 0 : i32
    %dma_start3A_659 = arith.constant 0 : i32
    %dma_start3A_660 = tpu.memref_slice %arg6[%dma_start3A_656, %dma_start3A_657, %dma_start3A_658, %dma_start3A_659] : memref<4x4x50x128xf32, #tpu.memory_space<vmem>> -> memref<1x1x50x128xf32, #tpu.memory_space<vmem>>
    %dma_start3A_661 = tpu.memref_squeeze %dma_start3A_660 : memref<1x1x50x128xf32, #tpu.memory_space<vmem>> -> memref<50x128xf32, #tpu.memory_space<vmem>>
    %dma_start3A_662 = arith.constant 0 : i32
    %dma_start3A_663 = tpu.memref_slice %arg5[%dma_start3A_655, %dma_start3A_662] : memref<128x50xi32, #tpu.memory_space<vmem>> -> memref<1x50xi32, #tpu.memory_space<vmem>>
    %dma_start3A_664 = tpu.memref_squeeze %dma_start3A_663 : memref<1x50xi32, #tpu.memory_space<vmem>> -> memref<50xi32, #tpu.memory_space<vmem>>
    %dma_start3A_665 = arith.constant 0 : i32
    %dma_start3A_666 = arith.constant 0 : i32
    %dma_start3A_667 = tpu.memref_slice %arg3[%dma_start3A_665, %dma_start3A_666] : memref<100000x128xf32, #tpu.memory_space<hbm>> -> memref<100000x128xf32, #tpu.memory_space<hbm>>
    tpu.enqueue_indirect_dma source(%dma_start3A_667 : memref<100000x128xf32, #tpu.memory_space<hbm>>) target(%dma_start3A_661 : memref<50x128xf32, #tpu.memory_space<vmem>>) offsets(%dma_start3A_664 : memref<50xi32, #tpu.memory_space<vmem>>) semaphore(%arg9 : memref<!tpu.dma_semaphore, #tpu.memory_space<semaphore_mem>>)
    %dma_start3A_668 = arith.constant 121 : i32
    %dma_start3A_669 = arith.constant 2 : i32
    %dma_start3A_670 = arith.constant 1 : i32
    %dma_start3A_671 = arith.constant 0 : i32
    %dma_start3A_672 = arith.constant 0 : i32
    %dma_start3A_673 = tpu.memref_slice %arg6[%dma_start3A_669, %dma_start3A_670, %dma_start3A_671, %dma_start3A_672] : memref<4x4x50x128xf32, #tpu.memory_space<vmem>> -> memref<1x1x50x128xf32, #tpu.memory_space<vmem>>
    %dma_start3A_674 = tpu.memref_squeeze %dma_start3A_673 : memref<1x1x50x128xf32, #tpu.memory_space<vmem>> -> memref<50x128xf32, #tpu.memory_space<vmem>>
    %dma_start3A_675 = arith.constant 0 : i32
    %dma_start3A_676 = tpu.memref_slice %arg5[%dma_start3A_668, %dma_start3A_675] : memref<128x50xi32, #tpu.memory_space<vmem>> -> memref<1x50xi32, #tpu.memory_space<vmem>>
    %dma_start3A_677 = tpu.memref_squeeze %dma_start3A_676 : memref<1x50xi32, #tpu.memory_space<vmem>> -> memref<50xi32, #tpu.memory_space<vmem>>
    %dma_start3A_678 = arith.constant 0 : i32
    %dma_start3A_679 = arith.constant 0 : i32
    %dma_start3A_680 = tpu.memref_slice %arg3[%dma_start3A_678, %dma_start3A_679] : memref<100000x128xf32, #tpu.memory_space<hbm>> -> memref<100000x128xf32, #tpu.memory_space<hbm>>
    tpu.enqueue_indirect_dma source(%dma_start3A_680 : memref<100000x128xf32, #tpu.memory_space<hbm>>) target(%dma_start3A_674 : memref<50x128xf32, #tpu.memory_space<vmem>>) offsets(%dma_start3A_677 : memref<50xi32, #tpu.memory_space<vmem>>) semaphore(%arg9 : memref<!tpu.dma_semaphore, #tpu.memory_space<semaphore_mem>>)
    %dma_start3A_681 = arith.constant 122 : i32
    %dma_start3A_682 = arith.constant 2 : i32
    %dma_start3A_683 = arith.constant 2 : i32
    %dma_start3A_684 = arith.constant 0 : i32
    %dma_start3A_685 = arith.constant 0 : i32
    %dma_start3A_686 = tpu.memref_slice %arg6[%dma_start3A_682, %dma_start3A_683, %dma_start3A_684, %dma_start3A_685] : memref<4x4x50x128xf32, #tpu.memory_space<vmem>> -> memref<1x1x50x128xf32, #tpu.memory_space<vmem>>
    %dma_start3A_687 = tpu.memref_squeeze %dma_start3A_686 : memref<1x1x50x128xf32, #tpu.memory_space<vmem>> -> memref<50x128xf32, #tpu.memory_space<vmem>>
    %dma_start3A_688 = arith.constant 0 : i32
    %dma_start3A_689 = tpu.memref_slice %arg5[%dma_start3A_681, %dma_start3A_688] : memref<128x50xi32, #tpu.memory_space<vmem>> -> memref<1x50xi32, #tpu.memory_space<vmem>>
    %dma_start3A_690 = tpu.memref_squeeze %dma_start3A_689 : memref<1x50xi32, #tpu.memory_space<vmem>> -> memref<50xi32, #tpu.memory_space<vmem>>
    %dma_start3A_691 = arith.constant 0 : i32
    %dma_start3A_692 = arith.constant 0 : i32
    %dma_start3A_693 = tpu.memref_slice %arg3[%dma_start3A_691, %dma_start3A_692] : memref<100000x128xf32, #tpu.memory_space<hbm>> -> memref<100000x128xf32, #tpu.memory_space<hbm>>
    tpu.enqueue_indirect_dma source(%dma_start3A_693 : memref<100000x128xf32, #tpu.memory_space<hbm>>) target(%dma_start3A_687 : memref<50x128xf32, #tpu.memory_space<vmem>>) offsets(%dma_start3A_690 : memref<50xi32, #tpu.memory_space<vmem>>) semaphore(%arg9 : memref<!tpu.dma_semaphore, #tpu.memory_space<semaphore_mem>>)
    %dma_start3A_694 = arith.constant 123 : i32
    %dma_start3A_695 = arith.constant 2 : i32
    %dma_start3A_696 = arith.constant 3 : i32
    %dma_start3A_697 = arith.constant 0 : i32
    %dma_start3A_698 = arith.constant 0 : i32
    %dma_start3A_699 = tpu.memref_slice %arg6[%dma_start3A_695, %dma_start3A_696, %dma_start3A_697, %dma_start3A_698] : memref<4x4x50x128xf32, #tpu.memory_space<vmem>> -> memref<1x1x50x128xf32, #tpu.memory_space<vmem>>
    %dma_start3A_700 = tpu.memref_squeeze %dma_start3A_699 : memref<1x1x50x128xf32, #tpu.memory_space<vmem>> -> memref<50x128xf32, #tpu.memory_space<vmem>>
    %dma_start3A_701 = arith.constant 0 : i32
    %dma_start3A_702 = tpu.memref_slice %arg5[%dma_start3A_694, %dma_start3A_701] : memref<128x50xi32, #tpu.memory_space<vmem>> -> memref<1x50xi32, #tpu.memory_space<vmem>>
    %dma_start3A_703 = tpu.memref_squeeze %dma_start3A_702 : memref<1x50xi32, #tpu.memory_space<vmem>> -> memref<50xi32, #tpu.memory_space<vmem>>
    %dma_start3A_704 = arith.constant 0 : i32
    %dma_start3A_705 = arith.constant 0 : i32
    %dma_start3A_706 = tpu.memref_slice %arg3[%dma_start3A_704, %dma_start3A_705] : memref<100000x128xf32, #tpu.memory_space<hbm>> -> memref<100000x128xf32, #tpu.memory_space<hbm>>
    tpu.enqueue_indirect_dma source(%dma_start3A_706 : memref<100000x128xf32, #tpu.memory_space<hbm>>) target(%dma_start3A_700 : memref<50x128xf32, #tpu.memory_space<vmem>>) offsets(%dma_start3A_703 : memref<50xi32, #tpu.memory_space<vmem>>) semaphore(%arg9 : memref<!tpu.dma_semaphore, #tpu.memory_space<semaphore_mem>>)
    %dma_wait3A_707 = arith.constant 0 : i32
    %dma_wait3A_708 = arith.constant 0 : i32
    %dma_wait3A_709 = arith.constant 0 : i32
    %dma_wait3A_710 = arith.constant 0 : i32
    %dma_wait3A_711 = arith.constant 0 : i32
    %dma_wait3A_712 = tpu.memref_slice %arg6[%dma_wait3A_708, %dma_wait3A_709, %dma_wait3A_710, %dma_wait3A_711] : memref<4x4x50x128xf32, #tpu.memory_space<vmem>> -> memref<1x1x50x128xf32, #tpu.memory_space<vmem>>
    %dma_wait3A_713 = tpu.memref_squeeze %dma_wait3A_712 : memref<1x1x50x128xf32, #tpu.memory_space<vmem>> -> memref<50x128xf32, #tpu.memory_space<vmem>>
    %dma_wait3A_714 = arith.constant 0 : i32
    %dma_wait3A_715 = tpu.memref_slice %arg5[%dma_wait3A_707, %dma_wait3A_714] : memref<128x50xi32, #tpu.memory_space<vmem>> -> memref<1x50xi32, #tpu.memory_space<vmem>>
    %dma_wait3A_716 = tpu.memref_squeeze %dma_wait3A_715 : memref<1x50xi32, #tpu.memory_space<vmem>> -> memref<50xi32, #tpu.memory_space<vmem>>
    %dma_wait3A_717 = arith.constant 0 : i32
    %dma_wait3A_718 = arith.constant 0 : i32
    %dma_wait3A_719 = tpu.memref_slice %arg3[%dma_wait3A_717, %dma_wait3A_718] : memref<100000x128xf32, #tpu.memory_space<hbm>> -> memref<100000x128xf32, #tpu.memory_space<hbm>>
    tpu.wait_indirect_dma semaphore(%arg7 : memref<!tpu.dma_semaphore, #tpu.memory_space<semaphore_mem>>) src(%dma_wait3A_719 : memref<100000x128xf32, #tpu.memory_space<hbm>>) dst(%dma_wait3A_713 : memref<50x128xf32, #tpu.memory_space<vmem>>)
    %dma_wait3A_720 = arith.constant 0 : i32
    %dma_wait3A_721 = arith.constant 0 : i32
    %dma_wait3A_722 = arith.constant 1 : i32
    %dma_wait3A_723 = arith.constant 0 : i32
    %dma_wait3A_724 = arith.constant 0 : i32
    %dma_wait3A_725 = tpu.memref_slice %arg6[%dma_wait3A_721, %dma_wait3A_722, %dma_wait3A_723, %dma_wait3A_724] : memref<4x4x50x128xf32, #tpu.memory_space<vmem>> -> memref<1x1x50x128xf32, #tpu.memory_space<vmem>>
    %dma_wait3A_726 = tpu.memref_squeeze %dma_wait3A_725 : memref<1x1x50x128xf32, #tpu.memory_space<vmem>> -> memref<50x128xf32, #tpu.memory_space<vmem>>
    %dma_wait3A_727 = arith.constant 0 : i32
    %dma_wait3A_728 = tpu.memref_slice %arg5[%dma_wait3A_720, %dma_wait3A_727] : memref<128x50xi32, #tpu.memory_space<vmem>> -> memref<1x50xi32, #tpu.memory_space<vmem>>
    %dma_wait3A_729 = tpu.memref_squeeze %dma_wait3A_728 : memref<1x50xi32, #tpu.memory_space<vmem>> -> memref<50xi32, #tpu.memory_space<vmem>>
    %dma_wait3A_730 = arith.constant 0 : i32
    %dma_wait3A_731 = arith.constant 0 : i32
    %dma_wait3A_732 = tpu.memref_slice %arg3[%dma_wait3A_730, %dma_wait3A_731] : memref<100000x128xf32, #tpu.memory_space<hbm>> -> memref<100000x128xf32, #tpu.memory_space<hbm>>
    tpu.wait_indirect_dma semaphore(%arg7 : memref<!tpu.dma_semaphore, #tpu.memory_space<semaphore_mem>>) src(%dma_wait3A_732 : memref<100000x128xf32, #tpu.memory_space<hbm>>) dst(%dma_wait3A_726 : memref<50x128xf32, #tpu.memory_space<vmem>>)
    %dma_wait3A_733 = arith.constant 0 : i32
    %dma_wait3A_734 = arith.constant 0 : i32
    %dma_wait3A_735 = arith.constant 2 : i32
    %dma_wait3A_736 = arith.constant 0 : i32
    %dma_wait3A_737 = arith.constant 0 : i32
    %dma_wait3A_738 = tpu.memref_slice %arg6[%dma_wait3A_734, %dma_wait3A_735, %dma_wait3A_736, %dma_wait3A_737] : memref<4x4x50x128xf32, #tpu.memory_space<vmem>> -> memref<1x1x50x128xf32, #tpu.memory_space<vmem>>
    %dma_wait3A_739 = tpu.memref_squeeze %dma_wait3A_738 : memref<1x1x50x128xf32, #tpu.memory_space<vmem>> -> memref<50x128xf32, #tpu.memory_space<vmem>>
    %dma_wait3A_740 = arith.constant 0 : i32
    %dma_wait3A_741 = tpu.memref_slice %arg5[%dma_wait3A_733, %dma_wait3A_740] : memref<128x50xi32, #tpu.memory_space<vmem>> -> memref<1x50xi32, #tpu.memory_space<vmem>>
    %dma_wait3A_742 = tpu.memref_squeeze %dma_wait3A_741 : memref<1x50xi32, #tpu.memory_space<vmem>> -> memref<50xi32, #tpu.memory_space<vmem>>
    %dma_wait3A_743 = arith.constant 0 : i32
    %dma_wait3A_744 = arith.constant 0 : i32
    %dma_wait3A_745 = tpu.memref_slice %arg3[%dma_wait3A_743, %dma_wait3A_744] : memref<100000x128xf32, #tpu.memory_space<hbm>> -> memref<100000x128xf32, #tpu.memory_space<hbm>>
    tpu.wait_indirect_dma semaphore(%arg7 : memref<!tpu.dma_semaphore, #tpu.memory_space<semaphore_mem>>) src(%dma_wait3A_745 : memref<100000x128xf32, #tpu.memory_space<hbm>>) dst(%dma_wait3A_739 : memref<50x128xf32, #tpu.memory_space<vmem>>)
    %dma_wait3A_746 = arith.constant 0 : i32
    %dma_wait3A_747 = arith.constant 0 : i32
    %dma_wait3A_748 = arith.constant 3 : i32
    %dma_wait3A_749 = arith.constant 0 : i32
    %dma_wait3A_750 = arith.constant 0 : i32
    %dma_wait3A_751 = tpu.memref_slice %arg6[%dma_wait3A_747, %dma_wait3A_748, %dma_wait3A_749, %dma_wait3A_750] : memref<4x4x50x128xf32, #tpu.memory_space<vmem>> -> memref<1x1x50x128xf32, #tpu.memory_space<vmem>>
    %dma_wait3A_752 = tpu.memref_squeeze %dma_wait3A_751 : memref<1x1x50x128xf32, #tpu.memory_space<vmem>> -> memref<50x128xf32, #tpu.memory_space<vmem>>
    %dma_wait3A_753 = arith.constant 0 : i32
    %dma_wait3A_754 = tpu.memref_slice %arg5[%dma_wait3A_746, %dma_wait3A_753] : memref<128x50xi32, #tpu.memory_space<vmem>> -> memref<1x50xi32, #tpu.memory_space<vmem>>
    %dma_wait3A_755 = tpu.memref_squeeze %dma_wait3A_754 : memref<1x50xi32, #tpu.memory_space<vmem>> -> memref<50xi32, #tpu.memory_space<vmem>>
    %dma_wait3A_756 = arith.constant 0 : i32
    %dma_wait3A_757 = arith.constant 0 : i32
    %dma_wait3A_758 = tpu.memref_slice %arg3[%dma_wait3A_756, %dma_wait3A_757] : memref<100000x128xf32, #tpu.memory_space<hbm>> -> memref<100000x128xf32, #tpu.memory_space<hbm>>
    tpu.wait_indirect_dma semaphore(%arg7 : memref<!tpu.dma_semaphore, #tpu.memory_space<semaphore_mem>>) src(%dma_wait3A_758 : memref<100000x128xf32, #tpu.memory_space<hbm>>) dst(%dma_wait3A_752 : memref<50x128xf32, #tpu.memory_space<vmem>>)
    %add3A_759 = arith.constant 112 : i32
    %add3A_760 = arith.addi %mul3A_2, %add3A_759 : i32
    %dma_start3A_761 = arith.constant 0 : i32
    %dma_start3A_762 = arith.constant 0 : i32
    %dma_start3A_763 = arith.constant 0 : i32
    %dma_start3A_764 = arith.constant 0 : i32
    %dma_start3A_765 = tpu.memref_slice %arg6[%dma_start3A_761, %dma_start3A_762, %dma_start3A_763, %dma_start3A_764] : memref<4x4x50x128xf32, #tpu.memory_space<vmem>> -> memref<1x4x50x128xf32, #tpu.memory_space<vmem>>
    %dma_start3A_766 = tpu.memref_squeeze %dma_start3A_765 : memref<1x4x50x128xf32, #tpu.memory_space<vmem>> -> memref<4x50x128xf32, #tpu.memory_space<vmem>>
    %dma_start3A_767 = arith.constant 0 : i32
    %dma_start3A_768 = arith.constant 0 : i32
    %dma_start3A_769 = tpu.memref_slice %arg4[%add3A_760, %dma_start3A_767, %dma_start3A_768] : memref<4096x50x128xf32, #tpu.memory_space<hbm>> -> memref<4x50x128xf32, #tpu.memory_space<hbm>>
    %dma_start3A_770 = arith.constant 0 : i32
    %dma_start3A_771 = arith.constant 0 : i32
    %dma_start3A_772 = tpu.memref_slice %arg4[%add3A_760, %dma_start3A_770, %dma_start3A_771] : memref<4096x50x128xf32, #tpu.memory_space<hbm>> -> memref<4x50x128xf32, #tpu.memory_space<hbm>>
    %dma_start3A_773 = arith.constant 0 : i32
    %dma_start3A_774 = arith.constant 0 : i32
    %dma_start3A_775 = arith.constant 0 : i32
    %dma_start3A_776 = tpu.memref_slice %arg6[%dma_start3A_761, %dma_start3A_773, %dma_start3A_774, %dma_start3A_775] : memref<4x4x50x128xf32, #tpu.memory_space<vmem>> -> memref<1x4x50x128xf32, #tpu.memory_space<vmem>>
    %dma_start3A_777 = tpu.memref_squeeze %dma_start3A_776 : memref<1x4x50x128xf32, #tpu.memory_space<vmem>> -> memref<4x50x128xf32, #tpu.memory_space<vmem>>
    tpu.enqueue_dma source(%dma_start3A_777 : memref<4x50x128xf32, #tpu.memory_space<vmem>>) target(%dma_start3A_772 : memref<4x50x128xf32, #tpu.memory_space<hbm>>) target_semaphore(%arg11 : memref<!tpu.dma_semaphore, #tpu.memory_space<semaphore_mem>>)
    %dma_wait3A_778 = arith.constant 3 : i32
    %dma_wait3A_779 = arith.constant 0 : i32
    %dma_wait3A_780 = arith.constant 0 : i32
    %dma_wait3A_781 = arith.constant 0 : i32
    %dma_wait3A_782 = tpu.memref_slice %arg6[%dma_wait3A_778, %dma_wait3A_779, %dma_wait3A_780, %dma_wait3A_781] : memref<4x4x50x128xf32, #tpu.memory_space<vmem>> -> memref<1x4x50x128xf32, #tpu.memory_space<vmem>>
    %dma_wait3A_783 = tpu.memref_squeeze %dma_wait3A_782 : memref<1x4x50x128xf32, #tpu.memory_space<vmem>> -> memref<4x50x128xf32, #tpu.memory_space<vmem>>
    %dma_wait3A_784 = arith.constant 0 : i32
    %dma_wait3A_785 = arith.constant 0 : i32
    %dma_wait3A_786 = tpu.memref_slice %arg4[%mul3A_2, %dma_wait3A_784, %dma_wait3A_785] : memref<4096x50x128xf32, #tpu.memory_space<hbm>> -> memref<4x50x128xf32, #tpu.memory_space<hbm>>
    %dma_wait3A_787 = arith.constant 0 : i32
    %dma_wait3A_788 = arith.constant 0 : i32
    %dma_wait3A_789 = tpu.memref_slice %arg4[%mul3A_2, %dma_wait3A_787, %dma_wait3A_788] : memref<4096x50x128xf32, #tpu.memory_space<hbm>> -> memref<4x50x128xf32, #tpu.memory_space<hbm>>
    %dma_wait3A_790 = arith.constant 0 : i32
    %dma_wait3A_791 = arith.constant 0 : i32
    %dma_wait3A_792 = arith.constant 0 : i32
    %dma_wait3A_793 = tpu.memref_slice %arg6[%dma_wait3A_778, %dma_wait3A_790, %dma_wait3A_791, %dma_wait3A_792] : memref<4x4x50x128xf32, #tpu.memory_space<vmem>> -> memref<1x4x50x128xf32, #tpu.memory_space<vmem>>
    %dma_wait3A_794 = tpu.memref_squeeze %dma_wait3A_793 : memref<1x4x50x128xf32, #tpu.memory_space<vmem>> -> memref<4x50x128xf32, #tpu.memory_space<vmem>>
    tpu.wait_dma2 semaphore(%arg14 : memref<!tpu.dma_semaphore, #tpu.memory_space<semaphore_mem>>) src(%dma_wait3A_794 : memref<4x50x128xf32, #tpu.memory_space<vmem>>) dst(%dma_wait3A_789 : memref<4x50x128xf32, #tpu.memory_space<hbm>>)
    %dma_start3A_795 = arith.constant 124 : i32
    %dma_start3A_796 = arith.constant 3 : i32
    %dma_start3A_797 = arith.constant 0 : i32
    %dma_start3A_798 = arith.constant 0 : i32
    %dma_start3A_799 = arith.constant 0 : i32
    %dma_start3A_800 = tpu.memref_slice %arg6[%dma_start3A_796, %dma_start3A_797, %dma_start3A_798, %dma_start3A_799] : memref<4x4x50x128xf32, #tpu.memory_space<vmem>> -> memref<1x1x50x128xf32, #tpu.memory_space<vmem>>
    %dma_start3A_801 = tpu.memref_squeeze %dma_start3A_800 : memref<1x1x50x128xf32, #tpu.memory_space<vmem>> -> memref<50x128xf32, #tpu.memory_space<vmem>>
    %dma_start3A_802 = arith.constant 0 : i32
    %dma_start3A_803 = tpu.memref_slice %arg5[%dma_start3A_795, %dma_start3A_802] : memref<128x50xi32, #tpu.memory_space<vmem>> -> memref<1x50xi32, #tpu.memory_space<vmem>>
    %dma_start3A_804 = tpu.memref_squeeze %dma_start3A_803 : memref<1x50xi32, #tpu.memory_space<vmem>> -> memref<50xi32, #tpu.memory_space<vmem>>
    %dma_start3A_805 = arith.constant 0 : i32
    %dma_start3A_806 = arith.constant 0 : i32
    %dma_start3A_807 = tpu.memref_slice %arg3[%dma_start3A_805, %dma_start3A_806] : memref<100000x128xf32, #tpu.memory_space<hbm>> -> memref<100000x128xf32, #tpu.memory_space<hbm>>
    tpu.enqueue_indirect_dma source(%dma_start3A_807 : memref<100000x128xf32, #tpu.memory_space<hbm>>) target(%dma_start3A_801 : memref<50x128xf32, #tpu.memory_space<vmem>>) offsets(%dma_start3A_804 : memref<50xi32, #tpu.memory_space<vmem>>) semaphore(%arg10 : memref<!tpu.dma_semaphore, #tpu.memory_space<semaphore_mem>>)
    %dma_start3A_808 = arith.constant 125 : i32
    %dma_start3A_809 = arith.constant 3 : i32
    %dma_start3A_810 = arith.constant 1 : i32
    %dma_start3A_811 = arith.constant 0 : i32
    %dma_start3A_812 = arith.constant 0 : i32
    %dma_start3A_813 = tpu.memref_slice %arg6[%dma_start3A_809, %dma_start3A_810, %dma_start3A_811, %dma_start3A_812] : memref<4x4x50x128xf32, #tpu.memory_space<vmem>> -> memref<1x1x50x128xf32, #tpu.memory_space<vmem>>
    %dma_start3A_814 = tpu.memref_squeeze %dma_start3A_813 : memref<1x1x50x128xf32, #tpu.memory_space<vmem>> -> memref<50x128xf32, #tpu.memory_space<vmem>>
    %dma_start3A_815 = arith.constant 0 : i32
    %dma_start3A_816 = tpu.memref_slice %arg5[%dma_start3A_808, %dma_start3A_815] : memref<128x50xi32, #tpu.memory_space<vmem>> -> memref<1x50xi32, #tpu.memory_space<vmem>>
    %dma_start3A_817 = tpu.memref_squeeze %dma_start3A_816 : memref<1x50xi32, #tpu.memory_space<vmem>> -> memref<50xi32, #tpu.memory_space<vmem>>
    %dma_start3A_818 = arith.constant 0 : i32
    %dma_start3A_819 = arith.constant 0 : i32
    %dma_start3A_820 = tpu.memref_slice %arg3[%dma_start3A_818, %dma_start3A_819] : memref<100000x128xf32, #tpu.memory_space<hbm>> -> memref<100000x128xf32, #tpu.memory_space<hbm>>
    tpu.enqueue_indirect_dma source(%dma_start3A_820 : memref<100000x128xf32, #tpu.memory_space<hbm>>) target(%dma_start3A_814 : memref<50x128xf32, #tpu.memory_space<vmem>>) offsets(%dma_start3A_817 : memref<50xi32, #tpu.memory_space<vmem>>) semaphore(%arg10 : memref<!tpu.dma_semaphore, #tpu.memory_space<semaphore_mem>>)
    %dma_start3A_821 = arith.constant 126 : i32
    %dma_start3A_822 = arith.constant 3 : i32
    %dma_start3A_823 = arith.constant 2 : i32
    %dma_start3A_824 = arith.constant 0 : i32
    %dma_start3A_825 = arith.constant 0 : i32
    %dma_start3A_826 = tpu.memref_slice %arg6[%dma_start3A_822, %dma_start3A_823, %dma_start3A_824, %dma_start3A_825] : memref<4x4x50x128xf32, #tpu.memory_space<vmem>> -> memref<1x1x50x128xf32, #tpu.memory_space<vmem>>
    %dma_start3A_827 = tpu.memref_squeeze %dma_start3A_826 : memref<1x1x50x128xf32, #tpu.memory_space<vmem>> -> memref<50x128xf32, #tpu.memory_space<vmem>>
    %dma_start3A_828 = arith.constant 0 : i32
    %dma_start3A_829 = tpu.memref_slice %arg5[%dma_start3A_821, %dma_start3A_828] : memref<128x50xi32, #tpu.memory_space<vmem>> -> memref<1x50xi32, #tpu.memory_space<vmem>>
    %dma_start3A_830 = tpu.memref_squeeze %dma_start3A_829 : memref<1x50xi32, #tpu.memory_space<vmem>> -> memref<50xi32, #tpu.memory_space<vmem>>
    %dma_start3A_831 = arith.constant 0 : i32
    %dma_start3A_832 = arith.constant 0 : i32
    %dma_start3A_833 = tpu.memref_slice %arg3[%dma_start3A_831, %dma_start3A_832] : memref<100000x128xf32, #tpu.memory_space<hbm>> -> memref<100000x128xf32, #tpu.memory_space<hbm>>
    tpu.enqueue_indirect_dma source(%dma_start3A_833 : memref<100000x128xf32, #tpu.memory_space<hbm>>) target(%dma_start3A_827 : memref<50x128xf32, #tpu.memory_space<vmem>>) offsets(%dma_start3A_830 : memref<50xi32, #tpu.memory_space<vmem>>) semaphore(%arg10 : memref<!tpu.dma_semaphore, #tpu.memory_space<semaphore_mem>>)
    %dma_start3A_834 = arith.constant 127 : i32
    %dma_start3A_835 = arith.constant 3 : i32
    %dma_start3A_836 = arith.constant 3 : i32
    %dma_start3A_837 = arith.constant 0 : i32
    %dma_start3A_838 = arith.constant 0 : i32
    %dma_start3A_839 = tpu.memref_slice %arg6[%dma_start3A_835, %dma_start3A_836, %dma_start3A_837, %dma_start3A_838] : memref<4x4x50x128xf32, #tpu.memory_space<vmem>> -> memref<1x1x50x128xf32, #tpu.memory_space<vmem>>
    %dma_start3A_840 = tpu.memref_squeeze %dma_start3A_839 : memref<1x1x50x128xf32, #tpu.memory_space<vmem>> -> memref<50x128xf32, #tpu.memory_space<vmem>>
    %dma_start3A_841 = arith.constant 0 : i32
    %dma_start3A_842 = tpu.memref_slice %arg5[%dma_start3A_834, %dma_start3A_841] : memref<128x50xi32, #tpu.memory_space<vmem>> -> memref<1x50xi32, #tpu.memory_space<vmem>>
    %dma_start3A_843 = tpu.memref_squeeze %dma_start3A_842 : memref<1x50xi32, #tpu.memory_space<vmem>> -> memref<50xi32, #tpu.memory_space<vmem>>
    %dma_start3A_844 = arith.constant 0 : i32
    %dma_start3A_845 = arith.constant 0 : i32
    %dma_start3A_846 = tpu.memref_slice %arg3[%dma_start3A_844, %dma_start3A_845] : memref<100000x128xf32, #tpu.memory_space<hbm>> -> memref<100000x128xf32, #tpu.memory_space<hbm>>
    tpu.enqueue_indirect_dma source(%dma_start3A_846 : memref<100000x128xf32, #tpu.memory_space<hbm>>) target(%dma_start3A_840 : memref<50x128xf32, #tpu.memory_space<vmem>>) offsets(%dma_start3A_843 : memref<50xi32, #tpu.memory_space<vmem>>) semaphore(%arg10 : memref<!tpu.dma_semaphore, #tpu.memory_space<semaphore_mem>>)
    %dma_wait3A_847 = arith.constant 0 : i32
    %dma_wait3A_848 = arith.constant 1 : i32
    %dma_wait3A_849 = arith.constant 0 : i32
    %dma_wait3A_850 = arith.constant 0 : i32
    %dma_wait3A_851 = arith.constant 0 : i32
    %dma_wait3A_852 = tpu.memref_slice %arg6[%dma_wait3A_848, %dma_wait3A_849, %dma_wait3A_850, %dma_wait3A_851] : memref<4x4x50x128xf32, #tpu.memory_space<vmem>> -> memref<1x1x50x128xf32, #tpu.memory_space<vmem>>
    %dma_wait3A_853 = tpu.memref_squeeze %dma_wait3A_852 : memref<1x1x50x128xf32, #tpu.memory_space<vmem>> -> memref<50x128xf32, #tpu.memory_space<vmem>>
    %dma_wait3A_854 = arith.constant 0 : i32
    %dma_wait3A_855 = tpu.memref_slice %arg5[%dma_wait3A_847, %dma_wait3A_854] : memref<128x50xi32, #tpu.memory_space<vmem>> -> memref<1x50xi32, #tpu.memory_space<vmem>>
    %dma_wait3A_856 = tpu.memref_squeeze %dma_wait3A_855 : memref<1x50xi32, #tpu.memory_space<vmem>> -> memref<50xi32, #tpu.memory_space<vmem>>
    %dma_wait3A_857 = arith.constant 0 : i32
    %dma_wait3A_858 = arith.constant 0 : i32
    %dma_wait3A_859 = tpu.memref_slice %arg3[%dma_wait3A_857, %dma_wait3A_858] : memref<100000x128xf32, #tpu.memory_space<hbm>> -> memref<100000x128xf32, #tpu.memory_space<hbm>>
    tpu.wait_indirect_dma semaphore(%arg8 : memref<!tpu.dma_semaphore, #tpu.memory_space<semaphore_mem>>) src(%dma_wait3A_859 : memref<100000x128xf32, #tpu.memory_space<hbm>>) dst(%dma_wait3A_853 : memref<50x128xf32, #tpu.memory_space<vmem>>)
    %dma_wait3A_860 = arith.constant 0 : i32
    %dma_wait3A_861 = arith.constant 1 : i32
    %dma_wait3A_862 = arith.constant 1 : i32
    %dma_wait3A_863 = arith.constant 0 : i32
    %dma_wait3A_864 = arith.constant 0 : i32
    %dma_wait3A_865 = tpu.memref_slice %arg6[%dma_wait3A_861, %dma_wait3A_862, %dma_wait3A_863, %dma_wait3A_864] : memref<4x4x50x128xf32, #tpu.memory_space<vmem>> -> memref<1x1x50x128xf32, #tpu.memory_space<vmem>>
    %dma_wait3A_866 = tpu.memref_squeeze %dma_wait3A_865 : memref<1x1x50x128xf32, #tpu.memory_space<vmem>> -> memref<50x128xf32, #tpu.memory_space<vmem>>
    %dma_wait3A_867 = arith.constant 0 : i32
    %dma_wait3A_868 = tpu.memref_slice %arg5[%dma_wait3A_860, %dma_wait3A_867] : memref<128x50xi32, #tpu.memory_space<vmem>> -> memref<1x50xi32, #tpu.memory_space<vmem>>
    %dma_wait3A_869 = tpu.memref_squeeze %dma_wait3A_868 : memref<1x50xi32, #tpu.memory_space<vmem>> -> memref<50xi32, #tpu.memory_space<vmem>>
    %dma_wait3A_870 = arith.constant 0 : i32
    %dma_wait3A_871 = arith.constant 0 : i32
    %dma_wait3A_872 = tpu.memref_slice %arg3[%dma_wait3A_870, %dma_wait3A_871] : memref<100000x128xf32, #tpu.memory_space<hbm>> -> memref<100000x128xf32, #tpu.memory_space<hbm>>
    tpu.wait_indirect_dma semaphore(%arg8 : memref<!tpu.dma_semaphore, #tpu.memory_space<semaphore_mem>>) src(%dma_wait3A_872 : memref<100000x128xf32, #tpu.memory_space<hbm>>) dst(%dma_wait3A_866 : memref<50x128xf32, #tpu.memory_space<vmem>>)
    %dma_wait3A_873 = arith.constant 0 : i32
    %dma_wait3A_874 = arith.constant 1 : i32
    %dma_wait3A_875 = arith.constant 2 : i32
    %dma_wait3A_876 = arith.constant 0 : i32
    %dma_wait3A_877 = arith.constant 0 : i32
    %dma_wait3A_878 = tpu.memref_slice %arg6[%dma_wait3A_874, %dma_wait3A_875, %dma_wait3A_876, %dma_wait3A_877] : memref<4x4x50x128xf32, #tpu.memory_space<vmem>> -> memref<1x1x50x128xf32, #tpu.memory_space<vmem>>
    %dma_wait3A_879 = tpu.memref_squeeze %dma_wait3A_878 : memref<1x1x50x128xf32, #tpu.memory_space<vmem>> -> memref<50x128xf32, #tpu.memory_space<vmem>>
    %dma_wait3A_880 = arith.constant 0 : i32
    %dma_wait3A_881 = tpu.memref_slice %arg5[%dma_wait3A_873, %dma_wait3A_880] : memref<128x50xi32, #tpu.memory_space<vmem>> -> memref<1x50xi32, #tpu.memory_space<vmem>>
    %dma_wait3A_882 = tpu.memref_squeeze %dma_wait3A_881 : memref<1x50xi32, #tpu.memory_space<vmem>> -> memref<50xi32, #tpu.memory_space<vmem>>
    %dma_wait3A_883 = arith.constant 0 : i32
    %dma_wait3A_884 = arith.constant 0 : i32
    %dma_wait3A_885 = tpu.memref_slice %arg3[%dma_wait3A_883, %dma_wait3A_884] : memref<100000x128xf32, #tpu.memory_space<hbm>> -> memref<100000x128xf32, #tpu.memory_space<hbm>>
    tpu.wait_indirect_dma semaphore(%arg8 : memref<!tpu.dma_semaphore, #tpu.memory_space<semaphore_mem>>) src(%dma_wait3A_885 : memref<100000x128xf32, #tpu.memory_space<hbm>>) dst(%dma_wait3A_879 : memref<50x128xf32, #tpu.memory_space<vmem>>)
    %dma_wait3A_886 = arith.constant 0 : i32
    %dma_wait3A_887 = arith.constant 1 : i32
    %dma_wait3A_888 = arith.constant 3 : i32
    %dma_wait3A_889 = arith.constant 0 : i32
    %dma_wait3A_890 = arith.constant 0 : i32
    %dma_wait3A_891 = tpu.memref_slice %arg6[%dma_wait3A_887, %dma_wait3A_888, %dma_wait3A_889, %dma_wait3A_890] : memref<4x4x50x128xf32, #tpu.memory_space<vmem>> -> memref<1x1x50x128xf32, #tpu.memory_space<vmem>>
    %dma_wait3A_892 = tpu.memref_squeeze %dma_wait3A_891 : memref<1x1x50x128xf32, #tpu.memory_space<vmem>> -> memref<50x128xf32, #tpu.memory_space<vmem>>
    %dma_wait3A_893 = arith.constant 0 : i32
    %dma_wait3A_894 = tpu.memref_slice %arg5[%dma_wait3A_886, %dma_wait3A_893] : memref<128x50xi32, #tpu.memory_space<vmem>> -> memref<1x50xi32, #tpu.memory_space<vmem>>
    %dma_wait3A_895 = tpu.memref_squeeze %dma_wait3A_894 : memref<1x50xi32, #tpu.memory_space<vmem>> -> memref<50xi32, #tpu.memory_space<vmem>>
    %dma_wait3A_896 = arith.constant 0 : i32
    %dma_wait3A_897 = arith.constant 0 : i32
    %dma_wait3A_898 = tpu.memref_slice %arg3[%dma_wait3A_896, %dma_wait3A_897] : memref<100000x128xf32, #tpu.memory_space<hbm>> -> memref<100000x128xf32, #tpu.memory_space<hbm>>
    tpu.wait_indirect_dma semaphore(%arg8 : memref<!tpu.dma_semaphore, #tpu.memory_space<semaphore_mem>>) src(%dma_wait3A_898 : memref<100000x128xf32, #tpu.memory_space<hbm>>) dst(%dma_wait3A_892 : memref<50x128xf32, #tpu.memory_space<vmem>>)
    %add3A_899 = arith.constant 116 : i32
    %add3A_900 = arith.addi %mul3A_2, %add3A_899 : i32
    %dma_start3A_901 = arith.constant 1 : i32
    %dma_start3A_902 = arith.constant 0 : i32
    %dma_start3A_903 = arith.constant 0 : i32
    %dma_start3A_904 = arith.constant 0 : i32
    %dma_start3A_905 = tpu.memref_slice %arg6[%dma_start3A_901, %dma_start3A_902, %dma_start3A_903, %dma_start3A_904] : memref<4x4x50x128xf32, #tpu.memory_space<vmem>> -> memref<1x4x50x128xf32, #tpu.memory_space<vmem>>
    %dma_start3A_906 = tpu.memref_squeeze %dma_start3A_905 : memref<1x4x50x128xf32, #tpu.memory_space<vmem>> -> memref<4x50x128xf32, #tpu.memory_space<vmem>>
    %dma_start3A_907 = arith.constant 0 : i32
    %dma_start3A_908 = arith.constant 0 : i32
    %dma_start3A_909 = tpu.memref_slice %arg4[%add3A_900, %dma_start3A_907, %dma_start3A_908] : memref<4096x50x128xf32, #tpu.memory_space<hbm>> -> memref<4x50x128xf32, #tpu.memory_space<hbm>>
    %dma_start3A_910 = arith.constant 0 : i32
    %dma_start3A_911 = arith.constant 0 : i32
    %dma_start3A_912 = tpu.memref_slice %arg4[%add3A_900, %dma_start3A_910, %dma_start3A_911] : memref<4096x50x128xf32, #tpu.memory_space<hbm>> -> memref<4x50x128xf32, #tpu.memory_space<hbm>>
    %dma_start3A_913 = arith.constant 0 : i32
    %dma_start3A_914 = arith.constant 0 : i32
    %dma_start3A_915 = arith.constant 0 : i32
    %dma_start3A_916 = tpu.memref_slice %arg6[%dma_start3A_901, %dma_start3A_913, %dma_start3A_914, %dma_start3A_915] : memref<4x4x50x128xf32, #tpu.memory_space<vmem>> -> memref<1x4x50x128xf32, #tpu.memory_space<vmem>>
    %dma_start3A_917 = tpu.memref_squeeze %dma_start3A_916 : memref<1x4x50x128xf32, #tpu.memory_space<vmem>> -> memref<4x50x128xf32, #tpu.memory_space<vmem>>
    tpu.enqueue_dma source(%dma_start3A_917 : memref<4x50x128xf32, #tpu.memory_space<vmem>>) target(%dma_start3A_912 : memref<4x50x128xf32, #tpu.memory_space<hbm>>) target_semaphore(%arg12 : memref<!tpu.dma_semaphore, #tpu.memory_space<semaphore_mem>>)
    %dma_wait3A_918 = arith.constant 0 : i32
    %dma_wait3A_919 = arith.constant 2 : i32
    %dma_wait3A_920 = arith.constant 0 : i32
    %dma_wait3A_921 = arith.constant 0 : i32
    %dma_wait3A_922 = arith.constant 0 : i32
    %dma_wait3A_923 = tpu.memref_slice %arg6[%dma_wait3A_919, %dma_wait3A_920, %dma_wait3A_921, %dma_wait3A_922] : memref<4x4x50x128xf32, #tpu.memory_space<vmem>> -> memref<1x1x50x128xf32, #tpu.memory_space<vmem>>
    %dma_wait3A_924 = tpu.memref_squeeze %dma_wait3A_923 : memref<1x1x50x128xf32, #tpu.memory_space<vmem>> -> memref<50x128xf32, #tpu.memory_space<vmem>>
    %dma_wait3A_925 = arith.constant 0 : i32
    %dma_wait3A_926 = tpu.memref_slice %arg5[%dma_wait3A_918, %dma_wait3A_925] : memref<128x50xi32, #tpu.memory_space<vmem>> -> memref<1x50xi32, #tpu.memory_space<vmem>>
    %dma_wait3A_927 = tpu.memref_squeeze %dma_wait3A_926 : memref<1x50xi32, #tpu.memory_space<vmem>> -> memref<50xi32, #tpu.memory_space<vmem>>
    %dma_wait3A_928 = arith.constant 0 : i32
    %dma_wait3A_929 = arith.constant 0 : i32
    %dma_wait3A_930 = tpu.memref_slice %arg3[%dma_wait3A_928, %dma_wait3A_929] : memref<100000x128xf32, #tpu.memory_space<hbm>> -> memref<100000x128xf32, #tpu.memory_space<hbm>>
    tpu.wait_indirect_dma semaphore(%arg9 : memref<!tpu.dma_semaphore, #tpu.memory_space<semaphore_mem>>) src(%dma_wait3A_930 : memref<100000x128xf32, #tpu.memory_space<hbm>>) dst(%dma_wait3A_924 : memref<50x128xf32, #tpu.memory_space<vmem>>)
    %dma_wait3A_931 = arith.constant 0 : i32
    %dma_wait3A_932 = arith.constant 2 : i32
    %dma_wait3A_933 = arith.constant 1 : i32
    %dma_wait3A_934 = arith.constant 0 : i32
    %dma_wait3A_935 = arith.constant 0 : i32
    %dma_wait3A_936 = tpu.memref_slice %arg6[%dma_wait3A_932, %dma_wait3A_933, %dma_wait3A_934, %dma_wait3A_935] : memref<4x4x50x128xf32, #tpu.memory_space<vmem>> -> memref<1x1x50x128xf32, #tpu.memory_space<vmem>>
    %dma_wait3A_937 = tpu.memref_squeeze %dma_wait3A_936 : memref<1x1x50x128xf32, #tpu.memory_space<vmem>> -> memref<50x128xf32, #tpu.memory_space<vmem>>
    %dma_wait3A_938 = arith.constant 0 : i32
    %dma_wait3A_939 = tpu.memref_slice %arg5[%dma_wait3A_931, %dma_wait3A_938] : memref<128x50xi32, #tpu.memory_space<vmem>> -> memref<1x50xi32, #tpu.memory_space<vmem>>
    %dma_wait3A_940 = tpu.memref_squeeze %dma_wait3A_939 : memref<1x50xi32, #tpu.memory_space<vmem>> -> memref<50xi32, #tpu.memory_space<vmem>>
    %dma_wait3A_941 = arith.constant 0 : i32
    %dma_wait3A_942 = arith.constant 0 : i32
    %dma_wait3A_943 = tpu.memref_slice %arg3[%dma_wait3A_941, %dma_wait3A_942] : memref<100000x128xf32, #tpu.memory_space<hbm>> -> memref<100000x128xf32, #tpu.memory_space<hbm>>
    tpu.wait_indirect_dma semaphore(%arg9 : memref<!tpu.dma_semaphore, #tpu.memory_space<semaphore_mem>>) src(%dma_wait3A_943 : memref<100000x128xf32, #tpu.memory_space<hbm>>) dst(%dma_wait3A_937 : memref<50x128xf32, #tpu.memory_space<vmem>>)
    %dma_wait3A_944 = arith.constant 0 : i32
    %dma_wait3A_945 = arith.constant 2 : i32
    %dma_wait3A_946 = arith.constant 2 : i32
    %dma_wait3A_947 = arith.constant 0 : i32
    %dma_wait3A_948 = arith.constant 0 : i32
    %dma_wait3A_949 = tpu.memref_slice %arg6[%dma_wait3A_945, %dma_wait3A_946, %dma_wait3A_947, %dma_wait3A_948] : memref<4x4x50x128xf32, #tpu.memory_space<vmem>> -> memref<1x1x50x128xf32, #tpu.memory_space<vmem>>
    %dma_wait3A_950 = tpu.memref_squeeze %dma_wait3A_949 : memref<1x1x50x128xf32, #tpu.memory_space<vmem>> -> memref<50x128xf32, #tpu.memory_space<vmem>>
    %dma_wait3A_951 = arith.constant 0 : i32
    %dma_wait3A_952 = tpu.memref_slice %arg5[%dma_wait3A_944, %dma_wait3A_951] : memref<128x50xi32, #tpu.memory_space<vmem>> -> memref<1x50xi32, #tpu.memory_space<vmem>>
    %dma_wait3A_953 = tpu.memref_squeeze %dma_wait3A_952 : memref<1x50xi32, #tpu.memory_space<vmem>> -> memref<50xi32, #tpu.memory_space<vmem>>
    %dma_wait3A_954 = arith.constant 0 : i32
    %dma_wait3A_955 = arith.constant 0 : i32
    %dma_wait3A_956 = tpu.memref_slice %arg3[%dma_wait3A_954, %dma_wait3A_955] : memref<100000x128xf32, #tpu.memory_space<hbm>> -> memref<100000x128xf32, #tpu.memory_space<hbm>>
    tpu.wait_indirect_dma semaphore(%arg9 : memref<!tpu.dma_semaphore, #tpu.memory_space<semaphore_mem>>) src(%dma_wait3A_956 : memref<100000x128xf32, #tpu.memory_space<hbm>>) dst(%dma_wait3A_950 : memref<50x128xf32, #tpu.memory_space<vmem>>)
    %dma_wait3A_957 = arith.constant 0 : i32
    %dma_wait3A_958 = arith.constant 2 : i32
    %dma_wait3A_959 = arith.constant 3 : i32
    %dma_wait3A_960 = arith.constant 0 : i32
    %dma_wait3A_961 = arith.constant 0 : i32
    %dma_wait3A_962 = tpu.memref_slice %arg6[%dma_wait3A_958, %dma_wait3A_959, %dma_wait3A_960, %dma_wait3A_961] : memref<4x4x50x128xf32, #tpu.memory_space<vmem>> -> memref<1x1x50x128xf32, #tpu.memory_space<vmem>>
    %dma_wait3A_963 = tpu.memref_squeeze %dma_wait3A_962 : memref<1x1x50x128xf32, #tpu.memory_space<vmem>> -> memref<50x128xf32, #tpu.memory_space<vmem>>
    %dma_wait3A_964 = arith.constant 0 : i32
    %dma_wait3A_965 = tpu.memref_slice %arg5[%dma_wait3A_957, %dma_wait3A_964] : memref<128x50xi32, #tpu.memory_space<vmem>> -> memref<1x50xi32, #tpu.memory_space<vmem>>
    %dma_wait3A_966 = tpu.memref_squeeze %dma_wait3A_965 : memref<1x50xi32, #tpu.memory_space<vmem>> -> memref<50xi32, #tpu.memory_space<vmem>>
    %dma_wait3A_967 = arith.constant 0 : i32
    %dma_wait3A_968 = arith.constant 0 : i32
    %dma_wait3A_969 = tpu.memref_slice %arg3[%dma_wait3A_967, %dma_wait3A_968] : memref<100000x128xf32, #tpu.memory_space<hbm>> -> memref<100000x128xf32, #tpu.memory_space<hbm>>
    tpu.wait_indirect_dma semaphore(%arg9 : memref<!tpu.dma_semaphore, #tpu.memory_space<semaphore_mem>>) src(%dma_wait3A_969 : memref<100000x128xf32, #tpu.memory_space<hbm>>) dst(%dma_wait3A_963 : memref<50x128xf32, #tpu.memory_space<vmem>>)
    %add3A_970 = arith.constant 120 : i32
    %add3A_971 = arith.addi %mul3A_2, %add3A_970 : i32
    %dma_start3A_972 = arith.constant 2 : i32
    %dma_start3A_973 = arith.constant 0 : i32
    %dma_start3A_974 = arith.constant 0 : i32
    %dma_start3A_975 = arith.constant 0 : i32
    %dma_start3A_976 = tpu.memref_slice %arg6[%dma_start3A_972, %dma_start3A_973, %dma_start3A_974, %dma_start3A_975] : memref<4x4x50x128xf32, #tpu.memory_space<vmem>> -> memref<1x4x50x128xf32, #tpu.memory_space<vmem>>
    %dma_start3A_977 = tpu.memref_squeeze %dma_start3A_976 : memref<1x4x50x128xf32, #tpu.memory_space<vmem>> -> memref<4x50x128xf32, #tpu.memory_space<vmem>>
    %dma_start3A_978 = arith.constant 0 : i32
    %dma_start3A_979 = arith.constant 0 : i32
    %dma_start3A_980 = tpu.memref_slice %arg4[%add3A_971, %dma_start3A_978, %dma_start3A_979] : memref<4096x50x128xf32, #tpu.memory_space<hbm>> -> memref<4x50x128xf32, #tpu.memory_space<hbm>>
    %dma_start3A_981 = arith.constant 0 : i32
    %dma_start3A_982 = arith.constant 0 : i32
    %dma_start3A_983 = tpu.memref_slice %arg4[%add3A_971, %dma_start3A_981, %dma_start3A_982] : memref<4096x50x128xf32, #tpu.memory_space<hbm>> -> memref<4x50x128xf32, #tpu.memory_space<hbm>>
    %dma_start3A_984 = arith.constant 0 : i32
    %dma_start3A_985 = arith.constant 0 : i32
    %dma_start3A_986 = arith.constant 0 : i32
    %dma_start3A_987 = tpu.memref_slice %arg6[%dma_start3A_972, %dma_start3A_984, %dma_start3A_985, %dma_start3A_986] : memref<4x4x50x128xf32, #tpu.memory_space<vmem>> -> memref<1x4x50x128xf32, #tpu.memory_space<vmem>>
    %dma_start3A_988 = tpu.memref_squeeze %dma_start3A_987 : memref<1x4x50x128xf32, #tpu.memory_space<vmem>> -> memref<4x50x128xf32, #tpu.memory_space<vmem>>
    tpu.enqueue_dma source(%dma_start3A_988 : memref<4x50x128xf32, #tpu.memory_space<vmem>>) target(%dma_start3A_983 : memref<4x50x128xf32, #tpu.memory_space<hbm>>) target_semaphore(%arg13 : memref<!tpu.dma_semaphore, #tpu.memory_space<semaphore_mem>>)
    %dma_wait3A_989 = arith.constant 0 : i32
    %dma_wait3A_990 = arith.constant 3 : i32
    %dma_wait3A_991 = arith.constant 0 : i32
    %dma_wait3A_992 = arith.constant 0 : i32
    %dma_wait3A_993 = arith.constant 0 : i32
    %dma_wait3A_994 = tpu.memref_slice %arg6[%dma_wait3A_990, %dma_wait3A_991, %dma_wait3A_992, %dma_wait3A_993] : memref<4x4x50x128xf32, #tpu.memory_space<vmem>> -> memref<1x1x50x128xf32, #tpu.memory_space<vmem>>
    %dma_wait3A_995 = tpu.memref_squeeze %dma_wait3A_994 : memref<1x1x50x128xf32, #tpu.memory_space<vmem>> -> memref<50x128xf32, #tpu.memory_space<vmem>>
    %dma_wait3A_996 = arith.constant 0 : i32
    %dma_wait3A_997 = tpu.memref_slice %arg5[%dma_wait3A_989, %dma_wait3A_996] : memref<128x50xi32, #tpu.memory_space<vmem>> -> memref<1x50xi32, #tpu.memory_space<vmem>>
    %dma_wait3A_998 = tpu.memref_squeeze %dma_wait3A_997 : memref<1x50xi32, #tpu.memory_space<vmem>> -> memref<50xi32, #tpu.memory_space<vmem>>
    %dma_wait3A_999 = arith.constant 0 : i32
    %dma_wait3A_1000 = arith.constant 0 : i32
    %dma_wait3A_1001 = tpu.memref_slice %arg3[%dma_wait3A_999, %dma_wait3A_1000] : memref<100000x128xf32, #tpu.memory_space<hbm>> -> memref<100000x128xf32, #tpu.memory_space<hbm>>
    tpu.wait_indirect_dma semaphore(%arg10 : memref<!tpu.dma_semaphore, #tpu.memory_space<semaphore_mem>>) src(%dma_wait3A_1001 : memref<100000x128xf32, #tpu.memory_space<hbm>>) dst(%dma_wait3A_995 : memref<50x128xf32, #tpu.memory_space<vmem>>)
    %dma_wait3A_1002 = arith.constant 0 : i32
    %dma_wait3A_1003 = arith.constant 3 : i32
    %dma_wait3A_1004 = arith.constant 1 : i32
    %dma_wait3A_1005 = arith.constant 0 : i32
    %dma_wait3A_1006 = arith.constant 0 : i32
    %dma_wait3A_1007 = tpu.memref_slice %arg6[%dma_wait3A_1003, %dma_wait3A_1004, %dma_wait3A_1005, %dma_wait3A_1006] : memref<4x4x50x128xf32, #tpu.memory_space<vmem>> -> memref<1x1x50x128xf32, #tpu.memory_space<vmem>>
    %dma_wait3A_1008 = tpu.memref_squeeze %dma_wait3A_1007 : memref<1x1x50x128xf32, #tpu.memory_space<vmem>> -> memref<50x128xf32, #tpu.memory_space<vmem>>
    %dma_wait3A_1009 = arith.constant 0 : i32
    %dma_wait3A_1010 = tpu.memref_slice %arg5[%dma_wait3A_1002, %dma_wait3A_1009] : memref<128x50xi32, #tpu.memory_space<vmem>> -> memref<1x50xi32, #tpu.memory_space<vmem>>
    %dma_wait3A_1011 = tpu.memref_squeeze %dma_wait3A_1010 : memref<1x50xi32, #tpu.memory_space<vmem>> -> memref<50xi32, #tpu.memory_space<vmem>>
    %dma_wait3A_1012 = arith.constant 0 : i32
    %dma_wait3A_1013 = arith.constant 0 : i32
    %dma_wait3A_1014 = tpu.memref_slice %arg3[%dma_wait3A_1012, %dma_wait3A_1013] : memref<100000x128xf32, #tpu.memory_space<hbm>> -> memref<100000x128xf32, #tpu.memory_space<hbm>>
    tpu.wait_indirect_dma semaphore(%arg10 : memref<!tpu.dma_semaphore, #tpu.memory_space<semaphore_mem>>) src(%dma_wait3A_1014 : memref<100000x128xf32, #tpu.memory_space<hbm>>) dst(%dma_wait3A_1008 : memref<50x128xf32, #tpu.memory_space<vmem>>)
    %dma_wait3A_1015 = arith.constant 0 : i32
    %dma_wait3A_1016 = arith.constant 3 : i32
    %dma_wait3A_1017 = arith.constant 2 : i32
    %dma_wait3A_1018 = arith.constant 0 : i32
    %dma_wait3A_1019 = arith.constant 0 : i32
    %dma_wait3A_1020 = tpu.memref_slice %arg6[%dma_wait3A_1016, %dma_wait3A_1017, %dma_wait3A_1018, %dma_wait3A_1019] : memref<4x4x50x128xf32, #tpu.memory_space<vmem>> -> memref<1x1x50x128xf32, #tpu.memory_space<vmem>>
    %dma_wait3A_1021 = tpu.memref_squeeze %dma_wait3A_1020 : memref<1x1x50x128xf32, #tpu.memory_space<vmem>> -> memref<50x128xf32, #tpu.memory_space<vmem>>
    %dma_wait3A_1022 = arith.constant 0 : i32
    %dma_wait3A_1023 = tpu.memref_slice %arg5[%dma_wait3A_1015, %dma_wait3A_1022] : memref<128x50xi32, #tpu.memory_space<vmem>> -> memref<1x50xi32, #tpu.memory_space<vmem>>
    %dma_wait3A_1024 = tpu.memref_squeeze %dma_wait3A_1023 : memref<1x50xi32, #tpu.memory_space<vmem>> -> memref<50xi32, #tpu.memory_space<vmem>>
    %dma_wait3A_1025 = arith.constant 0 : i32
    %dma_wait3A_1026 = arith.constant 0 : i32
    %dma_wait3A_1027 = tpu.memref_slice %arg3[%dma_wait3A_1025, %dma_wait3A_1026] : memref<100000x128xf32, #tpu.memory_space<hbm>> -> memref<100000x128xf32, #tpu.memory_space<hbm>>
    tpu.wait_indirect_dma semaphore(%arg10 : memref<!tpu.dma_semaphore, #tpu.memory_space<semaphore_mem>>) src(%dma_wait3A_1027 : memref<100000x128xf32, #tpu.memory_space<hbm>>) dst(%dma_wait3A_1021 : memref<50x128xf32, #tpu.memory_space<vmem>>)
    %dma_wait3A_1028 = arith.constant 0 : i32
    %dma_wait3A_1029 = arith.constant 3 : i32
    %dma_wait3A_1030 = arith.constant 3 : i32
    %dma_wait3A_1031 = arith.constant 0 : i32
    %dma_wait3A_1032 = arith.constant 0 : i32
    %dma_wait3A_1033 = tpu.memref_slice %arg6[%dma_wait3A_1029, %dma_wait3A_1030, %dma_wait3A_1031, %dma_wait3A_1032] : memref<4x4x50x128xf32, #tpu.memory_space<vmem>> -> memref<1x1x50x128xf32, #tpu.memory_space<vmem>>
    %dma_wait3A_1034 = tpu.memref_squeeze %dma_wait3A_1033 : memref<1x1x50x128xf32, #tpu.memory_space<vmem>> -> memref<50x128xf32, #tpu.memory_space<vmem>>
    %dma_wait3A_1035 = arith.constant 0 : i32
    %dma_wait3A_1036 = tpu.memref_slice %arg5[%dma_wait3A_1028, %dma_wait3A_1035] : memref<128x50xi32, #tpu.memory_space<vmem>> -> memref<1x50xi32, #tpu.memory_space<vmem>>
    %dma_wait3A_1037 = tpu.memref_squeeze %dma_wait3A_1036 : memref<1x50xi32, #tpu.memory_space<vmem>> -> memref<50xi32, #tpu.memory_space<vmem>>
    %dma_wait3A_1038 = arith.constant 0 : i32
    %dma_wait3A_1039 = arith.constant 0 : i32
    %dma_wait3A_1040 = tpu.memref_slice %arg3[%dma_wait3A_1038, %dma_wait3A_1039] : memref<100000x128xf32, #tpu.memory_space<hbm>> -> memref<100000x128xf32, #tpu.memory_space<hbm>>
    tpu.wait_indirect_dma semaphore(%arg10 : memref<!tpu.dma_semaphore, #tpu.memory_space<semaphore_mem>>) src(%dma_wait3A_1040 : memref<100000x128xf32, #tpu.memory_space<hbm>>) dst(%dma_wait3A_1034 : memref<50x128xf32, #tpu.memory_space<vmem>>)
    %add3A_1041 = arith.constant 124 : i32
    %add3A_1042 = arith.addi %mul3A_2, %add3A_1041 : i32
    %dma_start3A_1043 = arith.constant 3 : i32
    %dma_start3A_1044 = arith.constant 0 : i32
    %dma_start3A_1045 = arith.constant 0 : i32
    %dma_start3A_1046 = arith.constant 0 : i32
    %dma_start3A_1047 = tpu.memref_slice %arg6[%dma_start3A_1043, %dma_start3A_1044, %dma_start3A_1045, %dma_start3A_1046] : memref<4x4x50x128xf32, #tpu.memory_space<vmem>> -> memref<1x4x50x128xf32, #tpu.memory_space<vmem>>
    %dma_start3A_1048 = tpu.memref_squeeze %dma_start3A_1047 : memref<1x4x50x128xf32, #tpu.memory_space<vmem>> -> memref<4x50x128xf32, #tpu.memory_space<vmem>>
    %dma_start3A_1049 = arith.constant 0 : i32
    %dma_start3A_1050 = arith.constant 0 : i32
    %dma_start3A_1051 = tpu.memref_slice %arg4[%add3A_1042, %dma_start3A_1049, %dma_start3A_1050] : memref<4096x50x128xf32, #tpu.memory_space<hbm>> -> memref<4x50x128xf32, #tpu.memory_space<hbm>>
    %dma_start3A_1052 = arith.constant 0 : i32
    %dma_start3A_1053 = arith.constant 0 : i32
    %dma_start3A_1054 = tpu.memref_slice %arg4[%add3A_1042, %dma_start3A_1052, %dma_start3A_1053] : memref<4096x50x128xf32, #tpu.memory_space<hbm>> -> memref<4x50x128xf32, #tpu.memory_space<hbm>>
    %dma_start3A_1055 = arith.constant 0 : i32
    %dma_start3A_1056 = arith.constant 0 : i32
    %dma_start3A_1057 = arith.constant 0 : i32
    %dma_start3A_1058 = tpu.memref_slice %arg6[%dma_start3A_1043, %dma_start3A_1055, %dma_start3A_1056, %dma_start3A_1057] : memref<4x4x50x128xf32, #tpu.memory_space<vmem>> -> memref<1x4x50x128xf32, #tpu.memory_space<vmem>>
    %dma_start3A_1059 = tpu.memref_squeeze %dma_start3A_1058 : memref<1x4x50x128xf32, #tpu.memory_space<vmem>> -> memref<4x50x128xf32, #tpu.memory_space<vmem>>
    tpu.enqueue_dma source(%dma_start3A_1059 : memref<4x50x128xf32, #tpu.memory_space<vmem>>) target(%dma_start3A_1054 : memref<4x50x128xf32, #tpu.memory_space<hbm>>) target_semaphore(%arg14 : memref<!tpu.dma_semaphore, #tpu.memory_space<semaphore_mem>>)
    %dma_wait3A_1060 = arith.constant 0 : i32
    %dma_wait3A_1061 = arith.constant 0 : i32
    %dma_wait3A_1062 = arith.constant 0 : i32
    %dma_wait3A_1063 = arith.constant 0 : i32
    %dma_wait3A_1064 = tpu.memref_slice %arg6[%dma_wait3A_1060, %dma_wait3A_1061, %dma_wait3A_1062, %dma_wait3A_1063] : memref<4x4x50x128xf32, #tpu.memory_space<vmem>> -> memref<1x4x50x128xf32, #tpu.memory_space<vmem>>
    %dma_wait3A_1065 = tpu.memref_squeeze %dma_wait3A_1064 : memref<1x4x50x128xf32, #tpu.memory_space<vmem>> -> memref<4x50x128xf32, #tpu.memory_space<vmem>>
    %dma_wait3A_1066 = arith.constant 0 : i32
    %dma_wait3A_1067 = arith.constant 0 : i32
    %dma_wait3A_1068 = tpu.memref_slice %arg4[%mul3A_2, %dma_wait3A_1066, %dma_wait3A_1067] : memref<4096x50x128xf32, #tpu.memory_space<hbm>> -> memref<4x50x128xf32, #tpu.memory_space<hbm>>
    %dma_wait3A_1069 = arith.constant 0 : i32
    %dma_wait3A_1070 = arith.constant 0 : i32
    %dma_wait3A_1071 = tpu.memref_slice %arg4[%mul3A_2, %dma_wait3A_1069, %dma_wait3A_1070] : memref<4096x50x128xf32, #tpu.memory_space<hbm>> -> memref<4x50x128xf32, #tpu.memory_space<hbm>>
    %dma_wait3A_1072 = arith.constant 0 : i32
    %dma_wait3A_1073 = arith.constant 0 : i32
    %dma_wait3A_1074 = arith.constant 0 : i32
    %dma_wait3A_1075 = tpu.memref_slice %arg6[%dma_wait3A_1060, %dma_wait3A_1072, %dma_wait3A_1073, %dma_wait3A_1074] : memref<4x4x50x128xf32, #tpu.memory_space<vmem>> -> memref<1x4x50x128xf32, #tpu.memory_space<vmem>>
    %dma_wait3A_1076 = tpu.memref_squeeze %dma_wait3A_1075 : memref<1x4x50x128xf32, #tpu.memory_space<vmem>> -> memref<4x50x128xf32, #tpu.memory_space<vmem>>
    tpu.wait_dma2 semaphore(%arg11 : memref<!tpu.dma_semaphore, #tpu.memory_space<semaphore_mem>>) src(%dma_wait3A_1076 : memref<4x50x128xf32, #tpu.memory_space<vmem>>) dst(%dma_wait3A_1071 : memref<4x50x128xf32, #tpu.memory_space<hbm>>)
    %dma_wait3A_1077 = arith.constant 1 : i32
    %dma_wait3A_1078 = arith.constant 0 : i32
    %dma_wait3A_1079 = arith.constant 0 : i32
    %dma_wait3A_1080 = arith.constant 0 : i32
    %dma_wait3A_1081 = tpu.memref_slice %arg6[%dma_wait3A_1077, %dma_wait3A_1078, %dma_wait3A_1079, %dma_wait3A_1080] : memref<4x4x50x128xf32, #tpu.memory_space<vmem>> -> memref<1x4x50x128xf32, #tpu.memory_space<vmem>>
    %dma_wait3A_1082 = tpu.memref_squeeze %dma_wait3A_1081 : memref<1x4x50x128xf32, #tpu.memory_space<vmem>> -> memref<4x50x128xf32, #tpu.memory_space<vmem>>
    %dma_wait3A_1083 = arith.constant 0 : i32
    %dma_wait3A_1084 = arith.constant 0 : i32
    %dma_wait3A_1085 = tpu.memref_slice %arg4[%mul3A_2, %dma_wait3A_1083, %dma_wait3A_1084] : memref<4096x50x128xf32, #tpu.memory_space<hbm>> -> memref<4x50x128xf32, #tpu.memory_space<hbm>>
    %dma_wait3A_1086 = arith.constant 0 : i32
    %dma_wait3A_1087 = arith.constant 0 : i32
    %dma_wait3A_1088 = tpu.memref_slice %arg4[%mul3A_2, %dma_wait3A_1086, %dma_wait3A_1087] : memref<4096x50x128xf32, #tpu.memory_space<hbm>> -> memref<4x50x128xf32, #tpu.memory_space<hbm>>
    %dma_wait3A_1089 = arith.constant 0 : i32
    %dma_wait3A_1090 = arith.constant 0 : i32
    %dma_wait3A_1091 = arith.constant 0 : i32
    %dma_wait3A_1092 = tpu.memref_slice %arg6[%dma_wait3A_1077, %dma_wait3A_1089, %dma_wait3A_1090, %dma_wait3A_1091] : memref<4x4x50x128xf32, #tpu.memory_space<vmem>> -> memref<1x4x50x128xf32, #tpu.memory_space<vmem>>
    %dma_wait3A_1093 = tpu.memref_squeeze %dma_wait3A_1092 : memref<1x4x50x128xf32, #tpu.memory_space<vmem>> -> memref<4x50x128xf32, #tpu.memory_space<vmem>>
    tpu.wait_dma2 semaphore(%arg12 : memref<!tpu.dma_semaphore, #tpu.memory_space<semaphore_mem>>) src(%dma_wait3A_1093 : memref<4x50x128xf32, #tpu.memory_space<vmem>>) dst(%dma_wait3A_1088 : memref<4x50x128xf32, #tpu.memory_space<hbm>>)
    %dma_wait3A_1094 = arith.constant 2 : i32
    %dma_wait3A_1095 = arith.constant 0 : i32
    %dma_wait3A_1096 = arith.constant 0 : i32
    %dma_wait3A_1097 = arith.constant 0 : i32
    %dma_wait3A_1098 = tpu.memref_slice %arg6[%dma_wait3A_1094, %dma_wait3A_1095, %dma_wait3A_1096, %dma_wait3A_1097] : memref<4x4x50x128xf32, #tpu.memory_space<vmem>> -> memref<1x4x50x128xf32, #tpu.memory_space<vmem>>
    %dma_wait3A_1099 = tpu.memref_squeeze %dma_wait3A_1098 : memref<1x4x50x128xf32, #tpu.memory_space<vmem>> -> memref<4x50x128xf32, #tpu.memory_space<vmem>>
    %dma_wait3A_1100 = arith.constant 0 : i32
    %dma_wait3A_1101 = arith.constant 0 : i32
    %dma_wait3A_1102 = tpu.memref_slice %arg4[%mul3A_2, %dma_wait3A_1100, %dma_wait3A_1101] : memref<4096x50x128xf32, #tpu.memory_space<hbm>> -> memref<4x50x128xf32, #tpu.memory_space<hbm>>
    %dma_wait3A_1103 = arith.constant 0 : i32
    %dma_wait3A_1104 = arith.constant 0 : i32
    %dma_wait3A_1105 = tpu.memref_slice %arg4[%mul3A_2, %dma_wait3A_1103, %dma_wait3A_1104] : memref<4096x50x128xf32, #tpu.memory_space<hbm>> -> memref<4x50x128xf32, #tpu.memory_space<hbm>>
    %dma_wait3A_1106 = arith.constant 0 : i32
    %dma_wait3A_1107 = arith.constant 0 : i32
    %dma_wait3A_1108 = arith.constant 0 : i32
    %dma_wait3A_1109 = tpu.memref_slice %arg6[%dma_wait3A_1094, %dma_wait3A_1106, %dma_wait3A_1107, %dma_wait3A_1108] : memref<4x4x50x128xf32, #tpu.memory_space<vmem>> -> memref<1x4x50x128xf32, #tpu.memory_space<vmem>>
    %dma_wait3A_1110 = tpu.memref_squeeze %dma_wait3A_1109 : memref<1x4x50x128xf32, #tpu.memory_space<vmem>> -> memref<4x50x128xf32, #tpu.memory_space<vmem>>
    tpu.wait_dma2 semaphore(%arg13 : memref<!tpu.dma_semaphore, #tpu.memory_space<semaphore_mem>>) src(%dma_wait3A_1110 : memref<4x50x128xf32, #tpu.memory_space<vmem>>) dst(%dma_wait3A_1105 : memref<4x50x128xf32, #tpu.memory_space<hbm>>)
    %dma_wait3A_1111 = arith.constant 3 : i32
    %dma_wait3A_1112 = arith.constant 0 : i32
    %dma_wait3A_1113 = arith.constant 0 : i32
    %dma_wait3A_1114 = arith.constant 0 : i32
    %dma_wait3A_1115 = tpu.memref_slice %arg6[%dma_wait3A_1111, %dma_wait3A_1112, %dma_wait3A_1113, %dma_wait3A_1114] : memref<4x4x50x128xf32, #tpu.memory_space<vmem>> -> memref<1x4x50x128xf32, #tpu.memory_space<vmem>>
    %dma_wait3A_1116 = tpu.memref_squeeze %dma_wait3A_1115 : memref<1x4x50x128xf32, #tpu.memory_space<vmem>> -> memref<4x50x128xf32, #tpu.memory_space<vmem>>
    %dma_wait3A_1117 = arith.constant 0 : i32
    %dma_wait3A_1118 = arith.constant 0 : i32
    %dma_wait3A_1119 = tpu.memref_slice %arg4[%mul3A_2, %dma_wait3A_1117, %dma_wait3A_1118] : memref<4096x50x128xf32, #tpu.memory_space<hbm>> -> memref<4x50x128xf32, #tpu.memory_space<hbm>>
    %dma_wait3A_1120 = arith.constant 0 : i32
    %dma_wait3A_1121 = arith.constant 0 : i32
    %dma_wait3A_1122 = tpu.memref_slice %arg4[%mul3A_2, %dma_wait3A_1120, %dma_wait3A_1121] : memref<4096x50x128xf32, #tpu.memory_space<hbm>> -> memref<4x50x128xf32, #tpu.memory_space<hbm>>
    %dma_wait3A_1123 = arith.constant 0 : i32
    %dma_wait3A_1124 = arith.constant 0 : i32
    %dma_wait3A_1125 = arith.constant 0 : i32
    %dma_wait3A_1126 = tpu.memref_slice %arg6[%dma_wait3A_1111, %dma_wait3A_1123, %dma_wait3A_1124, %dma_wait3A_1125] : memref<4x4x50x128xf32, #tpu.memory_space<vmem>> -> memref<1x4x50x128xf32, #tpu.memory_space<vmem>>
    %dma_wait3A_1127 = tpu.memref_squeeze %dma_wait3A_1126 : memref<1x4x50x128xf32, #tpu.memory_space<vmem>> -> memref<4x50x128xf32, #tpu.memory_space<vmem>>
    tpu.wait_dma2 semaphore(%arg14 : memref<!tpu.dma_semaphore, #tpu.memory_space<semaphore_mem>>) src(%dma_wait3A_1127 : memref<4x50x128xf32, #tpu.memory_space<vmem>>) dst(%dma_wait3A_1122 : memref<4x50x128xf32, #tpu.memory_space<hbm>>)
    return
  }
}

</mosaic_0001>

<sc_bundles>
// kernel: kernel.3.cloned.1.call-start
scs
__scs_entry_jumppad:
0x0: {  	(pc) =	sbr.rel $0x88, $3  }
0x1: {  	(tag) =	ssettag $0x0;
	lr =	simm.s32 $0x1  }
0x2: {  	[smem:$0x3F9F] =	sst lr;
	_ =	strace $0xD0000000  }
0x3: {  	_ = 	snop  }
0x4: {  	_ = 	snop  }
0x5: {  	_ = 	snop  }
0x6: {  	_ = 	snop  }
0x7: {  	_ = 	snop  }
__scs_overlays_trampoline_lowered:
0x8: {  	[smem:$0x3FAE] =	sst s0  }
0x9: {  	[smem:$0x3FAF] =	sst s1  }
0xa: {  	[smem:$0x3FB0] =	sst s2  }
0xb: {  	[smem:$0x3FB1] =	sst s3  }
0xc: {  	[smem:$0x3FB2] =	sst s4  }
0xd: {  	[smem:$0x3FB3] =	sst s5  }
0xe: {  	[smem:$0x3FB4] =	sst s6  }
0xf: {  	[smem:$0x3FB5] =	sst s7  }
0x10: {  	[smem:$0x3FB6] =	sst s8  }
0x11: {  	[smem:$0x3FB7] =	sst s9;
	s0 =	simm.s32 @!p0 $0x0  }
0x12: {  	s1 =	sld [smem:$0x3F9D];
	s0 =	simm.s32 @p0 $0x1  }
0x13: {  	[smem:$0x3FB8] =	sst s0;
	s0 =	simm.s32 @!p1 $0x0  }
0x14: {  	s2 =	sld [smem:$0x3F9C];
	s0 =	simm.s32 @p1 $0x1  }
0x15: {  	[smem:$0x3FB9] =	sst s0;
	s0 =	simm.s32 @!p2 $0x0  }
0x16: {  	s3 =	sld [smem:$0x3FDB];
	s0 =	simm.s32 @p2 $0x1  }
0x17: {  	s4 =	simm.s32 $0x1BF5;
	[smem:$0x3FBB] =	sst s0  }
0x18: {  	s0 =	sld [smem:$0x3F9E];
	_ =	swait.ge [sflag:s4], $0x0  }
0x19: {  	s7 =	sld [smem:$0x3F9F]  }
0x1a: {  	s8 =	sadd.s32 $0xFFFFE003, lr  }
0x1b: {  	s9 =	sadd.s32 $0xFFFFFEF7, lr;
	s5 =	simm.s32 $0xFFFFFFFF;
	p2 =	slt.u32 s8, $0xFFFFF086  }
0x1c: {  	p1 =	slt.u32 s9, $0xF7A;
	s5 =	simm.s32 @!p2 $0x0  }
0x1d: {  	s5 =	simm.s32 @p1 $0x1;
	p0 =	seq.s32 s7, s2  }
0x1e: {  	s7 =	smul.u32 @!p0 $0xF7A, s2;
	p2 =	seq.s32 @!p0 s5, $0x0  }
0x1f: {  	s9 =	smul.u32 $0xF7A, s1;
	s8 =	simm.s32 @!p0 $0x1BF5;
	p2 =	por !p2, p0  }
0x20: {  	[sflag:s8] =	ssyncset.s32 @!p0 $0xFFFFF086;
	s6 =	sadd.s32 @!p0 s3, s7;
	s7 =	simm.s32 @!p0 $0x108  }
0x21: {  	s3 =	sadd.s32 s3, s9;
	s6 =	sadd.s32 @!p0 $0x88, s6;
	s7 =	simm.s32 @p2 $0x1082  }
0x22: {  	[simem:s7], [sflag:s8] =	dma.local @!p0 [hbm:s6], $0xF7A  }
0x23: {  	s9 =	sor.u32 $0xD0000000, s2;
	s6 =	simm.s32 $0x108;
	_ =	swait.ge @!p0 [sflag:s8], $0x0  }
0x24: {  	s3 =	sadd.s32 $0x88, s3;
	s6 =	simm.s32 @!p1 $0x1082;
	[sflag:s4] =	ssyncset.s32 $0xFFFFF086  }
0x25: {  	[simem:s6], [sflag:s4] =	dma.local [hbm:s3], $0xF7A  }
0x26: {  	[smem:$0x3F9F] =	sst s1;
	(tag) =	ssettag s2;
	_ =	strace s9  }
0x27: {  	s1 =	sld [smem:$0x3FAF]  }
0x28: {  	s2 =	sld [smem:$0x3FB0]  }
0x29: {  	s4 =	sld [smem:$0x3FB2]  }
0x2a: {  	p0 =	seq.s32 s5, $0x0;
	s5 =	sld [smem:$0x3FB3]  }
0x2b: {  	s6 =	sld [smem:$0x3FB4]  }
0x2c: {  	s7 =	sld [smem:$0x3FB5]  }
0x2d: {  	s3 =	simm.s32 $0x108;
	s8 =	sld [smem:$0x3FB6]  }
0x2e: {  	s3 =	simm.s32 @!p0 $0x1082;
	s9 =	sld [smem:$0x3FB7]  }
0x2f: {  	lr =	sadd.s32 s0, s3;
	s0 =	sld [smem:$0x3FAE]  }
0x30: {  	s3 =	sld [smem:$0x3FB1]  }
0x31: {  	[smem:$0x3FBA] =	sst s10  }
0x32: {  	s10 =	sld [smem:$0x3FB8];
	_ =	sdelay $0x3  }
0x33: {  	p0 =	seq.s32 s10, $0x1;
	s10 =	sld [smem:$0x3FBA];
	_ =	sdelay $0x3  }
0x34: {  	[smem:$0x3FBA] =	sst s10  }
0x35: {  	s10 =	sld [smem:$0x3FB9];
	_ =	sdelay $0x3  }
0x36: {  	p1 =	seq.s32 s10, $0x1;
	s10 =	sld [smem:$0x3FBA];
	_ =	sdelay $0x3  }
0x37: {  	[smem:$0x3FBA] =	sst s10  }
0x38: {  	s10 =	sld [smem:$0x3FBB]  }
0x39: {  	_ = 	snop;
	(pc) =	sbr.ind lr, $3  }
0x3a: {  	_ = 	snop  }
0x3b: {  	_ = 	snop  }
0x3c: {  	p2 =	seq.s32 s10, $0x1;
	s10 =	sld [smem:$0x3FBA]  }
0x3d: {  	_ =	shalt  }
0x3e: {  	_ =	shalt  }
0x3f: {  	_ =	shalt  }
0x40: {  	_ =	shalt  }
0x41: {  	_ =	shalt  }
0x42: {  	_ =	shalt  }
0x43: {  	_ =	shalt  }
0x44: {  	_ =	shalt  }
0x45: {  	_ =	shalt  }
0x46: {  	_ =	shalt  }
0x47: {  	_ =	shalt  }
0x48: {  	_ =	shalt  }
0x49: {  	_ =	shalt  }
0x4a: {  	_ =	shalt  }
0x4b: {  	_ =	shalt  }
0x4c: {  	_ =	shalt  }
0x4d: {  	_ =	shalt  }
0x4e: {  	_ =	shalt  }
0x4f: {  	_ =	shalt  }
0x50: {  	_ =	shalt  }
0x51: {  	_ =	shalt  }
0x52: {  	_ =	shalt  }
0x53: {  	_ =	shalt  }
0x54: {  	_ =	shalt  }
0x55: {  	_ =	shalt  }
0x56: {  	_ =	shalt  }
0x57: {  	_ =	shalt  }
0x58: {  	_ =	shalt  }
0x59: {  	_ =	shalt  }
0x5a: {  	_ =	shalt  }
0x5b: {  	_ =	shalt  }
0x5c: {  	_ =	shalt  }
0x5d: {  	_ =	shalt  }
0x5e: {  	_ =	shalt  }
0x5f: {  	_ =	shalt  }
0x60: {  	_ =	shalt  }
0x61: {  	_ =	shalt  }
0x62: {  	_ =	shalt  }
0x63: {  	_ =	shalt  }
0x64: {  	_ =	shalt  }
0x65: {  	_ =	shalt  }
0x66: {  	_ =	shalt  }
0x67: {  	_ =	shalt  }
0x68: {  	_ =	shalt  }
0x69: {  	_ =	shalt  }
0x6a: {  	_ =	shalt  }
0x6b: {  	_ =	shalt  }
0x6c: {  	_ =	shalt  }
0x6d: {  	_ =	shalt  }
0x6e: {  	_ =	shalt  }
0x6f: {  	_ =	shalt  }
0x70: {  	_ =	shalt  }
0x71: {  	_ =	shalt  }
0x72: {  	_ =	shalt  }
0x73: {  	_ =	shalt  }
0x74: {  	_ =	shalt  }
0x75: {  	_ =	shalt  }
0x76: {  	_ =	shalt  }
0x77: {  	_ =	shalt  }
0x78: {  	_ =	shalt  }
0x79: {  	_ =	shalt  }
0x7a: {  	_ =	shalt  }
0x7b: {  	_ =	shalt  }
0x7c: {  	_ =	shalt  }
0x7d: {  	_ =	shalt  }
0x7e: {  	_ =	shalt  }
0x7f: {  	_ =	shalt  }
0x80: {  	_ =	shalt  }
0x81: {  	_ =	shalt  }
0x82: {  	_ =	shalt  }
0x83: {  	_ =	shalt  }
0x84: {  	_ =	shalt  }
0x85: {  	_ =	shalt  }
0x86: {  	_ =	shalt  }
0x87: {  	_ =	shalt  }
.Lfunc_end0:
.L_simem_size_0:
called_computation_lowered:
.L_overlay_start_0:
0x88: {  	s2 =	sld [smem:$0x3FD9]  }
0x89: {  	s3 =	sld [smem:$0x3FFE];
	_ =	sdelay $0x1  }
0x8a: {  	s1 =	srdreg.scid  }
0x8b: {  	s0 =	sand.u32 $0x1, s1  }
0x8c: {  	s17 =	sshll.u32 s0, $0xA;
	s2 =	sadd.s32 s3, s2  }
0x8d: {  	s2 =	sadd.s32 s2, s17  }
0x8e: {  	[smem:$0x3FC6] =	sst s2  }
0x8f: {  	_ = 	snop  }
0x90: {  	s2 =	sld [smem:$0x3FC8]  }
0x91: {  	s18 =	sld [smem:$0x3FD0];
	(tm) =	ssettm $0x1  }
0x92: {  	s4 =	sld [smem:$0x3FFB];
	_ =	sdelay $0x3  }
0x93: {  	_ =	strace s4  }
0x94: {  	s4 =	sld [smem:$0x3FFC];
	_ =	sdelay $0x3  }
0x95: {  	_ =	strace s4  }
0x96: {  	s4 =	sld [smem:$0x3FFD];
	_ =	sdelay $0x3  }
0x97: {  	_ =	strace s4  }
0x98: {  	_ =	strace $0x8FFFFFFF  }
0x99: {  	s19 =	sld [smem:$0x3FDB];
	_ =	sdelay $0x1  }
0x9a: {  	s5 =	simm.s32 $_scs_section_size  }
0x9b: {  	s6 =	simm.s32 $_size__tile_overlayer_lowered;
	s7 =	simm.s32 $_tile_overlayer_lowered  }
0x9c: {  	s22 =	simm.s32 $0x1BFF;
	s21 =	sshll.u32 s7, $0x1;
	s4 =	sadd.s32 s5, s19  }
0x9d: {  	s8 =	simm.s32 $0x0;
	s20 =	sshll.u32 s6, $0x1;
	s6 =	sadd.s32 s21, s4  }
0x9e: {  	[timem:s8], [sflag:s22] =	dma.local [hbm:s6], s20  }
0x9f: {  	_ =	swait.ge [sflag:s22], s20  }
0xa0: {  	s5 =	ssub.s32 $0x0, s20;
	[sflag:s22] =	ssyncset.done $0x0  }
0xa1: {  	[sflag:s22] =	ssyncadd.s32 s5;
	_ =	sdelay $0x1  }
0xa2: {  	s23 =	simm.s32 $0x1B8B  }
0xa3: {  	_ =	swait.ge [sflag:s23], $0x1  }
0xa4: {  	[sflag:s23] =	ssyncset.done $0x0  }
0xa5: {  	s25 =	simm.s32 $0x1B8E;
	s24 =	sld [smem:$0x3FFE];
	[sflag:s23] =	ssyncadd.s32 $0xFFFFFFFF  }
0xa6: {  	s26 =	simm.s32 $execute0_lowered;
	[smem:$0x3FD2] =	sst s25  }
0xa7: {  	s6 =	sshll.u32 s26, $0x1;
	_ =	strace $0x80000046;
	[dreg:$0x1] =	wrdreg $0xFFFFFFFF  }
0xa8: {  	s28 =	simm.s32 $_size_execute0_lowered;
	s4 =	sadd.s32 s4, s6;
	[dreg:$0x0] =	wrdreg $0x0  }
0xa9: {  	s6 =	sshll.u32 s28, $0x1;
	[dreg:$0x2] =	wrdreg s4  }
0xaa: {  	[dreg:$0x3] =	wrdreg s6  }
0xab: {  	[dreg:$0x4] =	wrdreg $0xC0  }
0xac: {  	_ =	task [dreg:s8], $0x5FFFF  }
0xad: {  	[dreg:$0x1] =	wrdreg $0xFFFFFFFF  }
0xae: {  	[dreg:$0x0] =	wrdreg $0x60  }
0xaf: {  	[dreg:$0x2] =	wrdreg s18  }
0xb0: {  	[dreg:$0x3] =	wrdreg s2  }
0xb1: {  	[dreg:$0x4] =	wrdreg s24  }
0xb2: {  	[dreg:$0x5] =	wrdreg $0x9  }
0xb3: {  	_ =	task.clear_ibuf [dreg:s8], $0x6FFFF;
	_ =	strace $0x90000046  }
0xb4: {  	s29 =	simm.s32 $0x9;
	_ =	strace $0x80000048  }
0xb5: {  	_ =	swait.ge [sflag:s29], $0x1  }
0xb6: {  	[sflag:s29] =	ssyncadd.s32 $0xFFFFFFFF  }
0xb7: {  	_ =	strace $0x90000048  }
0xb8: {  	_ =	sfence  }
0xb9: {  	s30 =	sld [smem:$0x0];
	_ =	sdelay $0x2  }
0xba: {  	s31 =	sshll.u32 s1, $0xD;
	s1 =	sshrl.u32 s1, $0x2  }
0xbb: {  	s3 =	sand.u32 $0x4000, s31;
	s1 =	sadd.s32 s1, s30  }
0xbc: {  	s0 =	sor.u32 s3, s0;
	s1 =	sshll.u32 s1, $0x11  }
0xbd: {  	s0 =	sor.u32 s1, s0  }
0xbe: {  	s0 =	sadd.s32 $0x8F2B, s0  }
0xbf: {  	[sflag:s0] =	ssyncadd.remote.s32 $0x1  }
0xc0: {  	_ =	sfence.sel $0xFFFF  }
0xc1: {  	[dreg:$0x0] =	wrdreg $0xFFFFFFFF;
	(pc) =	sbr.abs _section_cstart, $3  }
0xc2: {  	[dreg:$0x1] =	wrdreg $0xFFFFFFFF  }
0xc3: {  	_ =	task.clear_ibuf [dreg:s8], $0x2FFFF;
	_ =	strace $0x9FFFFFFF  }
0xc4: {  	(tm) =	ssettm $0x7FFFFFFF  }
0xc5: {  	_ =	shalt  }
tec
execute0_lowered:
.L_overlay_start_1:
0x0: {  	(tag) =	ssettag $0x1  }
0x1: {  	s0 =	rddreg [dreg:$0x0];
	s1 =	srdreg.scid  }
0x2: {  	s2 =	rddreg [dreg:$0x1];
	s10 =	stileid.u32  }
0x3: {  	s4 =	rddreg [dreg:$0x2];
	s3 =	simm.s32 $0x0;
	s16 =	simm.s32 $0x32  }
0x4: {  	s28 =	simm.s32 $0xCC00;
	s30 =	simm.s32 $0xE800;
	s31 =	simm.s32 $0x17400  }
0x5: {  	s29 =	simm.s32 $0x1C800;
	s13 =	simm.s32 $0x2;
	s15 =	simm.s32 $0x5  }
0x6: {  	s11 =	simm.s32 $0x0;
	s1 =	sand.u32 $0x1, s1;
	s5 =	sshll.u32 s10, $0x8  }
0x7: {  	[smem:$0x7FF] =	sst s3;
	s4 =	sadd.s32 $0x400, s4;
	s21 =	smul.u32 $0x38000, s10  }
0x8: {  	s10 =	simm.s32 $0x8;
	s6 =	sshll.u32 s1, $0x7;
	s17 =	ssub.s32 $0x2, s1  }
0x9: {  	_ =	strace $0x80000047;
	s1 =	smul.u32 $0x1C000, s1;
	s5 =	sor.u32 s6, s5  }
0xa: {  	s8 =	sshrl.u32 s17, $0x1;
	s7 =	smul.u32 $0x380, s5;
	s9 =	sshll.u32 s5, $0x4  }
0xb: {  	s5 =	smul.u32 $0x1C00, s5;
	s6 =	ssub.s32 s17, s8;
	s17 =	simm.s32 $0x4000  }
0xc: {  	s8 =	simm.s32 $0x4;
	s0 =	sadd.s32 s0, s9;
	s26 =	smax.u32 s6, $0x1  }
0xd: {  	s6 =	simm.s32 $0x3;
	s9 =	simm.s32 $0x7;
	[dreg:$0x5] =	wrdreg s0  }
0xe: {  	s7 =	sadd.s32 s4, s7;
	s20 =	sshrl.u32 s5, $0x3;
	[dreg:$0xd] =	wrdreg s26  }
0xf: {  	s26 =	simm.s32 $0x15800;
	s5 =	simm.s32 $0x1E400;
	s18 =	sadd.s32 $0xE00, s7  }
0x10: {  	s19 =	sadd.s32 $0x1C00, s7;
	[dreg:$0x4] =	wrdreg s7;
	s7 =	sadd.s32 $0x2A00, s7  }
0x11: {  	s0 =	sadd.s32 s4, s20;
	s4 =	sadd.s32 s21, s4;
	[dreg:$0x6] =	wrdreg s18  }
0x12: {  	s21 =	simm.s32 $0x7800;
	s20 =	simm.s32 $0x1AC00;
	[dreg:$0x7] =	wrdreg s19  }
0x13: {  	[dreg:$0x8] =	wrdreg s7;
	s22 =	sadd.s32 $0x18800, s0;
	s23 =	sadd.s32 $0x19600, s0  }
0x14: {  	s24 =	sadd.s32 $0x1A400, s0;
	s0 =	sadd.s32 $0x1B200, s0;
	[dreg:$0x9] =	wrdreg s22  }
0x15: {  	s25 =	sadd.s32 s1, s4;
	s19 =	simm.s32 $0x5C00;
	[dreg:$0xa] =	wrdreg s23  }
0x16: {  	s1 =	simm.s32 $0x10400;
	s18 =	simm.s32 $0x12000;
	[dreg:$0xb] =	wrdreg s24  }
0x17: {  	s7 =	simm.s32 $0x6;
	[dreg:$0xc] =	wrdreg s0;
	s0 =	sadd.s32 $0x3800, s25  }
0x18: {  	s23 =	simm.s32 $0x9400;
	s25 =	simm.s32 $0xB000;
	s22 =	simm.s32 $0x13C00  }
0x19: {  	s24 =	simm.s32 $0x19000;
	[dreg:$0xe] =	wrdreg s0;
	s0 =	simm.s32 $0x1  }
.LBB2_1:
0x1a: {  	[dreg:$0xf] =	wrdreg s11  }
0x1b: {  	s4 =	rddreg [dreg:$0x5];
	s14 =	simm.s32 $0x9  }
0x1c: {  	[tilespmem:s3], [sflag:$0x9] =	stream.linear.gather [hbm4b:s4+s3], $0x4000, $0x38;
	v63 =	vld [tilespmem:$0x0]  }
0x1d: {  	_ =	swait.ge [sflag:s14], $0x4000  }
0x1e: {  	[sflag:s14] =	ssyncset.done $0x0  }
0x1f: {  	[sflag:s14] =	ssyncadd.s32 $0xFFFFC000  }
0x20: {  	[tilespmem:s17], [sflag:$0x1] =	stream.indirect.gather [hbm4b:s2+s16], $0x80, s3, s16, $0xb8;
	v63 =	vld [tilespmem:$0x0]  }
0x21: {  	s11 =	simm.s32 $0x80  }
0x22: {  	[tilespmem:s19], [sflag:$0x1] =	stream.indirect.gather [hbm4b:s2+s16], $0x80, s11, s16, $0xb8;
	v63 =	vld [tilespmem:$0x0]  }
0x23: {  	s12 =	simm.s32 $0x100  }
0x24: {  	[tilespmem:s21], [sflag:$0x1] =	stream.indirect.gather [hbm4b:s2+s16], $0x80, s12, s16, $0xb8;
	v63 =	vld [tilespmem:$0x0]  }
0x25: {  	s14 =	simm.s32 $0x180  }
0x26: {  	[tilespmem:s23], [sflag:$0x1] =	stream.indirect.gather [hbm4b:s2+s16], $0x80, s14, s16, $0xb8;
	v63 =	vld [tilespmem:$0x0]  }
0x27: {  	s11 =	simm.s32 $0x200  }
0x28: {  	[tilespmem:s25], [sflag:$0x2] =	stream.indirect.gather [hbm4b:s2+s16], $0x80, s11, s16, $0xb8;
	v63 =	vld [tilespmem:$0x0]  }
0x29: {  	s12 =	simm.s32 $0x280  }
0x2a: {  	[tilespmem:s28], [sflag:$0x2] =	stream.indirect.gather [hbm4b:s2+s16], $0x80, s12, s16, $0xb8;
	v63 =	vld [tilespmem:$0x0]  }
0x2b: {  	s14 =	simm.s32 $0x300  }
0x2c: {  	[tilespmem:s30], [sflag:$0x2] =	stream.indirect.gather [hbm4b:s2+s16], $0x80, s14, s16, $0xb8;
	v63 =	vld [tilespmem:$0x0]  }
0x2d: {  	s11 =	simm.s32 $0x380  }
0x2e: {  	[tilespmem:s1], [sflag:$0x2] =	stream.indirect.gather [hbm4b:s2+s16], $0x80, s11, s16, $0xb8;
	v63 =	vld [tilespmem:$0x0]  }
0x2f: {  	s12 =	simm.s32 $0x400  }
0x30: {  	[tilespmem:s18], [sflag:$0x3] =	stream.indirect.gather [hbm4b:s2+s16], $0x80, s12, s16, $0xb8;
	v63 =	vld [tilespmem:$0x0]  }
0x31: {  	s14 =	simm.s32 $0x480  }
0x32: {  	[tilespmem:s22], [sflag:$0x3] =	stream.indirect.gather [hbm4b:s2+s16], $0x80, s14, s16, $0xb8;
	v63 =	vld [tilespmem:$0x0]  }
0x33: {  	s11 =	simm.s32 $0x500  }
0x34: {  	[tilespmem:s26], [sflag:$0x3] =	stream.indirect.gather [hbm4b:s2+s16], $0x80, s11, s16, $0xb8;
	v63 =	vld [tilespmem:$0x0]  }
0x35: {  	s12 =	simm.s32 $0x580  }
0x36: {  	[tilespmem:s31], [sflag:$0x3] =	stream.indirect.gather [hbm4b:s2+s16], $0x80, s12, s16, $0xb8;
	v63 =	vld [tilespmem:$0x0]  }
0x37: {  	_ =	swait.ge [sflag:s0], $0x1900  }
0x38: {  	[sflag:s0] =	ssyncset.done $0x0  }
0x39: {  	[sflag:s0] =	ssyncadd.s32 $0xFFFFE700  }
0x3a: {  	_ =	swait.ge [sflag:s0], $0x1900  }
0x3b: {  	[sflag:s0] =	ssyncset.done $0x0  }
0x3c: {  	[sflag:s0] =	ssyncadd.s32 $0xFFFFE700  }
0x3d: {  	_ =	swait.ge [sflag:s0], $0x1900  }
0x3e: {  	[sflag:s0] =	ssyncset.done $0x0  }
0x3f: {  	[sflag:s0] =	ssyncadd.s32 $0xFFFFE700  }
0x40: {  	_ =	swait.ge [sflag:s0], $0x1900  }
0x41: {  	[sflag:s0] =	ssyncset.done $0x0  }
0x42: {  	s11 =	rddreg [dreg:$0x4];
	[sflag:s0] =	ssyncadd.s32 $0xFFFFE700  }
0x43: {  	[hbm4b:s11+s3] =	stream.linear.scatter [tilespmem:s17], [sflag:$0x5], $0x1900, $0x38;
	v63 =	vld [tilespmem:$0x0]  }
0x44: {  	s14 =	sadd.s32 $0x380, s11  }
0x45: {  	[hbm4b:s14+s3] =	stream.linear.scatter [tilespmem:s19], [sflag:$0x5], $0x1900, $0x38;
	v63 =	vld [tilespmem:$0x0]  }
0x46: {  	s12 =	sadd.s32 $0x700, s11  }
0x47: {  	[hbm4b:s12+s3] =	stream.linear.scatter [tilespmem:s21], [sflag:$0x5], $0x1900, $0x38;
	v63 =	vld [tilespmem:$0x0]  }
0x48: {  	s14 =	sadd.s32 $0xA80, s11  }
0x49: {  	[hbm4b:s14+s3] =	stream.linear.scatter [tilespmem:s23], [sflag:$0x5], $0x1900, $0x38;
	v63 =	vld [tilespmem:$0x0]  }
0x4a: {  	s11 =	simm.s32 $0x600  }
0x4b: {  	[tilespmem:s24], [sflag:$0x4] =	stream.indirect.gather [hbm4b:s2+s16], $0x80, s11, s16, $0xb8;
	v63 =	vld [tilespmem:$0x0]  }
0x4c: {  	s12 =	simm.s32 $0x680  }
0x4d: {  	[tilespmem:s20], [sflag:$0x4] =	stream.indirect.gather [hbm4b:s2+s16], $0x80, s12, s16, $0xb8;
	v63 =	vld [tilespmem:$0x0]  }
0x4e: {  	s14 =	simm.s32 $0x700  }
0x4f: {  	[tilespmem:s29], [sflag:$0x4] =	stream.indirect.gather [hbm4b:s2+s16], $0x80, s14, s16, $0xb8;
	v63 =	vld [tilespmem:$0x0]  }
0x50: {  	s11 =	simm.s32 $0x780  }
0x51: {  	[tilespmem:s5], [sflag:$0x4] =	stream.indirect.gather [hbm4b:s2+s16], $0x80, s11, s16, $0xb8;
	v63 =	vld [tilespmem:$0x0]  }
0x52: {  	_ =	swait.ge [sflag:s13], $0x1900  }
0x53: {  	[sflag:s13] =	ssyncset.done $0x0  }
0x54: {  	[sflag:s13] =	ssyncadd.s32 $0xFFFFE700  }
0x55: {  	_ =	swait.ge [sflag:s13], $0x1900  }
0x56: {  	[sflag:s13] =	ssyncset.done $0x0  }
0x57: {  	[sflag:s13] =	ssyncadd.s32 $0xFFFFE700  }
0x58: {  	_ =	swait.ge [sflag:s13], $0x1900  }
0x59: {  	[sflag:s13] =	ssyncset.done $0x0  }
0x5a: {  	[sflag:s13] =	ssyncadd.s32 $0xFFFFE700  }
0x5b: {  	_ =	swait.ge [sflag:s13], $0x1900  }
0x5c: {  	[sflag:s13] =	ssyncset.done $0x0  }
0x5d: {  	s11 =	rddreg [dreg:$0x6];
	[sflag:s13] =	ssyncadd.s32 $0xFFFFE700  }
0x5e: {  	[hbm4b:s11+s3] =	stream.linear.scatter [tilespmem:s25], [sflag:$0x6], $0x1900, $0x38;
	v63 =	vld [tilespmem:$0x0]  }
0x5f: {  	s12 =	sadd.s32 $0x380, s11  }
0x60: {  	[hbm4b:s12+s3] =	stream.linear.scatter [tilespmem:s28], [sflag:$0x6], $0x1900, $0x38;
	v63 =	vld [tilespmem:$0x0]  }
0x61: {  	s14 =	sadd.s32 $0x700, s11  }
0x62: {  	[hbm4b:s14+s3] =	stream.linear.scatter [tilespmem:s30], [sflag:$0x6], $0x1900, $0x38;
	v63 =	vld [tilespmem:$0x0]  }
0x63: {  	s11 =	sadd.s32 $0xA80, s11  }
0x64: {  	[hbm4b:s11+s3] =	stream.linear.scatter [tilespmem:s1], [sflag:$0x6], $0x1900, $0x38;
	v63 =	vld [tilespmem:$0x0]  }
0x65: {  	_ =	swait.ge [sflag:s15], $0x6400  }
0x66: {  	[sflag:s15] =	ssyncset.done $0x0  }
0x67: {  	s12 =	simm.s32 $0x800;
	[sflag:s15] =	ssyncadd.s32 $0xFFFF9C00  }
0x68: {  	[tilespmem:s17], [sflag:$0x1] =	stream.indirect.gather [hbm4b:s2+s16], $0x80, s12, s16, $0xb8;
	v63 =	vld [tilespmem:$0x0]  }
0x69: {  	s14 =	simm.s32 $0x880  }
0x6a: {  	[tilespmem:s19], [sflag:$0x1] =	stream.indirect.gather [hbm4b:s2+s16], $0x80, s14, s16, $0xb8;
	v63 =	vld [tilespmem:$0x0]  }
0x6b: {  	s11 =	simm.s32 $0x900  }
0x6c: {  	[tilespmem:s21], [sflag:$0x1] =	stream.indirect.gather [hbm4b:s2+s16], $0x80, s11, s16, $0xb8;
	v63 =	vld [tilespmem:$0x0]  }
0x6d: {  	s12 =	simm.s32 $0x980  }
0x6e: {  	[tilespmem:s23], [sflag:$0x1] =	stream.indirect.gather [hbm4b:s2+s16], $0x80, s12, s16, $0xb8;
	v63 =	vld [tilespmem:$0x0]  }
0x6f: {  	_ =	swait.ge [sflag:s6], $0x1900  }
0x70: {  	[sflag:s6] =	ssyncset.done $0x0  }
0x71: {  	[sflag:s6] =	ssyncadd.s32 $0xFFFFE700  }
0x72: {  	_ =	swait.ge [sflag:s6], $0x1900  }
0x73: {  	[sflag:s6] =	ssyncset.done $0x0  }
0x74: {  	[sflag:s6] =	ssyncadd.s32 $0xFFFFE700  }
0x75: {  	_ =	swait.ge [sflag:s6], $0x1900  }
0x76: {  	[sflag:s6] =	ssyncset.done $0x0  }
0x77: {  	[sflag:s6] =	ssyncadd.s32 $0xFFFFE700  }
0x78: {  	_ =	swait.ge [sflag:s6], $0x1900  }
0x79: {  	[sflag:s6] =	ssyncset.done $0x0  }
0x7a: {  	s11 =	rddreg [dreg:$0x7];
	[sflag:s6] =	ssyncadd.s32 $0xFFFFE700  }
0x7b: {  	[hbm4b:s11+s3] =	stream.linear.scatter [tilespmem:s18], [sflag:$0x7], $0x1900, $0x38;
	v63 =	vld [tilespmem:$0x0]  }
0x7c: {  	s14 =	sadd.s32 $0x380, s11  }
0x7d: {  	[hbm4b:s14+s3] =	stream.linear.scatter [tilespmem:s22], [sflag:$0x7], $0x1900, $0x38;
	v63 =	vld [tilespmem:$0x0]  }
0x7e: {  	s12 =	sadd.s32 $0x700, s11  }
0x7f: {  	[hbm4b:s12+s3] =	stream.linear.scatter [tilespmem:s26], [sflag:$0x7], $0x1900, $0x38;
	v63 =	vld [tilespmem:$0x0]  }
0x80: {  	s14 =	sadd.s32 $0xA80, s11  }
0x81: {  	[hbm4b:s14+s3] =	stream.linear.scatter [tilespmem:s31], [sflag:$0x7], $0x1900, $0x38;
	v63 =	vld [tilespmem:$0x0]  }
0x82: {  	_ =	swait.ge [sflag:s7], $0x6400  }
0x83: {  	[sflag:s7] =	ssyncset.done $0x0  }
0x84: {  	s11 =	simm.s32 $0xA00;
	[sflag:s7] =	ssyncadd.s32 $0xFFFF9C00  }
0x85: {  	[tilespmem:s25], [sflag:$0x2] =	stream.indirect.gather [hbm4b:s2+s16], $0x80, s11, s16, $0xb8;
	v63 =	vld [tilespmem:$0x0]  }
0x86: {  	s12 =	simm.s32 $0xA80  }
0x87: {  	[tilespmem:s28], [sflag:$0x2] =	stream.indirect.gather [hbm4b:s2+s16], $0x80, s12, s16, $0xb8;
	v63 =	vld [tilespmem:$0x0]  }
0x88: {  	s14 =	simm.s32 $0xB00  }
0x89: {  	[tilespmem:s30], [sflag:$0x2] =	stream.indirect.gather [hbm4b:s2+s16], $0x80, s14, s16, $0xb8;
	v63 =	vld [tilespmem:$0x0]  }
0x8a: {  	s11 =	simm.s32 $0xB80  }
0x8b: {  	[tilespmem:s1], [sflag:$0x2] =	stream.indirect.gather [hbm4b:s2+s16], $0x80, s11, s16, $0xb8;
	v63 =	vld [tilespmem:$0x0]  }
0x8c: {  	_ =	swait.ge [sflag:s8], $0x1900  }
0x8d: {  	[sflag:s8] =	ssyncset.done $0x0  }
0x8e: {  	[sflag:s8] =	ssyncadd.s32 $0xFFFFE700  }
0x8f: {  	_ =	swait.ge [sflag:s8], $0x1900  }
0x90: {  	[sflag:s8] =	ssyncset.done $0x0  }
0x91: {  	[sflag:s8] =	ssyncadd.s32 $0xFFFFE700  }
0x92: {  	_ =	swait.ge [sflag:s8], $0x1900  }
0x93: {  	[sflag:s8] =	ssyncset.done $0x0  }
0x94: {  	[sflag:s8] =	ssyncadd.s32 $0xFFFFE700  }
0x95: {  	_ =	swait.ge [sflag:s8], $0x1900  }
0x96: {  	[sflag:s8] =	ssyncset.done $0x0  }
0x97: {  	s11 =	rddreg [dreg:$0x8];
	[sflag:s8] =	ssyncadd.s32 $0xFFFFE700  }
0x98: {  	[hbm4b:s11+s3] =	stream.linear.scatter [tilespmem:s24], [sflag:$0x8], $0x1900, $0x38;
	v63 =	vld [tilespmem:$0x0]  }
0x99: {  	s12 =	sadd.s32 $0x380, s11  }
0x9a: {  	[hbm4b:s12+s3] =	stream.linear.scatter [tilespmem:s20], [sflag:$0x8], $0x1900, $0x38;
	v63 =	vld [tilespmem:$0x0]  }
0x9b: {  	s14 =	sadd.s32 $0x700, s11  }
0x9c: {  	[hbm4b:s14+s3] =	stream.linear.scatter [tilespmem:s29], [sflag:$0x8], $0x1900, $0x38;
	v63 =	vld [tilespmem:$0x0]  }
0x9d: {  	s12 =	sadd.s32 $0xA80, s11  }
0x9e: {  	[hbm4b:s12+s3] =	stream.linear.scatter [tilespmem:s5], [sflag:$0x8], $0x1900, $0x38;
	v63 =	vld [tilespmem:$0x0]  }
0x9f: {  	_ =	swait.ge [sflag:s9], $0x6400  }
0xa0: {  	[sflag:s9] =	ssyncset.done $0x0  }
0xa1: {  	s14 =	simm.s32 $0xC00;
	[sflag:s9] =	ssyncadd.s32 $0xFFFF9C00  }
0xa2: {  	[tilespmem:s18], [sflag:$0x3] =	stream.indirect.gather [hbm4b:s2+s16], $0x80, s14, s16, $0xb8;
	v63 =	vld [tilespmem:$0x0]  }
0xa3: {  	s11 =	simm.s32 $0xC80  }
0xa4: {  	[tilespmem:s22], [sflag:$0x3] =	stream.indirect.gather [hbm4b:s2+s16], $0x80, s11, s16, $0xb8;
	v63 =	vld [tilespmem:$0x0]  }
0xa5: {  	s12 =	simm.s32 $0xD00  }
0xa6: {  	[tilespmem:s26], [sflag:$0x3] =	stream.indirect.gather [hbm4b:s2+s16], $0x80, s12, s16, $0xb8;
	v63 =	vld [tilespmem:$0x0]  }
0xa7: {  	s14 =	simm.s32 $0xD80  }
0xa8: {  	[tilespmem:s31], [sflag:$0x3] =	stream.indirect.gather [hbm4b:s2+s16], $0x80, s14, s16, $0xb8;
	v63 =	vld [tilespmem:$0x0]  }
0xa9: {  	_ =	swait.ge [sflag:s0], $0x1900  }
0xaa: {  	[sflag:s0] =	ssyncset.done $0x0  }
0xab: {  	[sflag:s0] =	ssyncadd.s32 $0xFFFFE700  }
0xac: {  	_ =	swait.ge [sflag:s0], $0x1900  }
0xad: {  	[sflag:s0] =	ssyncset.done $0x0  }
0xae: {  	[sflag:s0] =	ssyncadd.s32 $0xFFFFE700  }
0xaf: {  	_ =	swait.ge [sflag:s0], $0x1900  }
0xb0: {  	[sflag:s0] =	ssyncset.done $0x0  }
0xb1: {  	[sflag:s0] =	ssyncadd.s32 $0xFFFFE700  }
0xb2: {  	_ =	swait.ge [sflag:s0], $0x1900  }
0xb3: {  	[sflag:s0] =	ssyncset.done $0x0  }
0xb4: {  	s14 =	rddreg [dreg:$0xe];
	[sflag:s0] =	ssyncadd.s32 $0xFFFFE700  }
0xb5: {  	[hbm4b:s14+s3] =	stream.linear.scatter [tilespmem:s17], [sflag:$0x5], $0x1900, $0x38;
	v63 =	vld [tilespmem:$0x0]  }
0xb6: {  	s11 =	sadd.s32 $0x380, s14  }
0xb7: {  	[hbm4b:s11+s3] =	stream.linear.scatter [tilespmem:s19], [sflag:$0x5], $0x1900, $0x38;
	v63 =	vld [tilespmem:$0x0]  }
0xb8: {  	s12 =	sadd.s32 $0x700, s14  }
0xb9: {  	[hbm4b:s12+s3] =	stream.linear.scatter [tilespmem:s21], [sflag:$0x5], $0x1900, $0x38;
	v63 =	vld [tilespmem:$0x0]  }
0xba: {  	s11 =	sadd.s32 $0xA80, s14  }
0xbb: {  	[hbm4b:s11+s3] =	stream.linear.scatter [tilespmem:s23], [sflag:$0x5], $0x1900, $0x38;
	v63 =	vld [tilespmem:$0x0]  }
0xbc: {  	_ =	swait.ge [sflag:s10], $0x6400  }
0xbd: {  	[sflag:s10] =	ssyncset.done $0x0  }
0xbe: {  	s12 =	simm.s32 $0xE00;
	[sflag:s10] =	ssyncadd.s32 $0xFFFF9C00  }
0xbf: {  	[tilespmem:s24], [sflag:$0x4] =	stream.indirect.gather [hbm4b:s2+s16], $0x80, s12, s16, $0xb8;
	v63 =	vld [tilespmem:$0x0]  }
0xc0: {  	s11 =	simm.s32 $0xE80  }
0xc1: {  	[tilespmem:s20], [sflag:$0x4] =	stream.indirect.gather [hbm4b:s2+s16], $0x80, s11, s16, $0xb8;
	v63 =	vld [tilespmem:$0x0]  }
0xc2: {  	s12 =	simm.s32 $0xF00  }
0xc3: {  	[tilespmem:s29], [sflag:$0x4] =	stream.indirect.gather [hbm4b:s2+s16], $0x80, s12, s16, $0xb8;
	v63 =	vld [tilespmem:$0x0]  }
0xc4: {  	s11 =	simm.s32 $0xF80  }
0xc5: {  	[tilespmem:s5], [sflag:$0x4] =	stream.indirect.gather [hbm4b:s2+s16], $0x80, s11, s16, $0xb8;
	v63 =	vld [tilespmem:$0x0]  }
0xc6: {  	_ =	swait.ge [sflag:s13], $0x1900  }
0xc7: {  	[sflag:s13] =	ssyncset.done $0x0  }
0xc8: {  	[sflag:s13] =	ssyncadd.s32 $0xFFFFE700  }
0xc9: {  	_ =	swait.ge [sflag:s13], $0x1900  }
0xca: {  	[sflag:s13] =	ssyncset.done $0x0  }
0xcb: {  	[sflag:s13] =	ssyncadd.s32 $0xFFFFE700  }
0xcc: {  	_ =	swait.ge [sflag:s13], $0x1900  }
0xcd: {  	[sflag:s13] =	ssyncset.done $0x0  }
0xce: {  	[sflag:s13] =	ssyncadd.s32 $0xFFFFE700  }
0xcf: {  	_ =	swait.ge [sflag:s13], $0x1900  }
0xd0: {  	[sflag:s13] =	ssyncset.done $0x0  }
0xd1: {  	s12 =	sadd.s32 $0xE00, s14;
	[sflag:s13] =	ssyncadd.s32 $0xFFFFE700  }
0xd2: {  	[hbm4b:s12+s3] =	stream.linear.scatter [tilespmem:s25], [sflag:$0x6], $0x1900, $0x38;
	v63 =	vld [tilespmem:$0x0]  }
0xd3: {  	s11 =	sadd.s32 $0x1180, s14  }
0xd4: {  	[hbm4b:s11+s3] =	stream.linear.scatter [tilespmem:s28], [sflag:$0x6], $0x1900, $0x38;
	v63 =	vld [tilespmem:$0x0]  }
0xd5: {  	s12 =	sadd.s32 $0x1500, s14  }
0xd6: {  	[hbm4b:s12+s3] =	stream.linear.scatter [tilespmem:s30], [sflag:$0x6], $0x1900, $0x38;
	v63 =	vld [tilespmem:$0x0]  }
0xd7: {  	s11 =	sadd.s32 $0x1880, s14  }
0xd8: {  	[hbm4b:s11+s3] =	stream.linear.scatter [tilespmem:s1], [sflag:$0x6], $0x1900, $0x38;
	v63 =	vld [tilespmem:$0x0]  }
0xd9: {  	_ =	swait.ge [sflag:s15], $0x6400  }
0xda: {  	[sflag:s15] =	ssyncset.done $0x0  }
0xdb: {  	s12 =	simm.s32 $0x1000;
	[sflag:s15] =	ssyncadd.s32 $0xFFFF9C00  }
0xdc: {  	[tilespmem:s17], [sflag:$0x1] =	stream.indirect.gather [hbm4b:s2+s16], $0x80, s12, s16, $0xb8;
	v63 =	vld [tilespmem:$0x0]  }
0xdd: {  	s11 =	simm.s32 $0x1080  }
0xde: {  	[tilespmem:s19], [sflag:$0x1] =	stream.indirect.gather [hbm4b:s2+s16], $0x80, s11, s16, $0xb8;
	v63 =	vld [tilespmem:$0x0]  }
0xdf: {  	s12 =	simm.s32 $0x1100  }
0xe0: {  	[tilespmem:s21], [sflag:$0x1] =	stream.indirect.gather [hbm4b:s2+s16], $0x80, s12, s16, $0xb8;
	v63 =	vld [tilespmem:$0x0]  }
0xe1: {  	s11 =	simm.s32 $0x1180  }
0xe2: {  	[tilespmem:s23], [sflag:$0x1] =	stream.indirect.gather [hbm4b:s2+s16], $0x80, s11, s16, $0xb8;
	v63 =	vld [tilespmem:$0x0]  }
0xe3: {  	_ =	swait.ge [sflag:s6], $0x1900  }
0xe4: {  	[sflag:s6] =	ssyncset.done $0x0  }
0xe5: {  	[sflag:s6] =	ssyncadd.s32 $0xFFFFE700  }
0xe6: {  	_ =	swait.ge [sflag:s6], $0x1900  }
0xe7: {  	[sflag:s6] =	ssyncset.done $0x0  }
0xe8: {  	[sflag:s6] =	ssyncadd.s32 $0xFFFFE700  }
0xe9: {  	_ =	swait.ge [sflag:s6], $0x1900  }
0xea: {  	[sflag:s6] =	ssyncset.done $0x0  }
0xeb: {  	[sflag:s6] =	ssyncadd.s32 $0xFFFFE700  }
0xec: {  	_ =	swait.ge [sflag:s6], $0x1900  }
0xed: {  	[sflag:s6] =	ssyncset.done $0x0  }
0xee: {  	s12 =	sadd.s32 $0x1C00, s14;
	[sflag:s6] =	ssyncadd.s32 $0xFFFFE700  }
0xef: {  	[hbm4b:s12+s3] =	stream.linear.scatter [tilespmem:s18], [sflag:$0x7], $0x1900, $0x38;
	v63 =	vld [tilespmem:$0x0]  }
0xf0: {  	s11 =	sadd.s32 $0x1F80, s14  }
0xf1: {  	[hbm4b:s11+s3] =	stream.linear.scatter [tilespmem:s22], [sflag:$0x7], $0x1900, $0x38;
	v63 =	vld [tilespmem:$0x0]  }
0xf2: {  	s12 =	sadd.s32 $0x2300, s14  }
0xf3: {  	[hbm4b:s12+s3] =	stream.linear.scatter [tilespmem:s26], [sflag:$0x7], $0x1900, $0x38;
	v63 =	vld [tilespmem:$0x0]  }
0xf4: {  	s11 =	sadd.s32 $0x2680, s14  }
0xf5: {  	[hbm4b:s11+s3] =	stream.linear.scatter [tilespmem:s31], [sflag:$0x7], $0x1900, $0x38;
	v63 =	vld [tilespmem:$0x0]  }
0xf6: {  	_ =	swait.ge [sflag:s7], $0x6400  }
0xf7: {  	[sflag:s7] =	ssyncset.done $0x0  }
0xf8: {  	s12 =	simm.s32 $0x1200;
	[sflag:s7] =	ssyncadd.s32 $0xFFFF9C00  }
0xf9: {  	[tilespmem:s25], [sflag:$0x2] =	stream.indirect.gather [hbm4b:s2+s16], $0x80, s12, s16, $0xb8;
	v63 =	vld [tilespmem:$0x0]  }
0xfa: {  	s11 =	simm.s32 $0x1280  }
0xfb: {  	[tilespmem:s28], [sflag:$0x2] =	stream.indirect.gather [hbm4b:s2+s16], $0x80, s11, s16, $0xb8;
	v63 =	vld [tilespmem:$0x0]  }
0xfc: {  	s12 =	simm.s32 $0x1300  }
0xfd: {  	[tilespmem:s30], [sflag:$0x2] =	stream.indirect.gather [hbm4b:s2+s16], $0x80, s12, s16, $0xb8;
	v63 =	vld [tilespmem:$0x0]  }
0xfe: {  	s11 =	simm.s32 $0x1380  }
0xff: {  	[tilespmem:s1], [sflag:$0x2] =	stream.indirect.gather [hbm4b:s2+s16], $0x80, s11, s16, $0xb8;
	v63 =	vld [tilespmem:$0x0]  }
0x100: {  	_ =	swait.ge [sflag:s8], $0x1900  }
0x101: {  	[sflag:s8] =	ssyncset.done $0x0  }
0x102: {  	[sflag:s8] =	ssyncadd.s32 $0xFFFFE700  }
0x103: {  	_ =	swait.ge [sflag:s8], $0x1900  }
0x104: {  	[sflag:s8] =	ssyncset.done $0x0  }
0x105: {  	[sflag:s8] =	ssyncadd.s32 $0xFFFFE700  }
0x106: {  	_ =	swait.ge [sflag:s8], $0x1900  }
0x107: {  	[sflag:s8] =	ssyncset.done $0x0  }
0x108: {  	[sflag:s8] =	ssyncadd.s32 $0xFFFFE700  }
0x109: {  	_ =	swait.ge [sflag:s8], $0x1900  }
0x10a: {  	[sflag:s8] =	ssyncset.done $0x0  }
0x10b: {  	s12 =	sadd.s32 $0x2A00, s14;
	[sflag:s8] =	ssyncadd.s32 $0xFFFFE700  }
0x10c: {  	[hbm4b:s12+s3] =	stream.linear.scatter [tilespmem:s24], [sflag:$0x8], $0x1900, $0x38;
	v63 =	vld [tilespmem:$0x0]  }
0x10d: {  	s11 =	sadd.s32 $0x2D80, s14  }
0x10e: {  	[hbm4b:s11+s3] =	stream.linear.scatter [tilespmem:s20], [sflag:$0x8], $0x1900, $0x38;
	v63 =	vld [tilespmem:$0x0]  }
0x10f: {  	s12 =	sadd.s32 $0x3100, s14  }
0x110: {  	[hbm4b:s12+s3] =	stream.linear.scatter [tilespmem:s29], [sflag:$0x8], $0x1900, $0x38;
	v63 =	vld [tilespmem:$0x0]  }
0x111: {  	s4 =	sadd.s32 $0x3800, s14;
	s11 =	sadd.s32 $0x3480, s14;
	s12 =	simm.s32 $0x2000  }
.LBB2_2:
0x112: {  	[hbm4b:s11+s3] =	stream.linear.scatter [tilespmem:s5], [sflag:$0x8], $0x1900, $0x38;
	v63 =	vld [tilespmem:$0x0]  }
0x113: {  	s11 =	smov.u32 s12  }
0x114: {  	p0 =	sne.s32 s12, $0xA000;
	s12 =	sadd.s32 $0x2000, s12;
	_ =	swait.ge [sflag:s9], $0x6400  }
0x115: {  	s11 =	sshra.s32 s11, $0x2;
	[sflag:s9] =	ssyncset.done $0x0  }
0x116: {  	s14 =	sadd.s32 $0xC00, s11;
	[sflag:s9] =	ssyncadd.s32 $0xFFFF9C00  }
0x117: {  	[tilespmem:s18], [sflag:$0x3] =	stream.indirect.gather [hbm4b:s2+s16], $0x80, s14, s16, $0xb8;
	v63 =	vld [tilespmem:$0x0]  }
0x118: {  	s14 =	sadd.s32 $0xC80, s11  }
0x119: {  	[tilespmem:s22], [sflag:$0x3] =	stream.indirect.gather [hbm4b:s2+s16], $0x80, s14, s16, $0xb8;
	v63 =	vld [tilespmem:$0x0]  }
0x11a: {  	s14 =	sadd.s32 $0xD00, s11  }
0x11b: {  	[tilespmem:s26], [sflag:$0x3] =	stream.indirect.gather [hbm4b:s2+s16], $0x80, s14, s16, $0xb8;
	v63 =	vld [tilespmem:$0x0]  }
0x11c: {  	s14 =	sadd.s32 $0xD80, s11  }
0x11d: {  	[tilespmem:s31], [sflag:$0x3] =	stream.indirect.gather [hbm4b:s2+s16], $0x80, s14, s16, $0xb8;
	v63 =	vld [tilespmem:$0x0]  }
0x11e: {  	_ =	swait.ge [sflag:s0], $0x1900  }
0x11f: {  	[sflag:s0] =	ssyncset.done $0x0  }
0x120: {  	[sflag:s0] =	ssyncadd.s32 $0xFFFFE700  }
0x121: {  	_ =	swait.ge [sflag:s0], $0x1900  }
0x122: {  	[sflag:s0] =	ssyncset.done $0x0  }
0x123: {  	[sflag:s0] =	ssyncadd.s32 $0xFFFFE700  }
0x124: {  	_ =	swait.ge [sflag:s0], $0x1900  }
0x125: {  	[sflag:s0] =	ssyncset.done $0x0  }
0x126: {  	[sflag:s0] =	ssyncadd.s32 $0xFFFFE700  }
0x127: {  	_ =	swait.ge [sflag:s0], $0x1900  }
0x128: {  	[sflag:s0] =	ssyncset.done $0x0  }
0x129: {  	[sflag:s0] =	ssyncadd.s32 $0xFFFFE700  }
0x12a: {  	[hbm4b:s4+s3] =	stream.linear.scatter [tilespmem:s17], [sflag:$0x5], $0x1900, $0x38;
	v63 =	vld [tilespmem:$0x0]  }
0x12b: {  	s14 =	sadd.s32 $0x380, s4  }
0x12c: {  	[hbm4b:s14+s3] =	stream.linear.scatter [tilespmem:s19], [sflag:$0x5], $0x1900, $0x38;
	v63 =	vld [tilespmem:$0x0]  }
0x12d: {  	s14 =	sadd.s32 $0x700, s4  }
0x12e: {  	[hbm4b:s14+s3] =	stream.linear.scatter [tilespmem:s21], [sflag:$0x5], $0x1900, $0x38;
	v63 =	vld [tilespmem:$0x0]  }
0x12f: {  	s14 =	sadd.s32 $0xA80, s4  }
0x130: {  	[hbm4b:s14+s3] =	stream.linear.scatter [tilespmem:s23], [sflag:$0x5], $0x1900, $0x38;
	v63 =	vld [tilespmem:$0x0]  }
0x131: {  	_ =	swait.ge [sflag:s10], $0x6400  }
0x132: {  	[sflag:s10] =	ssyncset.done $0x0  }
0x133: {  	s14 =	sadd.s32 $0xE00, s11;
	[sflag:s10] =	ssyncadd.s32 $0xFFFF9C00  }
0x134: {  	[tilespmem:s24], [sflag:$0x4] =	stream.indirect.gather [hbm4b:s2+s16], $0x80, s14, s16, $0xb8;
	v63 =	vld [tilespmem:$0x0]  }
0x135: {  	s14 =	sadd.s32 $0xE80, s11  }
0x136: {  	[tilespmem:s20], [sflag:$0x4] =	stream.indirect.gather [hbm4b:s2+s16], $0x80, s14, s16, $0xb8;
	v63 =	vld [tilespmem:$0x0]  }
0x137: {  	s14 =	sadd.s32 $0xF00, s11  }
0x138: {  	[tilespmem:s29], [sflag:$0x4] =	stream.indirect.gather [hbm4b:s2+s16], $0x80, s14, s16, $0xb8;
	v63 =	vld [tilespmem:$0x0]  }
0x139: {  	s14 =	sadd.s32 $0xF80, s11  }
0x13a: {  	[tilespmem:s5], [sflag:$0x4] =	stream.indirect.gather [hbm4b:s2+s16], $0x80, s14, s16, $0xb8;
	v63 =	vld [tilespmem:$0x0]  }
0x13b: {  	_ =	swait.ge [sflag:s13], $0x1900  }
0x13c: {  	[sflag:s13] =	ssyncset.done $0x0  }
0x13d: {  	[sflag:s13] =	ssyncadd.s32 $0xFFFFE700  }
0x13e: {  	_ =	swait.ge [sflag:s13], $0x1900  }
0x13f: {  	[sflag:s13] =	ssyncset.done $0x0  }
0x140: {  	[sflag:s13] =	ssyncadd.s32 $0xFFFFE700  }
0x141: {  	_ =	swait.ge [sflag:s13], $0x1900  }
0x142: {  	[sflag:s13] =	ssyncset.done $0x0  }
0x143: {  	[sflag:s13] =	ssyncadd.s32 $0xFFFFE700  }
0x144: {  	_ =	swait.ge [sflag:s13], $0x1900  }
0x145: {  	[sflag:s13] =	ssyncset.done $0x0  }
0x146: {  	s14 =	sadd.s32 $0xE00, s4;
	[sflag:s13] =	ssyncadd.s32 $0xFFFFE700  }
0x147: {  	[hbm4b:s14+s3] =	stream.linear.scatter [tilespmem:s25], [sflag:$0x6], $0x1900, $0x38;
	v63 =	vld [tilespmem:$0x0]  }
0x148: {  	s14 =	sadd.s32 $0x1180, s4  }
0x149: {  	[hbm4b:s14+s3] =	stream.linear.scatter [tilespmem:s28], [sflag:$0x6], $0x1900, $0x38;
	v63 =	vld [tilespmem:$0x0]  }
0x14a: {  	s14 =	sadd.s32 $0x1500, s4  }
0x14b: {  	[hbm4b:s14+s3] =	stream.linear.scatter [tilespmem:s30], [sflag:$0x6], $0x1900, $0x38;
	v63 =	vld [tilespmem:$0x0]  }
0x14c: {  	s14 =	sadd.s32 $0x1880, s4  }
0x14d: {  	[hbm4b:s14+s3] =	stream.linear.scatter [tilespmem:s1], [sflag:$0x6], $0x1900, $0x38;
	v63 =	vld [tilespmem:$0x0]  }
0x14e: {  	_ =	swait.ge [sflag:s15], $0x6400  }
0x14f: {  	[sflag:s15] =	ssyncset.done $0x0  }
0x150: {  	s14 =	sadd.s32 $0x1000, s11;
	[sflag:s15] =	ssyncadd.s32 $0xFFFF9C00  }
0x151: {  	[tilespmem:s17], [sflag:$0x1] =	stream.indirect.gather [hbm4b:s2+s16], $0x80, s14, s16, $0xb8;
	v63 =	vld [tilespmem:$0x0]  }
0x152: {  	s14 =	sadd.s32 $0x1080, s11  }
0x153: {  	[tilespmem:s19], [sflag:$0x1] =	stream.indirect.gather [hbm4b:s2+s16], $0x80, s14, s16, $0xb8;
	v63 =	vld [tilespmem:$0x0]  }
0x154: {  	s14 =	sadd.s32 $0x1100, s11  }
0x155: {  	[tilespmem:s21], [sflag:$0x1] =	stream.indirect.gather [hbm4b:s2+s16], $0x80, s14, s16, $0xb8;
	v63 =	vld [tilespmem:$0x0]  }
0x156: {  	s14 =	sadd.s32 $0x1180, s11  }
0x157: {  	[tilespmem:s23], [sflag:$0x1] =	stream.indirect.gather [hbm4b:s2+s16], $0x80, s14, s16, $0xb8;
	v63 =	vld [tilespmem:$0x0]  }
0x158: {  	_ =	swait.ge [sflag:s6], $0x1900  }
0x159: {  	[sflag:s6] =	ssyncset.done $0x0  }
0x15a: {  	[sflag:s6] =	ssyncadd.s32 $0xFFFFE700  }
0x15b: {  	_ =	swait.ge [sflag:s6], $0x1900  }
0x15c: {  	[sflag:s6] =	ssyncset.done $0x0  }
0x15d: {  	[sflag:s6] =	ssyncadd.s32 $0xFFFFE700  }
0x15e: {  	_ =	swait.ge [sflag:s6], $0x1900  }
0x15f: {  	[sflag:s6] =	ssyncset.done $0x0  }
0x160: {  	[sflag:s6] =	ssyncadd.s32 $0xFFFFE700  }
0x161: {  	_ =	swait.ge [sflag:s6], $0x1900  }
0x162: {  	[sflag:s6] =	ssyncset.done $0x0  }
0x163: {  	s14 =	sadd.s32 $0x1C00, s4;
	[sflag:s6] =	ssyncadd.s32 $0xFFFFE700  }
0x164: {  	[hbm4b:s14+s3] =	stream.linear.scatter [tilespmem:s18], [sflag:$0x7], $0x1900, $0x38;
	v63 =	vld [tilespmem:$0x0]  }
0x165: {  	s14 =	sadd.s32 $0x1F80, s4  }
0x166: {  	[hbm4b:s14+s3] =	stream.linear.scatter [tilespmem:s22], [sflag:$0x7], $0x1900, $0x38;
	v63 =	vld [tilespmem:$0x0]  }
0x167: {  	s14 =	sadd.s32 $0x2300, s4  }
0x168: {  	[hbm4b:s14+s3] =	stream.linear.scatter [tilespmem:s26], [sflag:$0x7], $0x1900, $0x38;
	v63 =	vld [tilespmem:$0x0]  }
0x169: {  	s14 =	sadd.s32 $0x2680, s4  }
0x16a: {  	[hbm4b:s14+s3] =	stream.linear.scatter [tilespmem:s31], [sflag:$0x7], $0x1900, $0x38;
	v63 =	vld [tilespmem:$0x0]  }
0x16b: {  	_ =	swait.ge [sflag:s7], $0x6400  }
0x16c: {  	[sflag:s7] =	ssyncset.done $0x0  }
0x16d: {  	s14 =	sadd.s32 $0x1200, s11;
	[sflag:s7] =	ssyncadd.s32 $0xFFFF9C00  }
0x16e: {  	[tilespmem:s25], [sflag:$0x2] =	stream.indirect.gather [hbm4b:s2+s16], $0x80, s14, s16, $0xb8;
	v63 =	vld [tilespmem:$0x0]  }
0x16f: {  	s14 =	sadd.s32 $0x1280, s11  }
0x170: {  	[tilespmem:s28], [sflag:$0x2] =	stream.indirect.gather [hbm4b:s2+s16], $0x80, s14, s16, $0xb8;
	v63 =	vld [tilespmem:$0x0]  }
0x171: {  	s14 =	sadd.s32 $0x1300, s11  }
0x172: {  	[tilespmem:s30], [sflag:$0x2] =	stream.indirect.gather [hbm4b:s2+s16], $0x80, s14, s16, $0xb8;
	v63 =	vld [tilespmem:$0x0]  }
0x173: {  	s11 =	sadd.s32 $0x1380, s11  }
0x174: {  	[tilespmem:s1], [sflag:$0x2] =	stream.indirect.gather [hbm4b:s2+s16], $0x80, s11, s16, $0xb8;
	v63 =	vld [tilespmem:$0x0]  }
0x175: {  	_ =	swait.ge [sflag:s8], $0x1900  }
0x176: {  	[sflag:s8] =	ssyncset.done $0x0  }
0x177: {  	[sflag:s8] =	ssyncadd.s32 $0xFFFFE700  }
0x178: {  	_ =	swait.ge [sflag:s8], $0x1900  }
0x179: {  	[sflag:s8] =	ssyncset.done $0x0  }
0x17a: {  	[sflag:s8] =	ssyncadd.s32 $0xFFFFE700  }
0x17b: {  	_ =	swait.ge [sflag:s8], $0x1900  }
0x17c: {  	[sflag:s8] =	ssyncset.done $0x0  }
0x17d: {  	[sflag:s8] =	ssyncadd.s32 $0xFFFFE700  }
0x17e: {  	_ =	swait.ge [sflag:s8], $0x1900  }
0x17f: {  	[sflag:s8] =	ssyncset.done $0x0  }
0x180: {  	s11 =	sadd.s32 $0x2A00, s4;
	[sflag:s8] =	ssyncadd.s32 $0xFFFFE700  }
0x181: {  	[hbm4b:s11+s3] =	stream.linear.scatter [tilespmem:s24], [sflag:$0x8], $0x1900, $0x38;
	v63 =	vld [tilespmem:$0x0]  }
.Ltmp0:
0x182: {  	s11 =	sadd.s32 $0x2D80, s4;
	(pc) =	sbr.rel @p0 .LBB2_2-.Ltmp0, $4  }
0x183: {  	[hbm4b:s11+s3] =	stream.linear.scatter [tilespmem:s20], [sflag:$0x8], $0x1900, $0x38;
	v63 =	vld [tilespmem:$0x0]  }
0x184: {  	s11 =	sadd.s32 $0x3100, s4  }
0x185: {  	[hbm4b:s11+s3] =	stream.linear.scatter [tilespmem:s29], [sflag:$0x8], $0x1900, $0x38;
	v63 =	vld [tilespmem:$0x0]  }
0x186: {  	s11 =	sadd.s32 $0x3480, s4;
	s4 =	sadd.s32 $0x3800, s4  }
0x187: {  	[hbm4b:s11+s3] =	stream.linear.scatter [tilespmem:s5], [sflag:$0x8], $0x1900, $0x38;
	v63 =	vld [tilespmem:$0x0]  }
0x188: {  	_ =	swait.ge [sflag:s9], $0x6400  }
0x189: {  	[sflag:s9] =	ssyncset.done $0x0  }
0x18a: {  	s4 =	simm.s32 $0x3C00;
	[sflag:s9] =	ssyncadd.s32 $0xFFFF9C00  }
0x18b: {  	[tilespmem:s18], [sflag:$0x3] =	stream.indirect.gather [hbm4b:s2+s16], $0x80, s4, s16, $0xb8;
	v63 =	vld [tilespmem:$0x0]  }
0x18c: {  	s14 =	simm.s32 $0x3C80  }
0x18d: {  	[tilespmem:s22], [sflag:$0x3] =	stream.indirect.gather [hbm4b:s2+s16], $0x80, s14, s16, $0xb8;
	v63 =	vld [tilespmem:$0x0]  }
0x18e: {  	s11 =	simm.s32 $0x3D00  }
0x18f: {  	[tilespmem:s26], [sflag:$0x3] =	stream.indirect.gather [hbm4b:s2+s16], $0x80, s11, s16, $0xb8;
	v63 =	vld [tilespmem:$0x0]  }
0x190: {  	s12 =	simm.s32 $0x3D80  }
0x191: {  	[tilespmem:s31], [sflag:$0x3] =	stream.indirect.gather [hbm4b:s2+s16], $0x80, s12, s16, $0xb8;
	v63 =	vld [tilespmem:$0x0]  }
0x192: {  	_ =	swait.ge [sflag:s0], $0x1900  }
0x193: {  	[sflag:s0] =	ssyncset.done $0x0  }
0x194: {  	[sflag:s0] =	ssyncadd.s32 $0xFFFFE700  }
0x195: {  	_ =	swait.ge [sflag:s0], $0x1900  }
0x196: {  	[sflag:s0] =	ssyncset.done $0x0  }
0x197: {  	[sflag:s0] =	ssyncadd.s32 $0xFFFFE700  }
0x198: {  	_ =	swait.ge [sflag:s0], $0x1900  }
0x199: {  	[sflag:s0] =	ssyncset.done $0x0  }
0x19a: {  	[sflag:s0] =	ssyncadd.s32 $0xFFFFE700  }
0x19b: {  	_ =	swait.ge [sflag:s0], $0x1900  }
0x19c: {  	[sflag:s0] =	ssyncset.done $0x0  }
0x19d: {  	s11 =	rddreg [dreg:$0x9];
	[sflag:s0] =	ssyncadd.s32 $0xFFFFE700  }
0x19e: {  	[hbm4b:s11+s3] =	stream.linear.scatter [tilespmem:s17], [sflag:$0x5], $0x1900, $0x38;
	v63 =	vld [tilespmem:$0x0]  }
0x19f: {  	s14 =	sadd.s32 $0x380, s11  }
0x1a0: {  	[hbm4b:s14+s3] =	stream.linear.scatter [tilespmem:s19], [sflag:$0x5], $0x1900, $0x38;
	v63 =	vld [tilespmem:$0x0]  }
0x1a1: {  	s12 =	sadd.s32 $0x700, s11  }
0x1a2: {  	[hbm4b:s12+s3] =	stream.linear.scatter [tilespmem:s21], [sflag:$0x5], $0x1900, $0x38;
	v63 =	vld [tilespmem:$0x0]  }
0x1a3: {  	s14 =	sadd.s32 $0xA80, s11  }
0x1a4: {  	[hbm4b:s14+s3] =	stream.linear.scatter [tilespmem:s23], [sflag:$0x5], $0x1900, $0x38;
	v63 =	vld [tilespmem:$0x0]  }
0x1a5: {  	_ =	swait.ge [sflag:s10], $0x6400  }
0x1a6: {  	[sflag:s10] =	ssyncset.done $0x0  }
0x1a7: {  	s11 =	simm.s32 $0x3E00;
	[sflag:s10] =	ssyncadd.s32 $0xFFFF9C00  }
0x1a8: {  	[tilespmem:s24], [sflag:$0x4] =	stream.indirect.gather [hbm4b:s2+s16], $0x80, s11, s16, $0xb8;
	v63 =	vld [tilespmem:$0x0]  }
0x1a9: {  	s12 =	simm.s32 $0x3E80  }
0x1aa: {  	[tilespmem:s20], [sflag:$0x4] =	stream.indirect.gather [hbm4b:s2+s16], $0x80, s12, s16, $0xb8;
	v63 =	vld [tilespmem:$0x0]  }
0x1ab: {  	s14 =	simm.s32 $0x3F00  }
0x1ac: {  	[tilespmem:s29], [sflag:$0x4] =	stream.indirect.gather [hbm4b:s2+s16], $0x80, s14, s16, $0xb8;
	v63 =	vld [tilespmem:$0x0]  }
0x1ad: {  	s11 =	simm.s32 $0x3F80  }
0x1ae: {  	[tilespmem:s5], [sflag:$0x4] =	stream.indirect.gather [hbm4b:s2+s16], $0x80, s11, s16, $0xb8;
	v63 =	vld [tilespmem:$0x0]  }
0x1af: {  	_ =	swait.ge [sflag:s13], $0x1900  }
0x1b0: {  	[sflag:s13] =	ssyncset.done $0x0  }
0x1b1: {  	[sflag:s13] =	ssyncadd.s32 $0xFFFFE700  }
0x1b2: {  	_ =	swait.ge [sflag:s13], $0x1900  }
0x1b3: {  	[sflag:s13] =	ssyncset.done $0x0  }
0x1b4: {  	[sflag:s13] =	ssyncadd.s32 $0xFFFFE700  }
0x1b5: {  	_ =	swait.ge [sflag:s13], $0x1900  }
0x1b6: {  	[sflag:s13] =	ssyncset.done $0x0  }
0x1b7: {  	[sflag:s13] =	ssyncadd.s32 $0xFFFFE700  }
0x1b8: {  	_ =	swait.ge [sflag:s13], $0x1900  }
0x1b9: {  	[sflag:s13] =	ssyncset.done $0x0  }
0x1ba: {  	s11 =	rddreg [dreg:$0xa];
	[sflag:s13] =	ssyncadd.s32 $0xFFFFE700  }
0x1bb: {  	[hbm4b:s11+s3] =	stream.linear.scatter [tilespmem:s25], [sflag:$0x6], $0x1900, $0x38;
	v63 =	vld [tilespmem:$0x0]  }
0x1bc: {  	s12 =	sadd.s32 $0x380, s11  }
0x1bd: {  	[hbm4b:s12+s3] =	stream.linear.scatter [tilespmem:s28], [sflag:$0x6], $0x1900, $0x38;
	v63 =	vld [tilespmem:$0x0]  }
0x1be: {  	s14 =	sadd.s32 $0x700, s11  }
0x1bf: {  	[hbm4b:s14+s3] =	stream.linear.scatter [tilespmem:s30], [sflag:$0x6], $0x1900, $0x38;
	v63 =	vld [tilespmem:$0x0]  }
0x1c0: {  	s11 =	sadd.s32 $0xA80, s11  }
0x1c1: {  	[hbm4b:s11+s3] =	stream.linear.scatter [tilespmem:s1], [sflag:$0x6], $0x1900, $0x38;
	v63 =	vld [tilespmem:$0x0]  }
0x1c2: {  	_ =	swait.ge [sflag:s6], $0x1900  }
0x1c3: {  	[sflag:s6] =	ssyncset.done $0x0  }
0x1c4: {  	[sflag:s6] =	ssyncadd.s32 $0xFFFFE700  }
0x1c5: {  	_ =	swait.ge [sflag:s6], $0x1900  }
0x1c6: {  	[sflag:s6] =	ssyncset.done $0x0  }
0x1c7: {  	[sflag:s6] =	ssyncadd.s32 $0xFFFFE700  }
0x1c8: {  	_ =	swait.ge [sflag:s6], $0x1900  }
0x1c9: {  	[sflag:s6] =	ssyncset.done $0x0  }
0x1ca: {  	[sflag:s6] =	ssyncadd.s32 $0xFFFFE700  }
0x1cb: {  	_ =	swait.ge [sflag:s6], $0x1900  }
0x1cc: {  	[sflag:s6] =	ssyncset.done $0x0  }
0x1cd: {  	s11 =	rddreg [dreg:$0xb];
	[sflag:s6] =	ssyncadd.s32 $0xFFFFE700  }
0x1ce: {  	[hbm4b:s11+s3] =	stream.linear.scatter [tilespmem:s18], [sflag:$0x7], $0x1900, $0x38;
	v63 =	vld [tilespmem:$0x0]  }
0x1cf: {  	s12 =	sadd.s32 $0x380, s11  }
0x1d0: {  	[hbm4b:s12+s3] =	stream.linear.scatter [tilespmem:s22], [sflag:$0x7], $0x1900, $0x38;
	v63 =	vld [tilespmem:$0x0]  }
0x1d1: {  	s14 =	sadd.s32 $0x700, s11  }
0x1d2: {  	[hbm4b:s14+s3] =	stream.linear.scatter [tilespmem:s26], [sflag:$0x7], $0x1900, $0x38;
	v63 =	vld [tilespmem:$0x0]  }
0x1d3: {  	s11 =	sadd.s32 $0xA80, s11  }
0x1d4: {  	[hbm4b:s11+s3] =	stream.linear.scatter [tilespmem:s31], [sflag:$0x7], $0x1900, $0x38;
	v63 =	vld [tilespmem:$0x0]  }
0x1d5: {  	_ =	swait.ge [sflag:s8], $0x1900  }
0x1d6: {  	[sflag:s8] =	ssyncset.done $0x0  }
0x1d7: {  	[sflag:s8] =	ssyncadd.s32 $0xFFFFE700  }
0x1d8: {  	_ =	swait.ge [sflag:s8], $0x1900  }
0x1d9: {  	[sflag:s8] =	ssyncset.done $0x0  }
0x1da: {  	[sflag:s8] =	ssyncadd.s32 $0xFFFFE700  }
0x1db: {  	_ =	swait.ge [sflag:s8], $0x1900  }
0x1dc: {  	[sflag:s8] =	ssyncset.done $0x0  }
0x1dd: {  	[sflag:s8] =	ssyncadd.s32 $0xFFFFE700  }
0x1de: {  	_ =	swait.ge [sflag:s8], $0x1900  }
0x1df: {  	[sflag:s8] =	ssyncset.done $0x0  }
0x1e0: {  	s11 =	rddreg [dreg:$0xc];
	[sflag:s8] =	ssyncadd.s32 $0xFFFFE700  }
0x1e1: {  	[hbm4b:s11+s3] =	stream.linear.scatter [tilespmem:s24], [sflag:$0x8], $0x1900, $0x38;
	v63 =	vld [tilespmem:$0x0]  }
0x1e2: {  	s12 =	sadd.s32 $0x380, s11  }
0x1e3: {  	[hbm4b:s12+s3] =	stream.linear.scatter [tilespmem:s20], [sflag:$0x8], $0x1900, $0x38;
	v63 =	vld [tilespmem:$0x0]  }
0x1e4: {  	s14 =	sadd.s32 $0x700, s11  }
0x1e5: {  	[hbm4b:s14+s3] =	stream.linear.scatter [tilespmem:s29], [sflag:$0x8], $0x1900, $0x38;
	v63 =	vld [tilespmem:$0x0]  }
0x1e6: {  	s11 =	sadd.s32 $0xA80, s11  }
0x1e7: {  	[hbm4b:s11+s3] =	stream.linear.scatter [tilespmem:s5], [sflag:$0x8], $0x1900, $0x38;
	v63 =	vld [tilespmem:$0x0]  }
0x1e8: {  	_ =	swait.ge [sflag:s15], $0x6400  }
0x1e9: {  	[sflag:s15] =	ssyncset.done $0x0  }
0x1ea: {  	[sflag:s15] =	ssyncadd.s32 $0xFFFF9C00  }
0x1eb: {  	_ =	swait.ge [sflag:s7], $0x6400  }
0x1ec: {  	[sflag:s7] =	ssyncset.done $0x0  }
0x1ed: {  	[sflag:s7] =	ssyncadd.s32 $0xFFFF9C00  }
0x1ee: {  	_ =	swait.ge [sflag:s9], $0x6400  }
0x1ef: {  	[sflag:s9] =	ssyncset.done $0x0  }
0x1f0: {  	[sflag:s9] =	ssyncadd.s32 $0xFFFF9C00  }
0x1f1: {  	_ =	swait.ge [sflag:s10], $0x6400  }
0x1f2: {  	s12 =	rddreg [dreg:$0xf]  }
0x1f3: {  	s14 =	rddreg [dreg:$0xd];
	s11 =	sadd.s32 $0x1, s12  }
0x1f4: {  	p0 =	sne.s32 s11, s14  }
.Ltmp1:
0x1f5: {  	_ = 	snop;
	(pc) =	sbr.rel @p0 .LBB2_1-.Ltmp1, $3  }
0x1f6: {  	_ =	sdelay $0x1  }
0x1f7: {  	[sflag:s10] =	ssyncset.done $0x0  }
0x1f8: {  	[sflag:s10] =	ssyncadd.s32 $0xFFFF9C00  }
0x1f9: {  	_ =	sfence.sel $0x180000  }
0x1fa: {  	[bflag:$0x0] =	sbarrier.arrive $0xFFFF  }
0x1fb: {  	_ =	strace $0x90000047  }
0x1fc: {  	s0 =	stileid.u32;
	[bflag:$0x2] =	sbarrier.arrive $0xFFFF  }
0x1fd: {  	p0 =	sne.s32 s0, $0x0;
	s0 =	rddreg [dreg:$0x3]  }
0x1fe: {  	s0 =	sadd.s32 @!p0 $0x100000, s0  }
0x1ff: {  	[sflag:s0] =	ssyncadd.tile.s32 @!p0 $0x1;
	_ =	shalt  }
.Lfunc_end2:
_tile_overlayer_lowered:
.L_overlay_start_2:
0x200: {  	(tag) =	ssettag $0x2  }
0x201: {  	s0 =	rddreg [dreg:$0x0];
	s2 =	stileid.u32  }
0x202: {  	s1 =	rddreg [dreg:$0x1];
	p0 =	sne.s32 s2, $0x0  }
0x203: {  	s3 =	rddreg [dreg:$0x2];
	[bflag:$0x3] =	sbarrier.arrive $0xFFFF;
	s2 =	simm.s32 @!p0 $0x1C09  }
0x204: {  	[timem:s3], [sflag:s2] =	dma.local @!p0 [hbm:s0], s1  }
0x205: {  	s0 =	simm.s32 @!p0 $0x9  }
0x206: {  	_ =	swait.ge @!p0 [sflag:s0], s1  }
0x207: {  	s1 =	ssub.s32 @!p0 $0x0, s1;
	[sflag:s0] =	ssyncset.done @!p0 $0x0  }
0x208: {  	[sflag:s0] =	ssyncadd.s32 @!p0 s1  }
0x209: {  	[bflag:$0x3] =	sbarrier.arrive $0xFFFF  }
0x20a: {  	_ =	shalt  }

</sc_bundles>
